<compile_context>
chip_gen: v7x
topology: tpu7x:2x2x1
jax: 0.10.2.dev20260603
libtpu: 0.0.44.dev20260713+nightly
codegen_flags: <defaults>
</compile_context>

<pallas_src>
import jax
import jax.numpy as jnp
from jax import lax
from jax.experimental import pallas as pl
from jax.experimental.pallas import tpu as pltpu
from jax.experimental.pallas import tpu_sc as plsc

N_PTS = 100000
N_PAD = 100096
N_EDG = 6400000
NC = 2
NS = 16
NW = NC * NS
CHUNK = 4000
GRP = CHUNK // 16
NCHT = N_EDG // CHUNK
CH_LO = NCHT // NW
CH_EX = NCHT - CH_LO * NW
ROWS_T = N_PAD // NS

_MAGIC = 0x5F3759DF


def _sc_body(ei_ref, cf_ref, cx_ref, cy_ref, cz_ref, zs_ref, dens_ref,
             px_ref, py_ref, pz_ref,
             csx, csy, csz, ax, ay, az,
             aiv, biv, cfv, gax, gay, gaz, gbx, gby, gbz,
             nax, nay, naz, nbx, nby, nbz,
             densv, epiv, sem_lin, sem_g, sem_s):
    cid = lax.axis_index("c")
    sid = lax.axis_index("s")
    wid = cid * NS + sid

    @pl.when(sid == 0)
    def _():
        pltpu.sync_copy(cx_ref, csx)
        pltpu.sync_copy(cy_ref, csy)
        pltpu.sync_copy(cz_ref, csz)
        pltpu.sync_copy(zs_ref, ax)
        pltpu.sync_copy(zs_ref, ay)
        pltpu.sync_copy(zs_ref, az)

    pltpu.sync_copy(dens_ref, densv)
    plsc.subcore_barrier()

    ndh = densv[...] * jnp.float32(-0.5)
    q0 = wid * CH_LO + jnp.minimum(wid, CH_EX)
    nch = CH_LO + jnp.where(wid < CH_EX, 1, 0)

    def chunk_body(i, carry):
        base = pl.multiple_of((q0 + i) * CHUNK, CHUNK)
        da = pltpu.async_copy(ei_ref.at[pl.ds(base, CHUNK)], aiv, sem_lin)
        db = pltpu.async_copy(
            ei_ref.at[pl.ds(N_EDG + base, CHUNK)], biv, sem_lin)
        dc = pltpu.async_copy(cf_ref.at[pl.ds(base, CHUNK)], cfv, sem_lin)
        da.wait()
        db.wait()
        dc.wait()

        gds = [
            pltpu.async_copy(csx.at[aiv], gax, sem_g),
            pltpu.async_copy(csy.at[aiv], gay, sem_g),
            pltpu.async_copy(csz.at[aiv], gaz, sem_g),
            pltpu.async_copy(csx.at[biv], gbx, sem_g),
            pltpu.async_copy(csy.at[biv], gby, sem_g),
            pltpu.async_copy(csz.at[biv], gbz, sem_g),
        ]
        for d in gds:
            d.wait()

        def grp_body(g, c2):
            sl = pl.ds(pl.multiple_of(g * 16, 16), 16)
            xa = gax[sl]
            ya = gay[sl]
            za = gaz[sl]
            dx = gbx[sl] - xa
            dy = gby[sl] - ya
            dz = gbz[sl] - za
            f = cfv[sl]
            s = dx * dx + dy * dy + dz * dz
            ii = lax.bitcast_convert_type(s, jnp.int32)
            ii = jnp.int32(_MAGIC) - lax.shift_right_logical(ii, 1)
            y = lax.bitcast_convert_type(ii, jnp.float32)
            hs = s * jnp.float32(0.5)
            y = y * (jnp.float32(1.5) - hs * y * y)
            fy = f * y
            fvx = dx * fy
            fvy = dy * fy
            fvz = dz * fy
            w = (s * y) * ndh
            nax[sl] = -fvx
            nay[sl] = -fvy
            naz[sl] = w - fvz
            nbx[sl] = fvx
            nby[sl] = fvy
            nbz[sl] = w + fvz
            return c2

        lax.fori_loop(0, GRP, grp_body, 0, unroll=4)

        sds = [
            pltpu.async_copy(nax, ax.at[aiv], sem_s, add=True),
            pltpu.async_copy(nay, ay.at[aiv], sem_s, add=True),
            pltpu.async_copy(naz, az.at[aiv], sem_s, add=True),
            pltpu.async_copy(nbx, ax.at[biv], sem_s, add=True),
            pltpu.async_copy(nby, ay.at[biv], sem_s, add=True),
            pltpu.async_copy(nbz, az.at[biv], sem_s, add=True),
        ]
        for d in sds:
            d.wait()
        return carry

    lax.fori_loop(0, nch, chunk_body, 0)
    plsc.subcore_barrier()

    lo = pl.multiple_of(sid * ROWS_T, ROWS_T)
    olo = pl.multiple_of(cid * N_PAD + lo, ROWS_T)
    for acc, out in ((ax, px_ref), (ay, py_ref), (az, pz_ref)):
        pltpu.sync_copy(acc.at[pl.ds(lo, ROWS_T)], epiv)
        pltpu.sync_copy(epiv, out.at[pl.ds(olo, ROWS_T)])


def _combine(px_ref, py_ref, pz_ref, pr_ref, ox_ref, oy_ref, oz_ref):
    ox_ref[...] = px_ref[0] + px_ref[1] + pr_ref[0]
    oy_ref[...] = py_ref[0] + py_ref[1] + pr_ref[1]
    oz_ref[...] = pz_ref[0] + pz_ref[1] + pr_ref[2]


def kernel(coords, edge_index, connection_forces, density, prev):
    f32 = jnp.float32
    eif = edge_index.reshape(2 * N_EDG)
    zpad = jnp.zeros((N_PAD, 3), f32).at[:N_PTS].set(coords)
    cx, cy, cz = zpad[:, 0], zpad[:, 1], zpad[:, 2]
    zerosN = jnp.zeros((N_PAD,), f32)
    dens16 = jnp.broadcast_to(density, (16,)).astype(f32)

    px, py, pz = pl.kernel(
        _sc_body,
        out_type=(
            jax.ShapeDtypeStruct((NC * N_PAD,), f32),
            jax.ShapeDtypeStruct((NC * N_PAD,), f32),
            jax.ShapeDtypeStruct((NC * N_PAD,), f32),
        ),
        mesh=plsc.VectorSubcoreMesh(core_axis_name="c", subcore_axis_name="s"),
        scratch_types=(
            [pltpu.VMEM_SHARED((N_PAD,), f32) for _ in range(6)]
            + [pltpu.VMEM((CHUNK,), jnp.int32) for _ in range(2)]
            + [pltpu.VMEM((CHUNK,), f32) for _ in range(13)]
            + [pltpu.VMEM((16,), f32)]
            + [pltpu.VMEM((ROWS_T,), f32)]
            + [pltpu.SemaphoreType.DMA for _ in range(3)]
        ),
    )(eif, connection_forces, cx, cy, cz, zerosN, dens16)

    prow = N_PAD // 128
    prev_t = jnp.zeros((3, N_PAD), f32).at[:, :N_PTS].set(prev.T)
    ox, oy, oz = pl.pallas_call(
        _combine,
        out_shape=(
            jax.ShapeDtypeStruct((prow, 128), f32),
            jax.ShapeDtypeStruct((prow, 128), f32),
            jax.ShapeDtypeStruct((prow, 128), f32),
        ),
    )(px.reshape(NC, prow, 128), py.reshape(NC, prow, 128),
      pz.reshape(NC, prow, 128), prev_t.reshape(3, prow, 128))
    return jnp.stack(
        [ox.reshape(-1)[:N_PTS], oy.reshape(-1)[:N_PTS],
         oz.reshape(-1)[:N_PTS]], axis=1)

# --- scband reference (transcript-rebuilt; emitter-appended) ---
"""Pipeline reference for scband-graph-t-6983616824414 (READ-ONLY COPY).

The authoritative reference and input builder live on the scoring server;
editing this copy changes nothing except your own understanding.
"""

import jax, jax.numpy as jnp
import numpy as np

N_POINTS = 100000
N_EDGES = 6400000

def setup_inputs(seed: int = 0) -> dict:
    key = jax.random.key(seed)
    k1, k2, k3 = jax.random.split(key, 3)
    coords = jax.random.normal(k1, (N_POINTS, 3), dtype=jnp.float32)
    edge_index = jax.random.randint(k2, (2, N_EDGES), 0, N_POINTS, dtype=jnp.int32)
    connection_forces = jax.random.normal(k3, (N_EDGES,), dtype=jnp.float32)
    density = jnp.ones((1,), dtype=jnp.float32)
    prev = jnp.zeros((N_POINTS, 3), dtype=jnp.float32)
    return {"coords": coords, "edge_index": edge_index, "connection_forces": connection_forces, "density": density, "prev": prev}

def reference(coords, edge_index, connection_forces, density, prev):
    # graph_t.forces_aggregate: per-connection (edge), gather endpoint coords,
    # compute axial force vector along the member + self-weight term.
    a_idx = edge_index[0]
    b_idx = edge_index[1]
    pa = jnp.take(coords, a_idx, axis=0)           # gather point a coords [E,3]
    pb = jnp.take(coords, b_idx, axis=0)           # gather point b coords [E,3]
    v = pb - pa
    v_len = jnp.sqrt(jnp.sum(v * v, axis=-1))      # jnp.linalg.norm per edge [E]
    v_dir = v / v_len[:, None]
    force_vec_on_a = -connection_forces[:, None] * v_dir   # [E,3]
    zeros = jnp.zeros_like(v_len)
    force_weight = jnp.stack([zeros, zeros, -v_len * density[0] * 0.5], axis=-1)  # [E,3]
    ann_a = force_vec_on_a + force_weight          # force_annotation for point a
    ann_b = -force_vec_on_a + force_weight         # force_annotation for point b
    # graph_t.sum_annotations: scatter-add annotations into per-point force buffer
    buf = prev.at[a_idx].add(ann_a)
    buf = buf.at[b_idx].add(ann_b)
    return buf

if __name__ == "__main__":
    import jax
    _d = setup_inputs()
    print(jax.jit(kernel)(*tuple(_d.values())))

</pallas_src>

<mosaic_0001>
#map = affine_map<(d0, d1) -> (0)>
module attributes {stable_mosaic.version = 14 : i64} {
  func.func @_sc_body(%arg0: i32, %arg1: i32, %arg2: memref<12800000xi32, #tpu.memory_space<hbm>>, %arg3: memref<6400000xf32, #tpu.memory_space<hbm>>, %arg4: memref<100096xf32, #tpu.memory_space<hbm>>, %arg5: memref<100096xf32, #tpu.memory_space<hbm>>, %arg6: memref<100096xf32, #tpu.memory_space<hbm>>, %arg7: memref<100096xf32, #tpu.memory_space<hbm>>, %arg8: memref<16xf32, #tpu.memory_space<hbm>>, %arg9: memref<200192xf32, #tpu.memory_space<hbm>>, %arg10: memref<200192xf32, #tpu.memory_space<hbm>>, %arg11: memref<200192xf32, #tpu.memory_space<hbm>>, %arg12: memref<100096xf32, #tpu.memory_space<vmem_shared>>, %arg13: memref<100096xf32, #tpu.memory_space<vmem_shared>>, %arg14: memref<100096xf32, #tpu.memory_space<vmem_shared>>, %arg15: memref<100096xf32, #tpu.memory_space<vmem_shared>>, %arg16: memref<100096xf32, #tpu.memory_space<vmem_shared>>, %arg17: memref<100096xf32, #tpu.memory_space<vmem_shared>>, %arg18: memref<4000xi32, #tpu.memory_space<vmem>>, %arg19: memref<4000xi32, #tpu.memory_space<vmem>>, %arg20: memref<4000xf32, #tpu.memory_space<vmem>>, %arg21: memref<4000xf32, #tpu.memory_space<vmem>>, %arg22: memref<4000xf32, #tpu.memory_space<vmem>>, %arg23: memref<4000xf32, #tpu.memory_space<vmem>>, %arg24: memref<4000xf32, #tpu.memory_space<vmem>>, %arg25: memref<4000xf32, #tpu.memory_space<vmem>>, %arg26: memref<4000xf32, #tpu.memory_space<vmem>>, %arg27: memref<4000xf32, #tpu.memory_space<vmem>>, %arg28: memref<4000xf32, #tpu.memory_space<vmem>>, %arg29: memref<4000xf32, #tpu.memory_space<vmem>>, %arg30: memref<4000xf32, #tpu.memory_space<vmem>>, %arg31: memref<4000xf32, #tpu.memory_space<vmem>>, %arg32: memref<4000xf32, #tpu.memory_space<vmem>>, %arg33: memref<16xf32, #tpu.memory_space<vmem>>, %arg34: memref<6256xf32, #tpu.memory_space<vmem>>, %arg35: memref<!tpu.dma_semaphore, #tpu.memory_space<semaphore_mem>>, %arg36: memref<!tpu.dma_semaphore, #tpu.memory_space<semaphore_mem>>, %arg37: memref<!tpu.dma_semaphore, #tpu.memory_space<semaphore_mem>>) attributes {dimension_semantics = [#tpu.dimension_semantics<core_parallel>, #tpu.dimension_semantics<subcore_parallel>], iteration_bounds = array<i64: 2, 16>, scalar_prefetch = 0 : i64, scratch_operands = 26 : i64, tpu.core_type = #tpu.core_type<sc_vector_subcore>, window_params = [{transform_indices = #map}, {transform_indices = #map}, {transform_indices = #map}, {transform_indices = #map}, {transform_indices = #map}, {transform_indices = #map}, {transform_indices = #map}, {transform_indices = #map}, {transform_indices = #map}, {transform_indices = #map}]} {
    %mul3A = arith.constant 16 : i32
    %mul3A_0 = arith.muli %arg0, %mul3A : i32
    %add3A = arith.addi %mul3A_0, %arg1 : i32
    %eq3A = arith.constant 0 : i32
    %eq3A_1 = arith.cmpi eq, %arg1, %eq3A : i32
    %convert_element_type3A = arith.extui %eq3A_1 : i1 to i32
    %cond3A = arith.constant 0 : i32
    %cond3A_2 = arith.cmpi ne, %convert_element_type3A, %cond3A : i32
    scf.if %cond3A_2 {
      "tpu.region"() ({
        %run_scoped3A = tpu.sem_alloc : memref<!tpu.dma_semaphore, #tpu.memory_space<semaphore_mem>>
        tpu.enqueue_dma source(%arg4 : memref<100096xf32, #tpu.memory_space<hbm>>) target(%arg12 : memref<100096xf32, #tpu.memory_space<vmem_shared>>) target_semaphore(%run_scoped3A : memref<!tpu.dma_semaphore, #tpu.memory_space<semaphore_mem>>)
        tpu.wait_dma2 semaphore(%run_scoped3A : memref<!tpu.dma_semaphore, #tpu.memory_space<semaphore_mem>>) src(%arg4 : memref<100096xf32, #tpu.memory_space<hbm>>) dst(%arg12 : memref<100096xf32, #tpu.memory_space<vmem_shared>>)
        tpu.yield
      }) : () -> ()
      "tpu.region"() ({
        %run_scoped3A = tpu.sem_alloc : memref<!tpu.dma_semaphore, #tpu.memory_space<semaphore_mem>>
        tpu.enqueue_dma source(%arg5 : memref<100096xf32, #tpu.memory_space<hbm>>) target(%arg13 : memref<100096xf32, #tpu.memory_space<vmem_shared>>) target_semaphore(%run_scoped3A : memref<!tpu.dma_semaphore, #tpu.memory_space<semaphore_mem>>)
        tpu.wait_dma2 semaphore(%run_scoped3A : memref<!tpu.dma_semaphore, #tpu.memory_space<semaphore_mem>>) src(%arg5 : memref<100096xf32, #tpu.memory_space<hbm>>) dst(%arg13 : memref<100096xf32, #tpu.memory_space<vmem_shared>>)
        tpu.yield
      }) : () -> ()
      "tpu.region"() ({
        %run_scoped3A = tpu.sem_alloc : memref<!tpu.dma_semaphore, #tpu.memory_space<semaphore_mem>>
        tpu.enqueue_dma source(%arg6 : memref<100096xf32, #tpu.memory_space<hbm>>) target(%arg14 : memref<100096xf32, #tpu.memory_space<vmem_shared>>) target_semaphore(%run_scoped3A : memref<!tpu.dma_semaphore, #tpu.memory_space<semaphore_mem>>)
        tpu.wait_dma2 semaphore(%run_scoped3A : memref<!tpu.dma_semaphore, #tpu.memory_space<semaphore_mem>>) src(%arg6 : memref<100096xf32, #tpu.memory_space<hbm>>) dst(%arg14 : memref<100096xf32, #tpu.memory_space<vmem_shared>>)
        tpu.yield
      }) : () -> ()
      "tpu.region"() ({
        %run_scoped3A = tpu.sem_alloc : memref<!tpu.dma_semaphore, #tpu.memory_space<semaphore_mem>>
        tpu.enqueue_dma source(%arg7 : memref<100096xf32, #tpu.memory_space<hbm>>) target(%arg15 : memref<100096xf32, #tpu.memory_space<vmem_shared>>) target_semaphore(%run_scoped3A : memref<!tpu.dma_semaphore, #tpu.memory_space<semaphore_mem>>)
        tpu.wait_dma2 semaphore(%run_scoped3A : memref<!tpu.dma_semaphore, #tpu.memory_space<semaphore_mem>>) src(%arg7 : memref<100096xf32, #tpu.memory_space<hbm>>) dst(%arg15 : memref<100096xf32, #tpu.memory_space<vmem_shared>>)
        tpu.yield
      }) : () -> ()
      "tpu.region"() ({
        %run_scoped3A = tpu.sem_alloc : memref<!tpu.dma_semaphore, #tpu.memory_space<semaphore_mem>>
        tpu.enqueue_dma source(%arg7 : memref<100096xf32, #tpu.memory_space<hbm>>) target(%arg16 : memref<100096xf32, #tpu.memory_space<vmem_shared>>) target_semaphore(%run_scoped3A : memref<!tpu.dma_semaphore, #tpu.memory_space<semaphore_mem>>)
        tpu.wait_dma2 semaphore(%run_scoped3A : memref<!tpu.dma_semaphore, #tpu.memory_space<semaphore_mem>>) src(%arg7 : memref<100096xf32, #tpu.memory_space<hbm>>) dst(%arg16 : memref<100096xf32, #tpu.memory_space<vmem_shared>>)
        tpu.yield
      }) : () -> ()
      "tpu.region"() ({
        %run_scoped3A = tpu.sem_alloc : memref<!tpu.dma_semaphore, #tpu.memory_space<semaphore_mem>>
        tpu.enqueue_dma source(%arg7 : memref<100096xf32, #tpu.memory_space<hbm>>) target(%arg17 : memref<100096xf32, #tpu.memory_space<vmem_shared>>) target_semaphore(%run_scoped3A : memref<!tpu.dma_semaphore, #tpu.memory_space<semaphore_mem>>)
        tpu.wait_dma2 semaphore(%run_scoped3A : memref<!tpu.dma_semaphore, #tpu.memory_space<semaphore_mem>>) src(%arg7 : memref<100096xf32, #tpu.memory_space<hbm>>) dst(%arg17 : memref<100096xf32, #tpu.memory_space<vmem_shared>>)
        tpu.yield
      }) : () -> ()
    } else {
    }
    "tpu.region"() ({
      %run_scoped3A = tpu.sem_alloc : memref<!tpu.dma_semaphore, #tpu.memory_space<semaphore_mem>>
      tpu.enqueue_dma source(%arg8 : memref<16xf32, #tpu.memory_space<hbm>>) target(%arg33 : memref<16xf32, #tpu.memory_space<vmem>>) target_semaphore(%run_scoped3A : memref<!tpu.dma_semaphore, #tpu.memory_space<semaphore_mem>>)
      tpu.wait_dma2 semaphore(%run_scoped3A : memref<!tpu.dma_semaphore, #tpu.memory_space<semaphore_mem>>) src(%arg8 : memref<16xf32, #tpu.memory_space<hbm>>) dst(%arg33 : memref<16xf32, #tpu.memory_space<vmem>>)
      tpu.yield
    }) : () -> ()
    %barrier3A = arith.constant 0 : index
    tpu.barrier barrier_id(%barrier3A)
    %get3A = arith.constant 0 : index
    %get3A_3 = tpu.vector_load %arg33[%get3A] {strides = array<i32>} : memref<16xf32, #tpu.memory_space<vmem>>, vector<16xf32>,
    %get3A_4 = vector.shape_cast %get3A_3 : vector<16xf32> to vector<16xf32>
    %mul3A_5 = arith.constant -5.000000e-01 : f32
    %mul3A_6 = vector.broadcast %mul3A_5 : f32 to vector<16xf32>
    %mul3A_7 = arith.mulf %get3A_4, %mul3A_6 : vector<16xf32>
    %mul3A_8 = arith.constant 50 : i32
    %mul3A_9 = arith.muli %add3A, %mul3A_8 : i32
    %min3A = arith.constant 0 : i32
    %min3A_10 = arith.minsi %add3A, %min3A : i32
    %add3A_11 = arith.addi %mul3A_9, %min3A_10 : i32
    %lt3A = arith.constant 0 : i32
    %lt3A_12 = arith.cmpi slt, %add3A, %lt3A : i32
    %jit3A = arith.constant 1 : i32
    %jit3A_13 = arith.constant 0 : i32
    %select_n3A = arith.select %lt3A_12, %jit3A, %jit3A_13 : i32
    %add3A_14 = arith.constant 50 : i32
    %add3A_15 = arith.addi %add3A_14, %select_n3A : i32
    %while3A = arith.constant 0 : i32
    %while3A_16 = arith.constant 0 : i32
    %while3A_17 = arith.subi %add3A_15, %while3A_16 : i32
    %while3A_18 = arith.addi %while3A_16, %while3A_17 : i32
    %while3A_19 = arith.constant 1 : i32
    %while3A_20 = arith.divsi %while3A_17, %while3A_19 : i32
    %while3A_21 = arith.muli %while3A_20, %while3A_19 : i32
    %while3A_22 = arith.addi %while3A_16, %while3A_21 : i32
    %while3A_23 = arith.constant 1 : i32
    scf.for %while3A_32 = %while3A_16 to %while3A_22 step %while3A_23  : i32 {
      %add3A_33 = arith.addi %add3A_11, %while3A_32 : i32
      %mul3A_34 = arith.constant 4000 : i32
      %mul3A_35 = arith.muli %add3A_33, %mul3A_34 : i32
      %multiple_of3A_36 = tpu.assume_multiple %mul3A_35, 4000 : i32
      %dma_start3A = tpu.memref_slice %arg2[%multiple_of3A_36] : memref<12800000xi32, #tpu.memory_space<hbm>> -> memref<4000xi32, #tpu.memory_space<hbm>>
      %dma_start3A_37 = tpu.memref_slice %arg2[%multiple_of3A_36] : memref<12800000xi32, #tpu.memory_space<hbm>> -> memref<4000xi32, #tpu.memory_space<hbm>>
      tpu.enqueue_dma source(%dma_start3A_37 : memref<4000xi32, #tpu.memory_space<hbm>>) target(%arg18 : memref<4000xi32, #tpu.memory_space<vmem>>) target_semaphore(%arg35 : memref<!tpu.dma_semaphore, #tpu.memory_space<semaphore_mem>>)
      %add3A_38 = arith.constant 6400000 : i32
      %add3A_39 = arith.addi %add3A_38, %multiple_of3A_36 : i32
      %dma_start3A_40 = tpu.memref_slice %arg2[%add3A_39] : memref<12800000xi32, #tpu.memory_space<hbm>> -> memref<4000xi32, #tpu.memory_space<hbm>>
      %dma_start3A_41 = tpu.memref_slice %arg2[%add3A_39] : memref<12800000xi32, #tpu.memory_space<hbm>> -> memref<4000xi32, #tpu.memory_space<hbm>>
      tpu.enqueue_dma source(%dma_start3A_41 : memref<4000xi32, #tpu.memory_space<hbm>>) target(%arg19 : memref<4000xi32, #tpu.memory_space<vmem>>) target_semaphore(%arg35 : memref<!tpu.dma_semaphore, #tpu.memory_space<semaphore_mem>>)
      %dma_start3A_42 = tpu.memref_slice %arg3[%multiple_of3A_36] : memref<6400000xf32, #tpu.memory_space<hbm>> -> memref<4000xf32, #tpu.memory_space<hbm>>
      %dma_start3A_43 = tpu.memref_slice %arg3[%multiple_of3A_36] : memref<6400000xf32, #tpu.memory_space<hbm>> -> memref<4000xf32, #tpu.memory_space<hbm>>
      tpu.enqueue_dma source(%dma_start3A_43 : memref<4000xf32, #tpu.memory_space<hbm>>) target(%arg20 : memref<4000xf32, #tpu.memory_space<vmem>>) target_semaphore(%arg35 : memref<!tpu.dma_semaphore, #tpu.memory_space<semaphore_mem>>)
      %dma_wait3A = tpu.memref_slice %arg2[%multiple_of3A_36] : memref<12800000xi32, #tpu.memory_space<hbm>> -> memref<4000xi32, #tpu.memory_space<hbm>>
      %dma_wait3A_44 = tpu.memref_slice %arg2[%multiple_of3A_36] : memref<12800000xi32, #tpu.memory_space<hbm>> -> memref<4000xi32, #tpu.memory_space<hbm>>
      tpu.wait_dma2 semaphore(%arg35 : memref<!tpu.dma_semaphore, #tpu.memory_space<semaphore_mem>>) src(%dma_wait3A_44 : memref<4000xi32, #tpu.memory_space<hbm>>) dst(%arg18 : memref<4000xi32, #tpu.memory_space<vmem>>)
      %dma_wait3A_45 = tpu.memref_slice %arg2[%add3A_39] : memref<12800000xi32, #tpu.memory_space<hbm>> -> memref<4000xi32, #tpu.memory_space<hbm>>
      %dma_wait3A_46 = tpu.memref_slice %arg2[%add3A_39] : memref<12800000xi32, #tpu.memory_space<hbm>> -> memref<4000xi32, #tpu.memory_space<hbm>>
      tpu.wait_dma2 semaphore(%arg35 : memref<!tpu.dma_semaphore, #tpu.memory_space<semaphore_mem>>) src(%dma_wait3A_46 : memref<4000xi32, #tpu.memory_space<hbm>>) dst(%arg19 : memref<4000xi32, #tpu.memory_space<vmem>>)
      %dma_wait3A_47 = tpu.memref_slice %arg3[%multiple_of3A_36] : memref<6400000xf32, #tpu.memory_space<hbm>> -> memref<4000xf32, #tpu.memory_space<hbm>>
      %dma_wait3A_48 = tpu.memref_slice %arg3[%multiple_of3A_36] : memref<6400000xf32, #tpu.memory_space<hbm>> -> memref<4000xf32, #tpu.memory_space<hbm>>
      tpu.wait_dma2 semaphore(%arg35 : memref<!tpu.dma_semaphore, #tpu.memory_space<semaphore_mem>>) src(%dma_wait3A_48 : memref<4000xf32, #tpu.memory_space<hbm>>) dst(%arg20 : memref<4000xf32, #tpu.memory_space<vmem>>)
      %dma_start3A_49 = arith.constant 0 : i32
      %dma_start3A_50 = tpu.memref_slice %arg12[%dma_start3A_49] : memref<100096xf32, #tpu.memory_space<vmem_shared>> -> memref<100096xf32, #tpu.memory_space<vmem_shared>>
      tpu.enqueue_indirect_dma source(%dma_start3A_50 : memref<100096xf32, #tpu.memory_space<vmem_shared>>) target(%arg21 : memref<4000xf32, #tpu.memory_space<vmem>>) offsets(%arg18 : memref<4000xi32, #tpu.memory_space<vmem>>) semaphore(%arg36 : memref<!tpu.dma_semaphore, #tpu.memory_space<semaphore_mem>>)
      %dma_start3A_51 = arith.constant 0 : i32
      %dma_start3A_52 = tpu.memref_slice %arg13[%dma_start3A_51] : memref<100096xf32, #tpu.memory_space<vmem_shared>> -> memref<100096xf32, #tpu.memory_space<vmem_shared>>
      tpu.enqueue_indirect_dma source(%dma_start3A_52 : memref<100096xf32, #tpu.memory_space<vmem_shared>>) target(%arg22 : memref<4000xf32, #tpu.memory_space<vmem>>) offsets(%arg18 : memref<4000xi32, #tpu.memory_space<vmem>>) semaphore(%arg36 : memref<!tpu.dma_semaphore, #tpu.memory_space<semaphore_mem>>)
      %dma_start3A_53 = arith.constant 0 : i32
      %dma_start3A_54 = tpu.memref_slice %arg14[%dma_start3A_53] : memref<100096xf32, #tpu.memory_space<vmem_shared>> -> memref<100096xf32, #tpu.memory_space<vmem_shared>>
      tpu.enqueue_indirect_dma source(%dma_start3A_54 : memref<100096xf32, #tpu.memory_space<vmem_shared>>) target(%arg23 : memref<4000xf32, #tpu.memory_space<vmem>>) offsets(%arg18 : memref<4000xi32, #tpu.memory_space<vmem>>) semaphore(%arg36 : memref<!tpu.dma_semaphore, #tpu.memory_space<semaphore_mem>>)
      %dma_start3A_55 = arith.constant 0 : i32
      %dma_start3A_56 = tpu.memref_slice %arg12[%dma_start3A_55] : memref<100096xf32, #tpu.memory_space<vmem_shared>> -> memref<100096xf32, #tpu.memory_space<vmem_shared>>
      tpu.enqueue_indirect_dma source(%dma_start3A_56 : memref<100096xf32, #tpu.memory_space<vmem_shared>>) target(%arg24 : memref<4000xf32, #tpu.memory_space<vmem>>) offsets(%arg19 : memref<4000xi32, #tpu.memory_space<vmem>>) semaphore(%arg36 : memref<!tpu.dma_semaphore, #tpu.memory_space<semaphore_mem>>)
      %dma_start3A_57 = arith.constant 0 : i32
      %dma_start3A_58 = tpu.memref_slice %arg13[%dma_start3A_57] : memref<100096xf32, #tpu.memory_space<vmem_shared>> -> memref<100096xf32, #tpu.memory_space<vmem_shared>>
      tpu.enqueue_indirect_dma source(%dma_start3A_58 : memref<100096xf32, #tpu.memory_space<vmem_shared>>) target(%arg25 : memref<4000xf32, #tpu.memory_space<vmem>>) offsets(%arg19 : memref<4000xi32, #tpu.memory_space<vmem>>) semaphore(%arg36 : memref<!tpu.dma_semaphore, #tpu.memory_space<semaphore_mem>>)
      %dma_start3A_59 = arith.constant 0 : i32
      %dma_start3A_60 = tpu.memref_slice %arg14[%dma_start3A_59] : memref<100096xf32, #tpu.memory_space<vmem_shared>> -> memref<100096xf32, #tpu.memory_space<vmem_shared>>
      tpu.enqueue_indirect_dma source(%dma_start3A_60 : memref<100096xf32, #tpu.memory_space<vmem_shared>>) target(%arg26 : memref<4000xf32, #tpu.memory_space<vmem>>) offsets(%arg19 : memref<4000xi32, #tpu.memory_space<vmem>>) semaphore(%arg36 : memref<!tpu.dma_semaphore, #tpu.memory_space<semaphore_mem>>)
      %dma_wait3A_61 = arith.constant 0 : i32
      %dma_wait3A_62 = tpu.memref_slice %arg12[%dma_wait3A_61] : memref<100096xf32, #tpu.memory_space<vmem_shared>> -> memref<100096xf32, #tpu.memory_space<vmem_shared>>
      tpu.wait_indirect_dma semaphore(%arg36 : memref<!tpu.dma_semaphore, #tpu.memory_space<semaphore_mem>>) src(%dma_wait3A_62 : memref<100096xf32, #tpu.memory_space<vmem_shared>>) dst(%arg21 : memref<4000xf32, #tpu.memory_space<vmem>>)
      %dma_wait3A_63 = arith.constant 0 : i32
      %dma_wait3A_64 = tpu.memref_slice %arg13[%dma_wait3A_63] : memref<100096xf32, #tpu.memory_space<vmem_shared>> -> memref<100096xf32, #tpu.memory_space<vmem_shared>>
      tpu.wait_indirect_dma semaphore(%arg36 : memref<!tpu.dma_semaphore, #tpu.memory_space<semaphore_mem>>) src(%dma_wait3A_64 : memref<100096xf32, #tpu.memory_space<vmem_shared>>) dst(%arg22 : memref<4000xf32, #tpu.memory_space<vmem>>)
      %dma_wait3A_65 = arith.constant 0 : i32
      %dma_wait3A_66 = tpu.memref_slice %arg14[%dma_wait3A_65] : memref<100096xf32, #tpu.memory_space<vmem_shared>> -> memref<100096xf32, #tpu.memory_space<vmem_shared>>
      tpu.wait_indirect_dma semaphore(%arg36 : memref<!tpu.dma_semaphore, #tpu.memory_space<semaphore_mem>>) src(%dma_wait3A_66 : memref<100096xf32, #tpu.memory_space<vmem_shared>>) dst(%arg23 : memref<4000xf32, #tpu.memory_space<vmem>>)
      %dma_wait3A_67 = arith.constant 0 : i32
      %dma_wait3A_68 = tpu.memref_slice %arg12[%dma_wait3A_67] : memref<100096xf32, #tpu.memory_space<vmem_shared>> -> memref<100096xf32, #tpu.memory_space<vmem_shared>>
      tpu.wait_indirect_dma semaphore(%arg36 : memref<!tpu.dma_semaphore, #tpu.memory_space<semaphore_mem>>) src(%dma_wait3A_68 : memref<100096xf32, #tpu.memory_space<vmem_shared>>) dst(%arg24 : memref<4000xf32, #tpu.memory_space<vmem>>)
      %dma_wait3A_69 = arith.constant 0 : i32
      %dma_wait3A_70 = tpu.memref_slice %arg13[%dma_wait3A_69] : memref<100096xf32, #tpu.memory_space<vmem_shared>> -> memref<100096xf32, #tpu.memory_space<vmem_shared>>
      tpu.wait_indirect_dma semaphore(%arg36 : memref<!tpu.dma_semaphore, #tpu.memory_space<semaphore_mem>>) src(%dma_wait3A_70 : memref<100096xf32, #tpu.memory_space<vmem_shared>>) dst(%arg25 : memref<4000xf32, #tpu.memory_space<vmem>>)
      %dma_wait3A_71 = arith.constant 0 : i32
      %dma_wait3A_72 = tpu.memref_slice %arg14[%dma_wait3A_71] : memref<100096xf32, #tpu.memory_space<vmem_shared>> -> memref<100096xf32, #tpu.memory_space<vmem_shared>>
      tpu.wait_indirect_dma semaphore(%arg36 : memref<!tpu.dma_semaphore, #tpu.memory_space<semaphore_mem>>) src(%dma_wait3A_72 : memref<100096xf32, #tpu.memory_space<vmem_shared>>) dst(%arg26 : memref<4000xf32, #tpu.memory_space<vmem>>)
      %scan3A = arith.constant 0 : i32
      %scan3A_73 = arith.constant 0 : i32
      %scan3A_74 = arith.constant 248 : i32
      %scan3A_75 = arith.addi %scan3A_73, %scan3A_74 : i32
      %scan3A_76 = arith.constant 4 : i32
      scf.for %scan3A_275 = %scan3A_73 to %scan3A_75 step %scan3A_76  : i32 {
        %mul3A_276 = arith.constant 16 : i32
        %mul3A_277 = arith.muli %scan3A_275, %mul3A_276 : i32
        %multiple_of3A_278 = tpu.assume_multiple %mul3A_277, 16 : i32
        %get3A_279 = arith.index_cast %multiple_of3A_278 : i32 to index
        %get3A_280 = tpu.vector_load %arg21[%get3A_279] {strides = array<i32>} : memref<4000xf32, #tpu.memory_space<vmem>>, vector<16xf32>,
        %get3A_281 = vector.shape_cast %get3A_280 : vector<16xf32> to vector<16xf32>
        %get3A_282 = arith.index_cast %multiple_of3A_278 : i32 to index
        %get3A_283 = tpu.vector_load %arg22[%get3A_282] {strides = array<i32>} : memref<4000xf32, #tpu.memory_space<vmem>>, vector<16xf32>,
        %get3A_284 = vector.shape_cast %get3A_283 : vector<16xf32> to vector<16xf32>
        %get3A_285 = arith.index_cast %multiple_of3A_278 : i32 to index
        %get3A_286 = tpu.vector_load %arg23[%get3A_285] {strides = array<i32>} : memref<4000xf32, #tpu.memory_space<vmem>>, vector<16xf32>,
        %get3A_287 = vector.shape_cast %get3A_286 : vector<16xf32> to vector<16xf32>
        %get3A_288 = arith.index_cast %multiple_of3A_278 : i32 to index
        %get3A_289 = tpu.vector_load %arg24[%get3A_288] {strides = array<i32>} : memref<4000xf32, #tpu.memory_space<vmem>>, vector<16xf32>,
        %get3A_290 = vector.shape_cast %get3A_289 : vector<16xf32> to vector<16xf32>
        %sub3A_291 = arith.subf %get3A_290, %get3A_281 : vector<16xf32>
        %get3A_292 = arith.index_cast %multiple_of3A_278 : i32 to index
        %get3A_293 = tpu.vector_load %arg25[%get3A_292] {strides = array<i32>} : memref<4000xf32, #tpu.memory_space<vmem>>, vector<16xf32>,
        %get3A_294 = vector.shape_cast %get3A_293 : vector<16xf32> to vector<16xf32>
        %sub3A_295 = arith.subf %get3A_294, %get3A_284 : vector<16xf32>
        %get3A_296 = arith.index_cast %multiple_of3A_278 : i32 to index
        %get3A_297 = tpu.vector_load %arg26[%get3A_296] {strides = array<i32>} : memref<4000xf32, #tpu.memory_space<vmem>>, vector<16xf32>,
        %get3A_298 = vector.shape_cast %get3A_297 : vector<16xf32> to vector<16xf32>
        %sub3A_299 = arith.subf %get3A_298, %get3A_287 : vector<16xf32>
        %get3A_300 = arith.index_cast %multiple_of3A_278 : i32 to index
        %get3A_301 = tpu.vector_load %arg20[%get3A_300] {strides = array<i32>} : memref<4000xf32, #tpu.memory_space<vmem>>, vector<16xf32>,
        %get3A_302 = vector.shape_cast %get3A_301 : vector<16xf32> to vector<16xf32>
        %mul3A_303 = arith.mulf %sub3A_291, %sub3A_291 : vector<16xf32>
        %mul3A_304 = arith.mulf %sub3A_295, %sub3A_295 : vector<16xf32>
        %add3A_305 = arith.addf %mul3A_303, %mul3A_304 : vector<16xf32>
        %mul3A_306 = arith.mulf %sub3A_299, %sub3A_299 : vector<16xf32>
        %add3A_307 = arith.addf %add3A_305, %mul3A_306 : vector<16xf32>
        %bitcast_convert_type3A_308 = tpu.bitcast %add3A_307 : vector<16xf32> -> vector<16xi32>
        %shift_right_logical3A_309 = arith.constant 1 : i32
        %shift_right_logical3A_310 = vector.broadcast %shift_right_logical3A_309 : i32 to vector<16xi32>
        %shift_right_logical3A_311 = arith.shrui %bitcast_convert_type3A_308, %shift_right_logical3A_310 : vector<16xi32>
        %sub3A_312 = arith.constant 1597463007 : i32
        %sub3A_313 = vector.broadcast %sub3A_312 : i32 to vector<16xi32>
        %sub3A_314 = arith.subi %sub3A_313, %shift_right_logical3A_311 : vector<16xi32>
        %bitcast_convert_type3A_315 = tpu.bitcast %sub3A_314 : vector<16xi32> -> vector<16xf32>
        %mul3A_316 = arith.constant 5.000000e-01 : f32
        %mul3A_317 = vector.broadcast %mul3A_316 : f32 to vector<16xf32>
        %mul3A_318 = arith.mulf %add3A_307, %mul3A_317 : vector<16xf32>
        %mul3A_319 = arith.mulf %mul3A_318, %bitcast_convert_type3A_315 : vector<16xf32>
        %mul3A_320 = arith.mulf %mul3A_319, %bitcast_convert_type3A_315 : vector<16xf32>
        %sub3A_321 = arith.constant 1.500000e+00 : f32
        %sub3A_322 = vector.broadcast %sub3A_321 : f32 to vector<16xf32>
        %sub3A_323 = arith.subf %sub3A_322, %mul3A_320 : vector<16xf32>
        %mul3A_324 = arith.mulf %bitcast_convert_type3A_315, %sub3A_323 : vector<16xf32>
        %mul3A_325 = arith.mulf %get3A_302, %mul3A_324 : vector<16xf32>
        %mul3A_326 = arith.mulf %sub3A_291, %mul3A_325 : vector<16xf32>
        %mul3A_327 = arith.mulf %sub3A_295, %mul3A_325 : vector<16xf32>
        %mul3A_328 = arith.mulf %sub3A_299, %mul3A_325 : vector<16xf32>
        %mul3A_329 = arith.mulf %add3A_307, %mul3A_324 : vector<16xf32>
        %mul3A_330 = arith.mulf %mul3A_329, %mul3A_7 : vector<16xf32>
        %neg3A_331 = arith.constant 0.000000e+00 : f32
        %neg3A_332 = vector.broadcast %neg3A_331 : f32 to vector<16xf32>
        %neg3A_333 = arith.subf %neg3A_332, %mul3A_326 : vector<16xf32>
        %swap3A_334 = arith.index_cast %multiple_of3A_278 : i32 to index
        %swap3A_335 = tpu.vector_load %arg27[%swap3A_334] {strides = array<i32>} : memref<4000xf32, #tpu.memory_space<vmem>>, vector<16xf32>,
        %swap3A_336 = vector.shape_cast %swap3A_335 : vector<16xf32> to vector<16xf32>
        %swap3A_337 = vector.shape_cast %neg3A_333 : vector<16xf32> to vector<16xf32>
        tpu.vector_store %arg27[%swap3A_334], %swap3A_337 {strides = array<i32>} : memref<4000xf32, #tpu.memory_space<vmem>>, vector<16xf32>,
        %neg3A_338 = arith.constant 0.000000e+00 : f32
        %neg3A_339 = vector.broadcast %neg3A_338 : f32 to vector<16xf32>
        %neg3A_340 = arith.subf %neg3A_339, %mul3A_327 : vector<16xf32>
        %swap3A_341 = arith.index_cast %multiple_of3A_278 : i32 to index
        %swap3A_342 = tpu.vector_load %arg28[%swap3A_341] {strides = array<i32>} : memref<4000xf32, #tpu.memory_space<vmem>>, vector<16xf32>,
        %swap3A_343 = vector.shape_cast %swap3A_342 : vector<16xf32> to vector<16xf32>
        %swap3A_344 = vector.shape_cast %neg3A_340 : vector<16xf32> to vector<16xf32>
        tpu.vector_store %arg28[%swap3A_341], %swap3A_344 {strides = array<i32>} : memref<4000xf32, #tpu.memory_space<vmem>>, vector<16xf32>,
        %sub3A_345 = arith.subf %mul3A_330, %mul3A_328 : vector<16xf32>
        %swap3A_346 = arith.index_cast %multiple_of3A_278 : i32 to index
        %swap3A_347 = tpu.vector_load %arg29[%swap3A_346] {strides = array<i32>} : memref<4000xf32, #tpu.memory_space<vmem>>, vector<16xf32>,
        %swap3A_348 = vector.shape_cast %swap3A_347 : vector<16xf32> to vector<16xf32>
        %swap3A_349 = vector.shape_cast %sub3A_345 : vector<16xf32> to vector<16xf32>
        tpu.vector_store %arg29[%swap3A_346], %swap3A_349 {strides = array<i32>} : memref<4000xf32, #tpu.memory_space<vmem>>, vector<16xf32>,
        %swap3A_350 = arith.index_cast %multiple_of3A_278 : i32 to index
        %swap3A_351 = tpu.vector_load %arg30[%swap3A_350] {strides = array<i32>} : memref<4000xf32, #tpu.memory_space<vmem>>, vector<16xf32>,
        %swap3A_352 = vector.shape_cast %swap3A_351 : vector<16xf32> to vector<16xf32>
        %swap3A_353 = vector.shape_cast %mul3A_326 : vector<16xf32> to vector<16xf32>
        tpu.vector_store %arg30[%swap3A_350], %swap3A_353 {strides = array<i32>} : memref<4000xf32, #tpu.memory_space<vmem>>, vector<16xf32>,
        %swap3A_354 = arith.index_cast %multiple_of3A_278 : i32 to index
        %swap3A_355 = tpu.vector_load %arg31[%swap3A_354] {strides = array<i32>} : memref<4000xf32, #tpu.memory_space<vmem>>, vector<16xf32>,
        %swap3A_356 = vector.shape_cast %swap3A_355 : vector<16xf32> to vector<16xf32>
        %swap3A_357 = vector.shape_cast %mul3A_327 : vector<16xf32> to vector<16xf32>
        tpu.vector_store %arg31[%swap3A_354], %swap3A_357 {strides = array<i32>} : memref<4000xf32, #tpu.memory_space<vmem>>, vector<16xf32>,
        %add3A_358 = arith.addf %mul3A_330, %mul3A_328 : vector<16xf32>
        %swap3A_359 = arith.index_cast %multiple_of3A_278 : i32 to index
        %swap3A_360 = tpu.vector_load %arg32[%swap3A_359] {strides = array<i32>} : memref<4000xf32, #tpu.memory_space<vmem>>, vector<16xf32>,
        %swap3A_361 = vector.shape_cast %swap3A_360 : vector<16xf32> to vector<16xf32>
        %swap3A_362 = vector.shape_cast %add3A_358 : vector<16xf32> to vector<16xf32>
        tpu.vector_store %arg32[%swap3A_359], %swap3A_362 {strides = array<i32>} : memref<4000xf32, #tpu.memory_space<vmem>>, vector<16xf32>,
        %scan3A_363 = arith.constant 1 : i32
        %scan3A_364 = arith.addi %scan3A_275, %scan3A_363 : i32
        %mul3A_365 = arith.constant 16 : i32
        %mul3A_366 = arith.muli %scan3A_364, %mul3A_365 : i32
        %multiple_of3A_367 = tpu.assume_multiple %mul3A_366, 16 : i32
        %get3A_368 = arith.index_cast %multiple_of3A_367 : i32 to index
        %get3A_369 = tpu.vector_load %arg21[%get3A_368] {strides = array<i32>} : memref<4000xf32, #tpu.memory_space<vmem>>, vector<16xf32>,
        %get3A_370 = vector.shape_cast %get3A_369 : vector<16xf32> to vector<16xf32>
        %get3A_371 = arith.index_cast %multiple_of3A_367 : i32 to index
        %get3A_372 = tpu.vector_load %arg22[%get3A_371] {strides = array<i32>} : memref<4000xf32, #tpu.memory_space<vmem>>, vector<16xf32>,
        %get3A_373 = vector.shape_cast %get3A_372 : vector<16xf32> to vector<16xf32>
        %get3A_374 = arith.index_cast %multiple_of3A_367 : i32 to index
        %get3A_375 = tpu.vector_load %arg23[%get3A_374] {strides = array<i32>} : memref<4000xf32, #tpu.memory_space<vmem>>, vector<16xf32>,
        %get3A_376 = vector.shape_cast %get3A_375 : vector<16xf32> to vector<16xf32>
        %get3A_377 = arith.index_cast %multiple_of3A_367 : i32 to index
        %get3A_378 = tpu.vector_load %arg24[%get3A_377] {strides = array<i32>} : memref<4000xf32, #tpu.memory_space<vmem>>, vector<16xf32>,
        %get3A_379 = vector.shape_cast %get3A_378 : vector<16xf32> to vector<16xf32>
        %sub3A_380 = arith.subf %get3A_379, %get3A_370 : vector<16xf32>
        %get3A_381 = arith.index_cast %multiple_of3A_367 : i32 to index
        %get3A_382 = tpu.vector_load %arg25[%get3A_381] {strides = array<i32>} : memref<4000xf32, #tpu.memory_space<vmem>>, vector<16xf32>,
        %get3A_383 = vector.shape_cast %get3A_382 : vector<16xf32> to vector<16xf32>
        %sub3A_384 = arith.subf %get3A_383, %get3A_373 : vector<16xf32>
        %get3A_385 = arith.index_cast %multiple_of3A_367 : i32 to index
        %get3A_386 = tpu.vector_load %arg26[%get3A_385] {strides = array<i32>} : memref<4000xf32, #tpu.memory_space<vmem>>, vector<16xf32>,
        %get3A_387 = vector.shape_cast %get3A_386 : vector<16xf32> to vector<16xf32>
        %sub3A_388 = arith.subf %get3A_387, %get3A_376 : vector<16xf32>
        %get3A_389 = arith.index_cast %multiple_of3A_367 : i32 to index
        %get3A_390 = tpu.vector_load %arg20[%get3A_389] {strides = array<i32>} : memref<4000xf32, #tpu.memory_space<vmem>>, vector<16xf32>,
        %get3A_391 = vector.shape_cast %get3A_390 : vector<16xf32> to vector<16xf32>
        %mul3A_392 = arith.mulf %sub3A_380, %sub3A_380 : vector<16xf32>
        %mul3A_393 = arith.mulf %sub3A_384, %sub3A_384 : vector<16xf32>
        %add3A_394 = arith.addf %mul3A_392, %mul3A_393 : vector<16xf32>
        %mul3A_395 = arith.mulf %sub3A_388, %sub3A_388 : vector<16xf32>
        %add3A_396 = arith.addf %add3A_394, %mul3A_395 : vector<16xf32>
        %bitcast_convert_type3A_397 = tpu.bitcast %add3A_396 : vector<16xf32> -> vector<16xi32>
        %shift_right_logical3A_398 = arith.constant 1 : i32
        %shift_right_logical3A_399 = vector.broadcast %shift_right_logical3A_398 : i32 to vector<16xi32>
        %shift_right_logical3A_400 = arith.shrui %bitcast_convert_type3A_397, %shift_right_logical3A_399 : vector<16xi32>
        %sub3A_401 = arith.constant 1597463007 : i32
        %sub3A_402 = vector.broadcast %sub3A_401 : i32 to vector<16xi32>
        %sub3A_403 = arith.subi %sub3A_402, %shift_right_logical3A_400 : vector<16xi32>
        %bitcast_convert_type3A_404 = tpu.bitcast %sub3A_403 : vector<16xi32> -> vector<16xf32>
        %mul3A_405 = arith.constant 5.000000e-01 : f32
        %mul3A_406 = vector.broadcast %mul3A_405 : f32 to vector<16xf32>
        %mul3A_407 = arith.mulf %add3A_396, %mul3A_406 : vector<16xf32>
        %mul3A_408 = arith.mulf %mul3A_407, %bitcast_convert_type3A_404 : vector<16xf32>
        %mul3A_409 = arith.mulf %mul3A_408, %bitcast_convert_type3A_404 : vector<16xf32>
        %sub3A_410 = arith.constant 1.500000e+00 : f32
        %sub3A_411 = vector.broadcast %sub3A_410 : f32 to vector<16xf32>
        %sub3A_412 = arith.subf %sub3A_411, %mul3A_409 : vector<16xf32>
        %mul3A_413 = arith.mulf %bitcast_convert_type3A_404, %sub3A_412 : vector<16xf32>
        %mul3A_414 = arith.mulf %get3A_391, %mul3A_413 : vector<16xf32>
        %mul3A_415 = arith.mulf %sub3A_380, %mul3A_414 : vector<16xf32>
        %mul3A_416 = arith.mulf %sub3A_384, %mul3A_414 : vector<16xf32>
        %mul3A_417 = arith.mulf %sub3A_388, %mul3A_414 : vector<16xf32>
        %mul3A_418 = arith.mulf %add3A_396, %mul3A_413 : vector<16xf32>
        %mul3A_419 = arith.mulf %mul3A_418, %mul3A_7 : vector<16xf32>
        %neg3A_420 = arith.constant 0.000000e+00 : f32
        %neg3A_421 = vector.broadcast %neg3A_420 : f32 to vector<16xf32>
        %neg3A_422 = arith.subf %neg3A_421, %mul3A_415 : vector<16xf32>
        %swap3A_423 = arith.index_cast %multiple_of3A_367 : i32 to index
        %swap3A_424 = tpu.vector_load %arg27[%swap3A_423] {strides = array<i32>} : memref<4000xf32, #tpu.memory_space<vmem>>, vector<16xf32>,
        %swap3A_425 = vector.shape_cast %swap3A_424 : vector<16xf32> to vector<16xf32>
        %swap3A_426 = vector.shape_cast %neg3A_422 : vector<16xf32> to vector<16xf32>
        tpu.vector_store %arg27[%swap3A_423], %swap3A_426 {strides = array<i32>} : memref<4000xf32, #tpu.memory_space<vmem>>, vector<16xf32>,
        %neg3A_427 = arith.constant 0.000000e+00 : f32
        %neg3A_428 = vector.broadcast %neg3A_427 : f32 to vector<16xf32>
        %neg3A_429 = arith.subf %neg3A_428, %mul3A_416 : vector<16xf32>
        %swap3A_430 = arith.index_cast %multiple_of3A_367 : i32 to index
        %swap3A_431 = tpu.vector_load %arg28[%swap3A_430] {strides = array<i32>} : memref<4000xf32, #tpu.memory_space<vmem>>, vector<16xf32>,
        %swap3A_432 = vector.shape_cast %swap3A_431 : vector<16xf32> to vector<16xf32>
        %swap3A_433 = vector.shape_cast %neg3A_429 : vector<16xf32> to vector<16xf32>
        tpu.vector_store %arg28[%swap3A_430], %swap3A_433 {strides = array<i32>} : memref<4000xf32, #tpu.memory_space<vmem>>, vector<16xf32>,
        %sub3A_434 = arith.subf %mul3A_419, %mul3A_417 : vector<16xf32>
        %swap3A_435 = arith.index_cast %multiple_of3A_367 : i32 to index
        %swap3A_436 = tpu.vector_load %arg29[%swap3A_435] {strides = array<i32>} : memref<4000xf32, #tpu.memory_space<vmem>>, vector<16xf32>,
        %swap3A_437 = vector.shape_cast %swap3A_436 : vector<16xf32> to vector<16xf32>
        %swap3A_438 = vector.shape_cast %sub3A_434 : vector<16xf32> to vector<16xf32>
        tpu.vector_store %arg29[%swap3A_435], %swap3A_438 {strides = array<i32>} : memref<4000xf32, #tpu.memory_space<vmem>>, vector<16xf32>,
        %swap3A_439 = arith.index_cast %multiple_of3A_367 : i32 to index
        %swap3A_440 = tpu.vector_load %arg30[%swap3A_439] {strides = array<i32>} : memref<4000xf32, #tpu.memory_space<vmem>>, vector<16xf32>,
        %swap3A_441 = vector.shape_cast %swap3A_440 : vector<16xf32> to vector<16xf32>
        %swap3A_442 = vector.shape_cast %mul3A_415 : vector<16xf32> to vector<16xf32>
        tpu.vector_store %arg30[%swap3A_439], %swap3A_442 {strides = array<i32>} : memref<4000xf32, #tpu.memory_space<vmem>>, vector<16xf32>,
        %swap3A_443 = arith.index_cast %multiple_of3A_367 : i32 to index
        %swap3A_444 = tpu.vector_load %arg31[%swap3A_443] {strides = array<i32>} : memref<4000xf32, #tpu.memory_space<vmem>>, vector<16xf32>,
        %swap3A_445 = vector.shape_cast %swap3A_444 : vector<16xf32> to vector<16xf32>
        %swap3A_446 = vector.shape_cast %mul3A_416 : vector<16xf32> to vector<16xf32>
        tpu.vector_store %arg31[%swap3A_443], %swap3A_446 {strides = array<i32>} : memref<4000xf32, #tpu.memory_space<vmem>>, vector<16xf32>,
        %add3A_447 = arith.addf %mul3A_419, %mul3A_417 : vector<16xf32>
        %swap3A_448 = arith.index_cast %multiple_of3A_367 : i32 to index
        %swap3A_449 = tpu.vector_load %arg32[%swap3A_448] {strides = array<i32>} : memref<4000xf32, #tpu.memory_space<vmem>>, vector<16xf32>,
        %swap3A_450 = vector.shape_cast %swap3A_449 : vector<16xf32> to vector<16xf32>
        %swap3A_451 = vector.shape_cast %add3A_447 : vector<16xf32> to vector<16xf32>
        tpu.vector_store %arg32[%swap3A_448], %swap3A_451 {strides = array<i32>} : memref<4000xf32, #tpu.memory_space<vmem>>, vector<16xf32>,
        %scan3A_452 = arith.constant 2 : i32
        %scan3A_453 = arith.addi %scan3A_275, %scan3A_452 : i32
        %mul3A_454 = arith.constant 16 : i32
        %mul3A_455 = arith.muli %scan3A_453, %mul3A_454 : i32
        %multiple_of3A_456 = tpu.assume_multiple %mul3A_455, 16 : i32
        %get3A_457 = arith.index_cast %multiple_of3A_456 : i32 to index
        %get3A_458 = tpu.vector_load %arg21[%get3A_457] {strides = array<i32>} : memref<4000xf32, #tpu.memory_space<vmem>>, vector<16xf32>,
        %get3A_459 = vector.shape_cast %get3A_458 : vector<16xf32> to vector<16xf32>
        %get3A_460 = arith.index_cast %multiple_of3A_456 : i32 to index
        %get3A_461 = tpu.vector_load %arg22[%get3A_460] {strides = array<i32>} : memref<4000xf32, #tpu.memory_space<vmem>>, vector<16xf32>,
        %get3A_462 = vector.shape_cast %get3A_461 : vector<16xf32> to vector<16xf32>
        %get3A_463 = arith.index_cast %multiple_of3A_456 : i32 to index
        %get3A_464 = tpu.vector_load %arg23[%get3A_463] {strides = array<i32>} : memref<4000xf32, #tpu.memory_space<vmem>>, vector<16xf32>,
        %get3A_465 = vector.shape_cast %get3A_464 : vector<16xf32> to vector<16xf32>
        %get3A_466 = arith.index_cast %multiple_of3A_456 : i32 to index
        %get3A_467 = tpu.vector_load %arg24[%get3A_466] {strides = array<i32>} : memref<4000xf32, #tpu.memory_space<vmem>>, vector<16xf32>,
        %get3A_468 = vector.shape_cast %get3A_467 : vector<16xf32> to vector<16xf32>
        %sub3A_469 = arith.subf %get3A_468, %get3A_459 : vector<16xf32>
        %get3A_470 = arith.index_cast %multiple_of3A_456 : i32 to index
        %get3A_471 = tpu.vector_load %arg25[%get3A_470] {strides = array<i32>} : memref<4000xf32, #tpu.memory_space<vmem>>, vector<16xf32>,
        %get3A_472 = vector.shape_cast %get3A_471 : vector<16xf32> to vector<16xf32>
        %sub3A_473 = arith.subf %get3A_472, %get3A_462 : vector<16xf32>
        %get3A_474 = arith.index_cast %multiple_of3A_456 : i32 to index
        %get3A_475 = tpu.vector_load %arg26[%get3A_474] {strides = array<i32>} : memref<4000xf32, #tpu.memory_space<vmem>>, vector<16xf32>,
        %get3A_476 = vector.shape_cast %get3A_475 : vector<16xf32> to vector<16xf32>
        %sub3A_477 = arith.subf %get3A_476, %get3A_465 : vector<16xf32>
        %get3A_478 = arith.index_cast %multiple_of3A_456 : i32 to index
        %get3A_479 = tpu.vector_load %arg20[%get3A_478] {strides = array<i32>} : memref<4000xf32, #tpu.memory_space<vmem>>, vector<16xf32>,
        %get3A_480 = vector.shape_cast %get3A_479 : vector<16xf32> to vector<16xf32>
        %mul3A_481 = arith.mulf %sub3A_469, %sub3A_469 : vector<16xf32>
        %mul3A_482 = arith.mulf %sub3A_473, %sub3A_473 : vector<16xf32>
        %add3A_483 = arith.addf %mul3A_481, %mul3A_482 : vector<16xf32>
        %mul3A_484 = arith.mulf %sub3A_477, %sub3A_477 : vector<16xf32>
        %add3A_485 = arith.addf %add3A_483, %mul3A_484 : vector<16xf32>
        %bitcast_convert_type3A_486 = tpu.bitcast %add3A_485 : vector<16xf32> -> vector<16xi32>
        %shift_right_logical3A_487 = arith.constant 1 : i32
        %shift_right_logical3A_488 = vector.broadcast %shift_right_logical3A_487 : i32 to vector<16xi32>
        %shift_right_logical3A_489 = arith.shrui %bitcast_convert_type3A_486, %shift_right_logical3A_488 : vector<16xi32>
        %sub3A_490 = arith.constant 1597463007 : i32
        %sub3A_491 = vector.broadcast %sub3A_490 : i32 to vector<16xi32>
        %sub3A_492 = arith.subi %sub3A_491, %shift_right_logical3A_489 : vector<16xi32>
        %bitcast_convert_type3A_493 = tpu.bitcast %sub3A_492 : vector<16xi32> -> vector<16xf32>
        %mul3A_494 = arith.constant 5.000000e-01 : f32
        %mul3A_495 = vector.broadcast %mul3A_494 : f32 to vector<16xf32>
        %mul3A_496 = arith.mulf %add3A_485, %mul3A_495 : vector<16xf32>
        %mul3A_497 = arith.mulf %mul3A_496, %bitcast_convert_type3A_493 : vector<16xf32>
        %mul3A_498 = arith.mulf %mul3A_497, %bitcast_convert_type3A_493 : vector<16xf32>
        %sub3A_499 = arith.constant 1.500000e+00 : f32
        %sub3A_500 = vector.broadcast %sub3A_499 : f32 to vector<16xf32>
        %sub3A_501 = arith.subf %sub3A_500, %mul3A_498 : vector<16xf32>
        %mul3A_502 = arith.mulf %bitcast_convert_type3A_493, %sub3A_501 : vector<16xf32>
        %mul3A_503 = arith.mulf %get3A_480, %mul3A_502 : vector<16xf32>
        %mul3A_504 = arith.mulf %sub3A_469, %mul3A_503 : vector<16xf32>
        %mul3A_505 = arith.mulf %sub3A_473, %mul3A_503 : vector<16xf32>
        %mul3A_506 = arith.mulf %sub3A_477, %mul3A_503 : vector<16xf32>
        %mul3A_507 = arith.mulf %add3A_485, %mul3A_502 : vector<16xf32>
        %mul3A_508 = arith.mulf %mul3A_507, %mul3A_7 : vector<16xf32>
        %neg3A_509 = arith.constant 0.000000e+00 : f32
        %neg3A_510 = vector.broadcast %neg3A_509 : f32 to vector<16xf32>
        %neg3A_511 = arith.subf %neg3A_510, %mul3A_504 : vector<16xf32>
        %swap3A_512 = arith.index_cast %multiple_of3A_456 : i32 to index
        %swap3A_513 = tpu.vector_load %arg27[%swap3A_512] {strides = array<i32>} : memref<4000xf32, #tpu.memory_space<vmem>>, vector<16xf32>,
        %swap3A_514 = vector.shape_cast %swap3A_513 : vector<16xf32> to vector<16xf32>
        %swap3A_515 = vector.shape_cast %neg3A_511 : vector<16xf32> to vector<16xf32>
        tpu.vector_store %arg27[%swap3A_512], %swap3A_515 {strides = array<i32>} : memref<4000xf32, #tpu.memory_space<vmem>>, vector<16xf32>,
        %neg3A_516 = arith.constant 0.000000e+00 : f32
        %neg3A_517 = vector.broadcast %neg3A_516 : f32 to vector<16xf32>
        %neg3A_518 = arith.subf %neg3A_517, %mul3A_505 : vector<16xf32>
        %swap3A_519 = arith.index_cast %multiple_of3A_456 : i32 to index
        %swap3A_520 = tpu.vector_load %arg28[%swap3A_519] {strides = array<i32>} : memref<4000xf32, #tpu.memory_space<vmem>>, vector<16xf32>,
        %swap3A_521 = vector.shape_cast %swap3A_520 : vector<16xf32> to vector<16xf32>
        %swap3A_522 = vector.shape_cast %neg3A_518 : vector<16xf32> to vector<16xf32>
        tpu.vector_store %arg28[%swap3A_519], %swap3A_522 {strides = array<i32>} : memref<4000xf32, #tpu.memory_space<vmem>>, vector<16xf32>,
        %sub3A_523 = arith.subf %mul3A_508, %mul3A_506 : vector<16xf32>
        %swap3A_524 = arith.index_cast %multiple_of3A_456 : i32 to index
        %swap3A_525 = tpu.vector_load %arg29[%swap3A_524] {strides = array<i32>} : memref<4000xf32, #tpu.memory_space<vmem>>, vector<16xf32>,
        %swap3A_526 = vector.shape_cast %swap3A_525 : vector<16xf32> to vector<16xf32>
        %swap3A_527 = vector.shape_cast %sub3A_523 : vector<16xf32> to vector<16xf32>
        tpu.vector_store %arg29[%swap3A_524], %swap3A_527 {strides = array<i32>} : memref<4000xf32, #tpu.memory_space<vmem>>, vector<16xf32>,
        %swap3A_528 = arith.index_cast %multiple_of3A_456 : i32 to index
        %swap3A_529 = tpu.vector_load %arg30[%swap3A_528] {strides = array<i32>} : memref<4000xf32, #tpu.memory_space<vmem>>, vector<16xf32>,
        %swap3A_530 = vector.shape_cast %swap3A_529 : vector<16xf32> to vector<16xf32>
        %swap3A_531 = vector.shape_cast %mul3A_504 : vector<16xf32> to vector<16xf32>
        tpu.vector_store %arg30[%swap3A_528], %swap3A_531 {strides = array<i32>} : memref<4000xf32, #tpu.memory_space<vmem>>, vector<16xf32>,
        %swap3A_532 = arith.index_cast %multiple_of3A_456 : i32 to index
        %swap3A_533 = tpu.vector_load %arg31[%swap3A_532] {strides = array<i32>} : memref<4000xf32, #tpu.memory_space<vmem>>, vector<16xf32>,
        %swap3A_534 = vector.shape_cast %swap3A_533 : vector<16xf32> to vector<16xf32>
        %swap3A_535 = vector.shape_cast %mul3A_505 : vector<16xf32> to vector<16xf32>
        tpu.vector_store %arg31[%swap3A_532], %swap3A_535 {strides = array<i32>} : memref<4000xf32, #tpu.memory_space<vmem>>, vector<16xf32>,
        %add3A_536 = arith.addf %mul3A_508, %mul3A_506 : vector<16xf32>
        %swap3A_537 = arith.index_cast %multiple_of3A_456 : i32 to index
        %swap3A_538 = tpu.vector_load %arg32[%swap3A_537] {strides = array<i32>} : memref<4000xf32, #tpu.memory_space<vmem>>, vector<16xf32>,
        %swap3A_539 = vector.shape_cast %swap3A_538 : vector<16xf32> to vector<16xf32>
        %swap3A_540 = vector.shape_cast %add3A_536 : vector<16xf32> to vector<16xf32>
        tpu.vector_store %arg32[%swap3A_537], %swap3A_540 {strides = array<i32>} : memref<4000xf32, #tpu.memory_space<vmem>>, vector<16xf32>,
        %scan3A_541 = arith.constant 3 : i32
        %scan3A_542 = arith.addi %scan3A_275, %scan3A_541 : i32
        %mul3A_543 = arith.constant 16 : i32
        %mul3A_544 = arith.muli %scan3A_542, %mul3A_543 : i32
        %multiple_of3A_545 = tpu.assume_multiple %mul3A_544, 16 : i32
        %get3A_546 = arith.index_cast %multiple_of3A_545 : i32 to index
        %get3A_547 = tpu.vector_load %arg21[%get3A_546] {strides = array<i32>} : memref<4000xf32, #tpu.memory_space<vmem>>, vector<16xf32>,
        %get3A_548 = vector.shape_cast %get3A_547 : vector<16xf32> to vector<16xf32>
        %get3A_549 = arith.index_cast %multiple_of3A_545 : i32 to index
        %get3A_550 = tpu.vector_load %arg22[%get3A_549] {strides = array<i32>} : memref<4000xf32, #tpu.memory_space<vmem>>, vector<16xf32>,
        %get3A_551 = vector.shape_cast %get3A_550 : vector<16xf32> to vector<16xf32>
        %get3A_552 = arith.index_cast %multiple_of3A_545 : i32 to index
        %get3A_553 = tpu.vector_load %arg23[%get3A_552] {strides = array<i32>} : memref<4000xf32, #tpu.memory_space<vmem>>, vector<16xf32>,
        %get3A_554 = vector.shape_cast %get3A_553 : vector<16xf32> to vector<16xf32>
        %get3A_555 = arith.index_cast %multiple_of3A_545 : i32 to index
        %get3A_556 = tpu.vector_load %arg24[%get3A_555] {strides = array<i32>} : memref<4000xf32, #tpu.memory_space<vmem>>, vector<16xf32>,
        %get3A_557 = vector.shape_cast %get3A_556 : vector<16xf32> to vector<16xf32>
        %sub3A_558 = arith.subf %get3A_557, %get3A_548 : vector<16xf32>
        %get3A_559 = arith.index_cast %multiple_of3A_545 : i32 to index
        %get3A_560 = tpu.vector_load %arg25[%get3A_559] {strides = array<i32>} : memref<4000xf32, #tpu.memory_space<vmem>>, vector<16xf32>,
        %get3A_561 = vector.shape_cast %get3A_560 : vector<16xf32> to vector<16xf32>
        %sub3A_562 = arith.subf %get3A_561, %get3A_551 : vector<16xf32>
        %get3A_563 = arith.index_cast %multiple_of3A_545 : i32 to index
        %get3A_564 = tpu.vector_load %arg26[%get3A_563] {strides = array<i32>} : memref<4000xf32, #tpu.memory_space<vmem>>, vector<16xf32>,
        %get3A_565 = vector.shape_cast %get3A_564 : vector<16xf32> to vector<16xf32>
        %sub3A_566 = arith.subf %get3A_565, %get3A_554 : vector<16xf32>
        %get3A_567 = arith.index_cast %multiple_of3A_545 : i32 to index
        %get3A_568 = tpu.vector_load %arg20[%get3A_567] {strides = array<i32>} : memref<4000xf32, #tpu.memory_space<vmem>>, vector<16xf32>,
        %get3A_569 = vector.shape_cast %get3A_568 : vector<16xf32> to vector<16xf32>
        %mul3A_570 = arith.mulf %sub3A_558, %sub3A_558 : vector<16xf32>
        %mul3A_571 = arith.mulf %sub3A_562, %sub3A_562 : vector<16xf32>
        %add3A_572 = arith.addf %mul3A_570, %mul3A_571 : vector<16xf32>
        %mul3A_573 = arith.mulf %sub3A_566, %sub3A_566 : vector<16xf32>
        %add3A_574 = arith.addf %add3A_572, %mul3A_573 : vector<16xf32>
        %bitcast_convert_type3A_575 = tpu.bitcast %add3A_574 : vector<16xf32> -> vector<16xi32>
        %shift_right_logical3A_576 = arith.constant 1 : i32
        %shift_right_logical3A_577 = vector.broadcast %shift_right_logical3A_576 : i32 to vector<16xi32>
        %shift_right_logical3A_578 = arith.shrui %bitcast_convert_type3A_575, %shift_right_logical3A_577 : vector<16xi32>
        %sub3A_579 = arith.constant 1597463007 : i32
        %sub3A_580 = vector.broadcast %sub3A_579 : i32 to vector<16xi32>
        %sub3A_581 = arith.subi %sub3A_580, %shift_right_logical3A_578 : vector<16xi32>
        %bitcast_convert_type3A_582 = tpu.bitcast %sub3A_581 : vector<16xi32> -> vector<16xf32>
        %mul3A_583 = arith.constant 5.000000e-01 : f32
        %mul3A_584 = vector.broadcast %mul3A_583 : f32 to vector<16xf32>
        %mul3A_585 = arith.mulf %add3A_574, %mul3A_584 : vector<16xf32>
        %mul3A_586 = arith.mulf %mul3A_585, %bitcast_convert_type3A_582 : vector<16xf32>
        %mul3A_587 = arith.mulf %mul3A_586, %bitcast_convert_type3A_582 : vector<16xf32>
        %sub3A_588 = arith.constant 1.500000e+00 : f32
        %sub3A_589 = vector.broadcast %sub3A_588 : f32 to vector<16xf32>
        %sub3A_590 = arith.subf %sub3A_589, %mul3A_587 : vector<16xf32>
        %mul3A_591 = arith.mulf %bitcast_convert_type3A_582, %sub3A_590 : vector<16xf32>
        %mul3A_592 = arith.mulf %get3A_569, %mul3A_591 : vector<16xf32>
        %mul3A_593 = arith.mulf %sub3A_558, %mul3A_592 : vector<16xf32>
        %mul3A_594 = arith.mulf %sub3A_562, %mul3A_592 : vector<16xf32>
        %mul3A_595 = arith.mulf %sub3A_566, %mul3A_592 : vector<16xf32>
        %mul3A_596 = arith.mulf %add3A_574, %mul3A_591 : vector<16xf32>
        %mul3A_597 = arith.mulf %mul3A_596, %mul3A_7 : vector<16xf32>
        %neg3A_598 = arith.constant 0.000000e+00 : f32
        %neg3A_599 = vector.broadcast %neg3A_598 : f32 to vector<16xf32>
        %neg3A_600 = arith.subf %neg3A_599, %mul3A_593 : vector<16xf32>
        %swap3A_601 = arith.index_cast %multiple_of3A_545 : i32 to index
        %swap3A_602 = tpu.vector_load %arg27[%swap3A_601] {strides = array<i32>} : memref<4000xf32, #tpu.memory_space<vmem>>, vector<16xf32>,
        %swap3A_603 = vector.shape_cast %swap3A_602 : vector<16xf32> to vector<16xf32>
        %swap3A_604 = vector.shape_cast %neg3A_600 : vector<16xf32> to vector<16xf32>
        tpu.vector_store %arg27[%swap3A_601], %swap3A_604 {strides = array<i32>} : memref<4000xf32, #tpu.memory_space<vmem>>, vector<16xf32>,
        %neg3A_605 = arith.constant 0.000000e+00 : f32
        %neg3A_606 = vector.broadcast %neg3A_605 : f32 to vector<16xf32>
        %neg3A_607 = arith.subf %neg3A_606, %mul3A_594 : vector<16xf32>
        %swap3A_608 = arith.index_cast %multiple_of3A_545 : i32 to index
        %swap3A_609 = tpu.vector_load %arg28[%swap3A_608] {strides = array<i32>} : memref<4000xf32, #tpu.memory_space<vmem>>, vector<16xf32>,
        %swap3A_610 = vector.shape_cast %swap3A_609 : vector<16xf32> to vector<16xf32>
        %swap3A_611 = vector.shape_cast %neg3A_607 : vector<16xf32> to vector<16xf32>
        tpu.vector_store %arg28[%swap3A_608], %swap3A_611 {strides = array<i32>} : memref<4000xf32, #tpu.memory_space<vmem>>, vector<16xf32>,
        %sub3A_612 = arith.subf %mul3A_597, %mul3A_595 : vector<16xf32>
        %swap3A_613 = arith.index_cast %multiple_of3A_545 : i32 to index
        %swap3A_614 = tpu.vector_load %arg29[%swap3A_613] {strides = array<i32>} : memref<4000xf32, #tpu.memory_space<vmem>>, vector<16xf32>,
        %swap3A_615 = vector.shape_cast %swap3A_614 : vector<16xf32> to vector<16xf32>
        %swap3A_616 = vector.shape_cast %sub3A_612 : vector<16xf32> to vector<16xf32>
        tpu.vector_store %arg29[%swap3A_613], %swap3A_616 {strides = array<i32>} : memref<4000xf32, #tpu.memory_space<vmem>>, vector<16xf32>,
        %swap3A_617 = arith.index_cast %multiple_of3A_545 : i32 to index
        %swap3A_618 = tpu.vector_load %arg30[%swap3A_617] {strides = array<i32>} : memref<4000xf32, #tpu.memory_space<vmem>>, vector<16xf32>,
        %swap3A_619 = vector.shape_cast %swap3A_618 : vector<16xf32> to vector<16xf32>
        %swap3A_620 = vector.shape_cast %mul3A_593 : vector<16xf32> to vector<16xf32>
        tpu.vector_store %arg30[%swap3A_617], %swap3A_620 {strides = array<i32>} : memref<4000xf32, #tpu.memory_space<vmem>>, vector<16xf32>,
        %swap3A_621 = arith.index_cast %multiple_of3A_545 : i32 to index
        %swap3A_622 = tpu.vector_load %arg31[%swap3A_621] {strides = array<i32>} : memref<4000xf32, #tpu.memory_space<vmem>>, vector<16xf32>,
        %swap3A_623 = vector.shape_cast %swap3A_622 : vector<16xf32> to vector<16xf32>
        %swap3A_624 = vector.shape_cast %mul3A_594 : vector<16xf32> to vector<16xf32>
        tpu.vector_store %arg31[%swap3A_621], %swap3A_624 {strides = array<i32>} : memref<4000xf32, #tpu.memory_space<vmem>>, vector<16xf32>,
        %add3A_625 = arith.addf %mul3A_597, %mul3A_595 : vector<16xf32>
        %swap3A_626 = arith.index_cast %multiple_of3A_545 : i32 to index
        %swap3A_627 = tpu.vector_load %arg32[%swap3A_626] {strides = array<i32>} : memref<4000xf32, #tpu.memory_space<vmem>>, vector<16xf32>,
        %swap3A_628 = vector.shape_cast %swap3A_627 : vector<16xf32> to vector<16xf32>
        %swap3A_629 = vector.shape_cast %add3A_625 : vector<16xf32> to vector<16xf32>
        tpu.vector_store %arg32[%swap3A_626], %swap3A_629 {strides = array<i32>} : memref<4000xf32, #tpu.memory_space<vmem>>, vector<16xf32>,
      }
      %scan3A_77 = arith.constant 248 : i32
      %scan3A_78 = arith.addi %scan3A_73, %scan3A_77 : i32
      %mul3A_79 = arith.constant 16 : i32
      %mul3A_80 = arith.muli %scan3A_78, %mul3A_79 : i32
      %multiple_of3A_81 = tpu.assume_multiple %mul3A_80, 16 : i32
      %get3A_82 = arith.index_cast %multiple_of3A_81 : i32 to index
      %get3A_83 = tpu.vector_load %arg21[%get3A_82] {strides = array<i32>} : memref<4000xf32, #tpu.memory_space<vmem>>, vector<16xf32>,
      %get3A_84 = vector.shape_cast %get3A_83 : vector<16xf32> to vector<16xf32>
      %get3A_85 = arith.index_cast %multiple_of3A_81 : i32 to index
      %get3A_86 = tpu.vector_load %arg22[%get3A_85] {strides = array<i32>} : memref<4000xf32, #tpu.memory_space<vmem>>, vector<16xf32>,
      %get3A_87 = vector.shape_cast %get3A_86 : vector<16xf32> to vector<16xf32>
      %get3A_88 = arith.index_cast %multiple_of3A_81 : i32 to index
      %get3A_89 = tpu.vector_load %arg23[%get3A_88] {strides = array<i32>} : memref<4000xf32, #tpu.memory_space<vmem>>, vector<16xf32>,
      %get3A_90 = vector.shape_cast %get3A_89 : vector<16xf32> to vector<16xf32>
      %get3A_91 = arith.index_cast %multiple_of3A_81 : i32 to index
      %get3A_92 = tpu.vector_load %arg24[%get3A_91] {strides = array<i32>} : memref<4000xf32, #tpu.memory_space<vmem>>, vector<16xf32>,
      %get3A_93 = vector.shape_cast %get3A_92 : vector<16xf32> to vector<16xf32>
      %sub3A = arith.subf %get3A_93, %get3A_84 : vector<16xf32>
      %get3A_94 = arith.index_cast %multiple_of3A_81 : i32 to index
      %get3A_95 = tpu.vector_load %arg25[%get3A_94] {strides = array<i32>} : memref<4000xf32, #tpu.memory_space<vmem>>, vector<16xf32>,
      %get3A_96 = vector.shape_cast %get3A_95 : vector<16xf32> to vector<16xf32>
      %sub3A_97 = arith.subf %get3A_96, %get3A_87 : vector<16xf32>
      %get3A_98 = arith.index_cast %multiple_of3A_81 : i32 to index
      %get3A_99 = tpu.vector_load %arg26[%get3A_98] {strides = array<i32>} : memref<4000xf32, #tpu.memory_space<vmem>>, vector<16xf32>,
      %get3A_100 = vector.shape_cast %get3A_99 : vector<16xf32> to vector<16xf32>
      %sub3A_101 = arith.subf %get3A_100, %get3A_90 : vector<16xf32>
      %get3A_102 = arith.index_cast %multiple_of3A_81 : i32 to index
      %get3A_103 = tpu.vector_load %arg20[%get3A_102] {strides = array<i32>} : memref<4000xf32, #tpu.memory_space<vmem>>, vector<16xf32>,
      %get3A_104 = vector.shape_cast %get3A_103 : vector<16xf32> to vector<16xf32>
      %mul3A_105 = arith.mulf %sub3A, %sub3A : vector<16xf32>
      %mul3A_106 = arith.mulf %sub3A_97, %sub3A_97 : vector<16xf32>
      %add3A_107 = arith.addf %mul3A_105, %mul3A_106 : vector<16xf32>
      %mul3A_108 = arith.mulf %sub3A_101, %sub3A_101 : vector<16xf32>
      %add3A_109 = arith.addf %add3A_107, %mul3A_108 : vector<16xf32>
      %bitcast_convert_type3A = tpu.bitcast %add3A_109 : vector<16xf32> -> vector<16xi32>
      %shift_right_logical3A = arith.constant 1 : i32
      %shift_right_logical3A_110 = vector.broadcast %shift_right_logical3A : i32 to vector<16xi32>
      %shift_right_logical3A_111 = arith.shrui %bitcast_convert_type3A, %shift_right_logical3A_110 : vector<16xi32>
      %sub3A_112 = arith.constant 1597463007 : i32
      %sub3A_113 = vector.broadcast %sub3A_112 : i32 to vector<16xi32>
      %sub3A_114 = arith.subi %sub3A_113, %shift_right_logical3A_111 : vector<16xi32>
      %bitcast_convert_type3A_115 = tpu.bitcast %sub3A_114 : vector<16xi32> -> vector<16xf32>
      %mul3A_116 = arith.constant 5.000000e-01 : f32
      %mul3A_117 = vector.broadcast %mul3A_116 : f32 to vector<16xf32>
      %mul3A_118 = arith.mulf %add3A_109, %mul3A_117 : vector<16xf32>
      %mul3A_119 = arith.mulf %mul3A_118, %bitcast_convert_type3A_115 : vector<16xf32>
      %mul3A_120 = arith.mulf %mul3A_119, %bitcast_convert_type3A_115 : vector<16xf32>
      %sub3A_121 = arith.constant 1.500000e+00 : f32
      %sub3A_122 = vector.broadcast %sub3A_121 : f32 to vector<16xf32>
      %sub3A_123 = arith.subf %sub3A_122, %mul3A_120 : vector<16xf32>
      %mul3A_124 = arith.mulf %bitcast_convert_type3A_115, %sub3A_123 : vector<16xf32>
      %mul3A_125 = arith.mulf %get3A_104, %mul3A_124 : vector<16xf32>
      %mul3A_126 = arith.mulf %sub3A, %mul3A_125 : vector<16xf32>
      %mul3A_127 = arith.mulf %sub3A_97, %mul3A_125 : vector<16xf32>
      %mul3A_128 = arith.mulf %sub3A_101, %mul3A_125 : vector<16xf32>
      %mul3A_129 = arith.mulf %add3A_109, %mul3A_124 : vector<16xf32>
      %mul3A_130 = arith.mulf %mul3A_129, %mul3A_7 : vector<16xf32>
      %neg3A = arith.constant 0.000000e+00 : f32
      %neg3A_131 = vector.broadcast %neg3A : f32 to vector<16xf32>
      %neg3A_132 = arith.subf %neg3A_131, %mul3A_126 : vector<16xf32>
      %swap3A = arith.index_cast %multiple_of3A_81 : i32 to index
      %swap3A_133 = tpu.vector_load %arg27[%swap3A] {strides = array<i32>} : memref<4000xf32, #tpu.memory_space<vmem>>, vector<16xf32>,
      %swap3A_134 = vector.shape_cast %swap3A_133 : vector<16xf32> to vector<16xf32>
      %swap3A_135 = vector.shape_cast %neg3A_132 : vector<16xf32> to vector<16xf32>
      tpu.vector_store %arg27[%swap3A], %swap3A_135 {strides = array<i32>} : memref<4000xf32, #tpu.memory_space<vmem>>, vector<16xf32>,
      %neg3A_136 = arith.constant 0.000000e+00 : f32
      %neg3A_137 = vector.broadcast %neg3A_136 : f32 to vector<16xf32>
      %neg3A_138 = arith.subf %neg3A_137, %mul3A_127 : vector<16xf32>
      %swap3A_139 = arith.index_cast %multiple_of3A_81 : i32 to index
      %swap3A_140 = tpu.vector_load %arg28[%swap3A_139] {strides = array<i32>} : memref<4000xf32, #tpu.memory_space<vmem>>, vector<16xf32>,
      %swap3A_141 = vector.shape_cast %swap3A_140 : vector<16xf32> to vector<16xf32>
      %swap3A_142 = vector.shape_cast %neg3A_138 : vector<16xf32> to vector<16xf32>
      tpu.vector_store %arg28[%swap3A_139], %swap3A_142 {strides = array<i32>} : memref<4000xf32, #tpu.memory_space<vmem>>, vector<16xf32>,
      %sub3A_143 = arith.subf %mul3A_130, %mul3A_128 : vector<16xf32>
      %swap3A_144 = arith.index_cast %multiple_of3A_81 : i32 to index
      %swap3A_145 = tpu.vector_load %arg29[%swap3A_144] {strides = array<i32>} : memref<4000xf32, #tpu.memory_space<vmem>>, vector<16xf32>,
      %swap3A_146 = vector.shape_cast %swap3A_145 : vector<16xf32> to vector<16xf32>
      %swap3A_147 = vector.shape_cast %sub3A_143 : vector<16xf32> to vector<16xf32>
      tpu.vector_store %arg29[%swap3A_144], %swap3A_147 {strides = array<i32>} : memref<4000xf32, #tpu.memory_space<vmem>>, vector<16xf32>,
      %swap3A_148 = arith.index_cast %multiple_of3A_81 : i32 to index
      %swap3A_149 = tpu.vector_load %arg30[%swap3A_148] {strides = array<i32>} : memref<4000xf32, #tpu.memory_space<vmem>>, vector<16xf32>,
      %swap3A_150 = vector.shape_cast %swap3A_149 : vector<16xf32> to vector<16xf32>
      %swap3A_151 = vector.shape_cast %mul3A_126 : vector<16xf32> to vector<16xf32>
      tpu.vector_store %arg30[%swap3A_148], %swap3A_151 {strides = array<i32>} : memref<4000xf32, #tpu.memory_space<vmem>>, vector<16xf32>,
      %swap3A_152 = arith.index_cast %multiple_of3A_81 : i32 to index
      %swap3A_153 = tpu.vector_load %arg31[%swap3A_152] {strides = array<i32>} : memref<4000xf32, #tpu.memory_space<vmem>>, vector<16xf32>,
      %swap3A_154 = vector.shape_cast %swap3A_153 : vector<16xf32> to vector<16xf32>
      %swap3A_155 = vector.shape_cast %mul3A_127 : vector<16xf32> to vector<16xf32>
      tpu.vector_store %arg31[%swap3A_152], %swap3A_155 {strides = array<i32>} : memref<4000xf32, #tpu.memory_space<vmem>>, vector<16xf32>,
      %add3A_156 = arith.addf %mul3A_130, %mul3A_128 : vector<16xf32>
      %swap3A_157 = arith.index_cast %multiple_of3A_81 : i32 to index
      %swap3A_158 = tpu.vector_load %arg32[%swap3A_157] {strides = array<i32>} : memref<4000xf32, #tpu.memory_space<vmem>>, vector<16xf32>,
      %swap3A_159 = vector.shape_cast %swap3A_158 : vector<16xf32> to vector<16xf32>
      %swap3A_160 = vector.shape_cast %add3A_156 : vector<16xf32> to vector<16xf32>
      tpu.vector_store %arg32[%swap3A_157], %swap3A_160 {strides = array<i32>} : memref<4000xf32, #tpu.memory_space<vmem>>, vector<16xf32>,
      %scan3A_161 = arith.constant 249 : i32
      %scan3A_162 = arith.addi %scan3A_73, %scan3A_161 : i32
      %mul3A_163 = arith.constant 16 : i32
      %mul3A_164 = arith.muli %scan3A_162, %mul3A_163 : i32
      %multiple_of3A_165 = tpu.assume_multiple %mul3A_164, 16 : i32
      %get3A_166 = arith.index_cast %multiple_of3A_165 : i32 to index
      %get3A_167 = tpu.vector_load %arg21[%get3A_166] {strides = array<i32>} : memref<4000xf32, #tpu.memory_space<vmem>>, vector<16xf32>,
      %get3A_168 = vector.shape_cast %get3A_167 : vector<16xf32> to vector<16xf32>
      %get3A_169 = arith.index_cast %multiple_of3A_165 : i32 to index
      %get3A_170 = tpu.vector_load %arg22[%get3A_169] {strides = array<i32>} : memref<4000xf32, #tpu.memory_space<vmem>>, vector<16xf32>,
      %get3A_171 = vector.shape_cast %get3A_170 : vector<16xf32> to vector<16xf32>
      %get3A_172 = arith.index_cast %multiple_of3A_165 : i32 to index
      %get3A_173 = tpu.vector_load %arg23[%get3A_172] {strides = array<i32>} : memref<4000xf32, #tpu.memory_space<vmem>>, vector<16xf32>,
      %get3A_174 = vector.shape_cast %get3A_173 : vector<16xf32> to vector<16xf32>
      %get3A_175 = arith.index_cast %multiple_of3A_165 : i32 to index
      %get3A_176 = tpu.vector_load %arg24[%get3A_175] {strides = array<i32>} : memref<4000xf32, #tpu.memory_space<vmem>>, vector<16xf32>,
      %get3A_177 = vector.shape_cast %get3A_176 : vector<16xf32> to vector<16xf32>
      %sub3A_178 = arith.subf %get3A_177, %get3A_168 : vector<16xf32>
      %get3A_179 = arith.index_cast %multiple_of3A_165 : i32 to index
      %get3A_180 = tpu.vector_load %arg25[%get3A_179] {strides = array<i32>} : memref<4000xf32, #tpu.memory_space<vmem>>, vector<16xf32>,
      %get3A_181 = vector.shape_cast %get3A_180 : vector<16xf32> to vector<16xf32>
      %sub3A_182 = arith.subf %get3A_181, %get3A_171 : vector<16xf32>
      %get3A_183 = arith.index_cast %multiple_of3A_165 : i32 to index
      %get3A_184 = tpu.vector_load %arg26[%get3A_183] {strides = array<i32>} : memref<4000xf32, #tpu.memory_space<vmem>>, vector<16xf32>,
      %get3A_185 = vector.shape_cast %get3A_184 : vector<16xf32> to vector<16xf32>
      %sub3A_186 = arith.subf %get3A_185, %get3A_174 : vector<16xf32>
      %get3A_187 = arith.index_cast %multiple_of3A_165 : i32 to index
      %get3A_188 = tpu.vector_load %arg20[%get3A_187] {strides = array<i32>} : memref<4000xf32, #tpu.memory_space<vmem>>, vector<16xf32>,
      %get3A_189 = vector.shape_cast %get3A_188 : vector<16xf32> to vector<16xf32>
      %mul3A_190 = arith.mulf %sub3A_178, %sub3A_178 : vector<16xf32>
      %mul3A_191 = arith.mulf %sub3A_182, %sub3A_182 : vector<16xf32>
      %add3A_192 = arith.addf %mul3A_190, %mul3A_191 : vector<16xf32>
      %mul3A_193 = arith.mulf %sub3A_186, %sub3A_186 : vector<16xf32>
      %add3A_194 = arith.addf %add3A_192, %mul3A_193 : vector<16xf32>
      %bitcast_convert_type3A_195 = tpu.bitcast %add3A_194 : vector<16xf32> -> vector<16xi32>
      %shift_right_logical3A_196 = arith.constant 1 : i32
      %shift_right_logical3A_197 = vector.broadcast %shift_right_logical3A_196 : i32 to vector<16xi32>
      %shift_right_logical3A_198 = arith.shrui %bitcast_convert_type3A_195, %shift_right_logical3A_197 : vector<16xi32>
      %sub3A_199 = arith.constant 1597463007 : i32
      %sub3A_200 = vector.broadcast %sub3A_199 : i32 to vector<16xi32>
      %sub3A_201 = arith.subi %sub3A_200, %shift_right_logical3A_198 : vector<16xi32>
      %bitcast_convert_type3A_202 = tpu.bitcast %sub3A_201 : vector<16xi32> -> vector<16xf32>
      %mul3A_203 = arith.constant 5.000000e-01 : f32
      %mul3A_204 = vector.broadcast %mul3A_203 : f32 to vector<16xf32>
      %mul3A_205 = arith.mulf %add3A_194, %mul3A_204 : vector<16xf32>
      %mul3A_206 = arith.mulf %mul3A_205, %bitcast_convert_type3A_202 : vector<16xf32>
      %mul3A_207 = arith.mulf %mul3A_206, %bitcast_convert_type3A_202 : vector<16xf32>
      %sub3A_208 = arith.constant 1.500000e+00 : f32
      %sub3A_209 = vector.broadcast %sub3A_208 : f32 to vector<16xf32>
      %sub3A_210 = arith.subf %sub3A_209, %mul3A_207 : vector<16xf32>
      %mul3A_211 = arith.mulf %bitcast_convert_type3A_202, %sub3A_210 : vector<16xf32>
      %mul3A_212 = arith.mulf %get3A_189, %mul3A_211 : vector<16xf32>
      %mul3A_213 = arith.mulf %sub3A_178, %mul3A_212 : vector<16xf32>
      %mul3A_214 = arith.mulf %sub3A_182, %mul3A_212 : vector<16xf32>
      %mul3A_215 = arith.mulf %sub3A_186, %mul3A_212 : vector<16xf32>
      %mul3A_216 = arith.mulf %add3A_194, %mul3A_211 : vector<16xf32>
      %mul3A_217 = arith.mulf %mul3A_216, %mul3A_7 : vector<16xf32>
      %neg3A_218 = arith.constant 0.000000e+00 : f32
      %neg3A_219 = vector.broadcast %neg3A_218 : f32 to vector<16xf32>
      %neg3A_220 = arith.subf %neg3A_219, %mul3A_213 : vector<16xf32>
      %swap3A_221 = arith.index_cast %multiple_of3A_165 : i32 to index
      %swap3A_222 = tpu.vector_load %arg27[%swap3A_221] {strides = array<i32>} : memref<4000xf32, #tpu.memory_space<vmem>>, vector<16xf32>,
      %swap3A_223 = vector.shape_cast %swap3A_222 : vector<16xf32> to vector<16xf32>
      %swap3A_224 = vector.shape_cast %neg3A_220 : vector<16xf32> to vector<16xf32>
      tpu.vector_store %arg27[%swap3A_221], %swap3A_224 {strides = array<i32>} : memref<4000xf32, #tpu.memory_space<vmem>>, vector<16xf32>,
      %neg3A_225 = arith.constant 0.000000e+00 : f32
      %neg3A_226 = vector.broadcast %neg3A_225 : f32 to vector<16xf32>
      %neg3A_227 = arith.subf %neg3A_226, %mul3A_214 : vector<16xf32>
      %swap3A_228 = arith.index_cast %multiple_of3A_165 : i32 to index
      %swap3A_229 = tpu.vector_load %arg28[%swap3A_228] {strides = array<i32>} : memref<4000xf32, #tpu.memory_space<vmem>>, vector<16xf32>,
      %swap3A_230 = vector.shape_cast %swap3A_229 : vector<16xf32> to vector<16xf32>
      %swap3A_231 = vector.shape_cast %neg3A_227 : vector<16xf32> to vector<16xf32>
      tpu.vector_store %arg28[%swap3A_228], %swap3A_231 {strides = array<i32>} : memref<4000xf32, #tpu.memory_space<vmem>>, vector<16xf32>,
      %sub3A_232 = arith.subf %mul3A_217, %mul3A_215 : vector<16xf32>
      %swap3A_233 = arith.index_cast %multiple_of3A_165 : i32 to index
      %swap3A_234 = tpu.vector_load %arg29[%swap3A_233] {strides = array<i32>} : memref<4000xf32, #tpu.memory_space<vmem>>, vector<16xf32>,
      %swap3A_235 = vector.shape_cast %swap3A_234 : vector<16xf32> to vector<16xf32>
      %swap3A_236 = vector.shape_cast %sub3A_232 : vector<16xf32> to vector<16xf32>
      tpu.vector_store %arg29[%swap3A_233], %swap3A_236 {strides = array<i32>} : memref<4000xf32, #tpu.memory_space<vmem>>, vector<16xf32>,
      %swap3A_237 = arith.index_cast %multiple_of3A_165 : i32 to index
      %swap3A_238 = tpu.vector_load %arg30[%swap3A_237] {strides = array<i32>} : memref<4000xf32, #tpu.memory_space<vmem>>, vector<16xf32>,
      %swap3A_239 = vector.shape_cast %swap3A_238 : vector<16xf32> to vector<16xf32>
      %swap3A_240 = vector.shape_cast %mul3A_213 : vector<16xf32> to vector<16xf32>
      tpu.vector_store %arg30[%swap3A_237], %swap3A_240 {strides = array<i32>} : memref<4000xf32, #tpu.memory_space<vmem>>, vector<16xf32>,
      %swap3A_241 = arith.index_cast %multiple_of3A_165 : i32 to index
      %swap3A_242 = tpu.vector_load %arg31[%swap3A_241] {strides = array<i32>} : memref<4000xf32, #tpu.memory_space<vmem>>, vector<16xf32>,
      %swap3A_243 = vector.shape_cast %swap3A_242 : vector<16xf32> to vector<16xf32>
      %swap3A_244 = vector.shape_cast %mul3A_214 : vector<16xf32> to vector<16xf32>
      tpu.vector_store %arg31[%swap3A_241], %swap3A_244 {strides = array<i32>} : memref<4000xf32, #tpu.memory_space<vmem>>, vector<16xf32>,
      %add3A_245 = arith.addf %mul3A_217, %mul3A_215 : vector<16xf32>
      %swap3A_246 = arith.index_cast %multiple_of3A_165 : i32 to index
      %swap3A_247 = tpu.vector_load %arg32[%swap3A_246] {strides = array<i32>} : memref<4000xf32, #tpu.memory_space<vmem>>, vector<16xf32>,
      %swap3A_248 = vector.shape_cast %swap3A_247 : vector<16xf32> to vector<16xf32>
      %swap3A_249 = vector.shape_cast %add3A_245 : vector<16xf32> to vector<16xf32>
      tpu.vector_store %arg32[%swap3A_246], %swap3A_249 {strides = array<i32>} : memref<4000xf32, #tpu.memory_space<vmem>>, vector<16xf32>,
      %scan3A_250 = arith.constant 250 : i32
      %dma_start3A_251 = arith.constant 0 : i32
      %dma_start3A_252 = tpu.memref_slice %arg15[%dma_start3A_251] : memref<100096xf32, #tpu.memory_space<vmem_shared>> -> memref<100096xf32, #tpu.memory_space<vmem_shared>>
      tpu.enqueue_indirect_dma source(%arg27 : memref<4000xf32, #tpu.memory_space<vmem>>) target(%dma_start3A_252 : memref<100096xf32, #tpu.memory_space<vmem_shared>>) offsets(%arg18 : memref<4000xi32, #tpu.memory_space<vmem>>) semaphore(%arg37 : memref<!tpu.dma_semaphore, #tpu.memory_space<semaphore_mem>>) {add = true}
      %dma_start3A_253 = arith.constant 0 : i32
      %dma_start3A_254 = tpu.memref_slice %arg16[%dma_start3A_253] : memref<100096xf32, #tpu.memory_space<vmem_shared>> -> memref<100096xf32, #tpu.memory_space<vmem_shared>>
      tpu.enqueue_indirect_dma source(%arg28 : memref<4000xf32, #tpu.memory_space<vmem>>) target(%dma_start3A_254 : memref<100096xf32, #tpu.memory_space<vmem_shared>>) offsets(%arg18 : memref<4000xi32, #tpu.memory_space<vmem>>) semaphore(%arg37 : memref<!tpu.dma_semaphore, #tpu.memory_space<semaphore_mem>>) {add = true}
      %dma_start3A_255 = arith.constant 0 : i32
      %dma_start3A_256 = tpu.memref_slice %arg17[%dma_start3A_255] : memref<100096xf32, #tpu.memory_space<vmem_shared>> -> memref<100096xf32, #tpu.memory_space<vmem_shared>>
      tpu.enqueue_indirect_dma source(%arg29 : memref<4000xf32, #tpu.memory_space<vmem>>) target(%dma_start3A_256 : memref<100096xf32, #tpu.memory_space<vmem_shared>>) offsets(%arg18 : memref<4000xi32, #tpu.memory_space<vmem>>) semaphore(%arg37 : memref<!tpu.dma_semaphore, #tpu.memory_space<semaphore_mem>>) {add = true}
      %dma_start3A_257 = arith.constant 0 : i32
      %dma_start3A_258 = tpu.memref_slice %arg15[%dma_start3A_257] : memref<100096xf32, #tpu.memory_space<vmem_shared>> -> memref<100096xf32, #tpu.memory_space<vmem_shared>>
      tpu.enqueue_indirect_dma source(%arg30 : memref<4000xf32, #tpu.memory_space<vmem>>) target(%dma_start3A_258 : memref<100096xf32, #tpu.memory_space<vmem_shared>>) offsets(%arg19 : memref<4000xi32, #tpu.memory_space<vmem>>) semaphore(%arg37 : memref<!tpu.dma_semaphore, #tpu.memory_space<semaphore_mem>>) {add = true}
      %dma_start3A_259 = arith.constant 0 : i32
      %dma_start3A_260 = tpu.memref_slice %arg16[%dma_start3A_259] : memref<100096xf32, #tpu.memory_space<vmem_shared>> -> memref<100096xf32, #tpu.memory_space<vmem_shared>>
      tpu.enqueue_indirect_dma source(%arg31 : memref<4000xf32, #tpu.memory_space<vmem>>) target(%dma_start3A_260 : memref<100096xf32, #tpu.memory_space<vmem_shared>>) offsets(%arg19 : memref<4000xi32, #tpu.memory_space<vmem>>) semaphore(%arg37 : memref<!tpu.dma_semaphore, #tpu.memory_space<semaphore_mem>>) {add = true}
      %dma_start3A_261 = arith.constant 0 : i32
      %dma_start3A_262 = tpu.memref_slice %arg17[%dma_start3A_261] : memref<100096xf32, #tpu.memory_space<vmem_shared>> -> memref<100096xf32, #tpu.memory_space<vmem_shared>>
      tpu.enqueue_indirect_dma source(%arg32 : memref<4000xf32, #tpu.memory_space<vmem>>) target(%dma_start3A_262 : memref<100096xf32, #tpu.memory_space<vmem_shared>>) offsets(%arg19 : memref<4000xi32, #tpu.memory_space<vmem>>) semaphore(%arg37 : memref<!tpu.dma_semaphore, #tpu.memory_space<semaphore_mem>>) {add = true}
      %dma_wait3A_263 = arith.constant 0 : i32
      %dma_wait3A_264 = tpu.memref_slice %arg15[%dma_wait3A_263] : memref<100096xf32, #tpu.memory_space<vmem_shared>> -> memref<100096xf32, #tpu.memory_space<vmem_shared>>
      tpu.wait_indirect_dma semaphore(%arg37 : memref<!tpu.dma_semaphore, #tpu.memory_space<semaphore_mem>>) src(%arg27 : memref<4000xf32, #tpu.memory_space<vmem>>) dst(%dma_wait3A_264 : memref<100096xf32, #tpu.memory_space<vmem_shared>>)
      %dma_wait3A_265 = arith.constant 0 : i32
      %dma_wait3A_266 = tpu.memref_slice %arg16[%dma_wait3A_265] : memref<100096xf32, #tpu.memory_space<vmem_shared>> -> memref<100096xf32, #tpu.memory_space<vmem_shared>>
      tpu.wait_indirect_dma semaphore(%arg37 : memref<!tpu.dma_semaphore, #tpu.memory_space<semaphore_mem>>) src(%arg28 : memref<4000xf32, #tpu.memory_space<vmem>>) dst(%dma_wait3A_266 : memref<100096xf32, #tpu.memory_space<vmem_shared>>)
      %dma_wait3A_267 = arith.constant 0 : i32
      %dma_wait3A_268 = tpu.memref_slice %arg17[%dma_wait3A_267] : memref<100096xf32, #tpu.memory_space<vmem_shared>> -> memref<100096xf32, #tpu.memory_space<vmem_shared>>
      tpu.wait_indirect_dma semaphore(%arg37 : memref<!tpu.dma_semaphore, #tpu.memory_space<semaphore_mem>>) src(%arg29 : memref<4000xf32, #tpu.memory_space<vmem>>) dst(%dma_wait3A_268 : memref<100096xf32, #tpu.memory_space<vmem_shared>>)
      %dma_wait3A_269 = arith.constant 0 : i32
      %dma_wait3A_270 = tpu.memref_slice %arg15[%dma_wait3A_269] : memref<100096xf32, #tpu.memory_space<vmem_shared>> -> memref<100096xf32, #tpu.memory_space<vmem_shared>>
      tpu.wait_indirect_dma semaphore(%arg37 : memref<!tpu.dma_semaphore, #tpu.memory_space<semaphore_mem>>) src(%arg30 : memref<4000xf32, #tpu.memory_space<vmem>>) dst(%dma_wait3A_270 : memref<100096xf32, #tpu.memory_space<vmem_shared>>)
      %dma_wait3A_271 = arith.constant 0 : i32
      %dma_wait3A_272 = tpu.memref_slice %arg16[%dma_wait3A_271] : memref<100096xf32, #tpu.memory_space<vmem_shared>> -> memref<100096xf32, #tpu.memory_space<vmem_shared>>
      tpu.wait_indirect_dma semaphore(%arg37 : memref<!tpu.dma_semaphore, #tpu.memory_space<semaphore_mem>>) src(%arg31 : memref<4000xf32, #tpu.memory_space<vmem>>) dst(%dma_wait3A_272 : memref<100096xf32, #tpu.memory_space<vmem_shared>>)
      %dma_wait3A_273 = arith.constant 0 : i32
      %dma_wait3A_274 = tpu.memref_slice %arg17[%dma_wait3A_273] : memref<100096xf32, #tpu.memory_space<vmem_shared>> -> memref<100096xf32, #tpu.memory_space<vmem_shared>>
      tpu.wait_indirect_dma semaphore(%arg37 : memref<!tpu.dma_semaphore, #tpu.memory_space<semaphore_mem>>) src(%arg32 : memref<4000xf32, #tpu.memory_space<vmem>>) dst(%dma_wait3A_274 : memref<100096xf32, #tpu.memory_space<vmem_shared>>)
    }
    %while3A_24 = arith.constant 1 : i32
    scf.for %while3A_32 = %while3A_22 to %while3A_18 step %while3A_24  : i32 {
      %add3A_33 = arith.addi %add3A_11, %while3A_32 : i32
      %mul3A_34 = arith.constant 4000 : i32
      %mul3A_35 = arith.muli %add3A_33, %mul3A_34 : i32
      %multiple_of3A_36 = tpu.assume_multiple %mul3A_35, 4000 : i32
      %dma_start3A = tpu.memref_slice %arg2[%multiple_of3A_36] : memref<12800000xi32, #tpu.memory_space<hbm>> -> memref<4000xi32, #tpu.memory_space<hbm>>
      %dma_start3A_37 = tpu.memref_slice %arg2[%multiple_of3A_36] : memref<12800000xi32, #tpu.memory_space<hbm>> -> memref<4000xi32, #tpu.memory_space<hbm>>
      tpu.enqueue_dma source(%dma_start3A_37 : memref<4000xi32, #tpu.memory_space<hbm>>) target(%arg18 : memref<4000xi32, #tpu.memory_space<vmem>>) target_semaphore(%arg35 : memref<!tpu.dma_semaphore, #tpu.memory_space<semaphore_mem>>)
      %add3A_38 = arith.constant 6400000 : i32
      %add3A_39 = arith.addi %add3A_38, %multiple_of3A_36 : i32
      %dma_start3A_40 = tpu.memref_slice %arg2[%add3A_39] : memref<12800000xi32, #tpu.memory_space<hbm>> -> memref<4000xi32, #tpu.memory_space<hbm>>
      %dma_start3A_41 = tpu.memref_slice %arg2[%add3A_39] : memref<12800000xi32, #tpu.memory_space<hbm>> -> memref<4000xi32, #tpu.memory_space<hbm>>
      tpu.enqueue_dma source(%dma_start3A_41 : memref<4000xi32, #tpu.memory_space<hbm>>) target(%arg19 : memref<4000xi32, #tpu.memory_space<vmem>>) target_semaphore(%arg35 : memref<!tpu.dma_semaphore, #tpu.memory_space<semaphore_mem>>)
      %dma_start3A_42 = tpu.memref_slice %arg3[%multiple_of3A_36] : memref<6400000xf32, #tpu.memory_space<hbm>> -> memref<4000xf32, #tpu.memory_space<hbm>>
      %dma_start3A_43 = tpu.memref_slice %arg3[%multiple_of3A_36] : memref<6400000xf32, #tpu.memory_space<hbm>> -> memref<4000xf32, #tpu.memory_space<hbm>>
      tpu.enqueue_dma source(%dma_start3A_43 : memref<4000xf32, #tpu.memory_space<hbm>>) target(%arg20 : memref<4000xf32, #tpu.memory_space<vmem>>) target_semaphore(%arg35 : memref<!tpu.dma_semaphore, #tpu.memory_space<semaphore_mem>>)
      %dma_wait3A = tpu.memref_slice %arg2[%multiple_of3A_36] : memref<12800000xi32, #tpu.memory_space<hbm>> -> memref<4000xi32, #tpu.memory_space<hbm>>
      %dma_wait3A_44 = tpu.memref_slice %arg2[%multiple_of3A_36] : memref<12800000xi32, #tpu.memory_space<hbm>> -> memref<4000xi32, #tpu.memory_space<hbm>>
      tpu.wait_dma2 semaphore(%arg35 : memref<!tpu.dma_semaphore, #tpu.memory_space<semaphore_mem>>) src(%dma_wait3A_44 : memref<4000xi32, #tpu.memory_space<hbm>>) dst(%arg18 : memref<4000xi32, #tpu.memory_space<vmem>>)
      %dma_wait3A_45 = tpu.memref_slice %arg2[%add3A_39] : memref<12800000xi32, #tpu.memory_space<hbm>> -> memref<4000xi32, #tpu.memory_space<hbm>>
      %dma_wait3A_46 = tpu.memref_slice %arg2[%add3A_39] : memref<12800000xi32, #tpu.memory_space<hbm>> -> memref<4000xi32, #tpu.memory_space<hbm>>
      tpu.wait_dma2 semaphore(%arg35 : memref<!tpu.dma_semaphore, #tpu.memory_space<semaphore_mem>>) src(%dma_wait3A_46 : memref<4000xi32, #tpu.memory_space<hbm>>) dst(%arg19 : memref<4000xi32, #tpu.memory_space<vmem>>)
      %dma_wait3A_47 = tpu.memref_slice %arg3[%multiple_of3A_36] : memref<6400000xf32, #tpu.memory_space<hbm>> -> memref<4000xf32, #tpu.memory_space<hbm>>
      %dma_wait3A_48 = tpu.memref_slice %arg3[%multiple_of3A_36] : memref<6400000xf32, #tpu.memory_space<hbm>> -> memref<4000xf32, #tpu.memory_space<hbm>>
      tpu.wait_dma2 semaphore(%arg35 : memref<!tpu.dma_semaphore, #tpu.memory_space<semaphore_mem>>) src(%dma_wait3A_48 : memref<4000xf32, #tpu.memory_space<hbm>>) dst(%arg20 : memref<4000xf32, #tpu.memory_space<vmem>>)
      %dma_start3A_49 = arith.constant 0 : i32
      %dma_start3A_50 = tpu.memref_slice %arg12[%dma_start3A_49] : memref<100096xf32, #tpu.memory_space<vmem_shared>> -> memref<100096xf32, #tpu.memory_space<vmem_shared>>
      tpu.enqueue_indirect_dma source(%dma_start3A_50 : memref<100096xf32, #tpu.memory_space<vmem_shared>>) target(%arg21 : memref<4000xf32, #tpu.memory_space<vmem>>) offsets(%arg18 : memref<4000xi32, #tpu.memory_space<vmem>>) semaphore(%arg36 : memref<!tpu.dma_semaphore, #tpu.memory_space<semaphore_mem>>)
      %dma_start3A_51 = arith.constant 0 : i32
      %dma_start3A_52 = tpu.memref_slice %arg13[%dma_start3A_51] : memref<100096xf32, #tpu.memory_space<vmem_shared>> -> memref<100096xf32, #tpu.memory_space<vmem_shared>>
      tpu.enqueue_indirect_dma source(%dma_start3A_52 : memref<100096xf32, #tpu.memory_space<vmem_shared>>) target(%arg22 : memref<4000xf32, #tpu.memory_space<vmem>>) offsets(%arg18 : memref<4000xi32, #tpu.memory_space<vmem>>) semaphore(%arg36 : memref<!tpu.dma_semaphore, #tpu.memory_space<semaphore_mem>>)
      %dma_start3A_53 = arith.constant 0 : i32
      %dma_start3A_54 = tpu.memref_slice %arg14[%dma_start3A_53] : memref<100096xf32, #tpu.memory_space<vmem_shared>> -> memref<100096xf32, #tpu.memory_space<vmem_shared>>
      tpu.enqueue_indirect_dma source(%dma_start3A_54 : memref<100096xf32, #tpu.memory_space<vmem_shared>>) target(%arg23 : memref<4000xf32, #tpu.memory_space<vmem>>) offsets(%arg18 : memref<4000xi32, #tpu.memory_space<vmem>>) semaphore(%arg36 : memref<!tpu.dma_semaphore, #tpu.memory_space<semaphore_mem>>)
      %dma_start3A_55 = arith.constant 0 : i32
      %dma_start3A_56 = tpu.memref_slice %arg12[%dma_start3A_55] : memref<100096xf32, #tpu.memory_space<vmem_shared>> -> memref<100096xf32, #tpu.memory_space<vmem_shared>>
      tpu.enqueue_indirect_dma source(%dma_start3A_56 : memref<100096xf32, #tpu.memory_space<vmem_shared>>) target(%arg24 : memref<4000xf32, #tpu.memory_space<vmem>>) offsets(%arg19 : memref<4000xi32, #tpu.memory_space<vmem>>) semaphore(%arg36 : memref<!tpu.dma_semaphore, #tpu.memory_space<semaphore_mem>>)
      %dma_start3A_57 = arith.constant 0 : i32
      %dma_start3A_58 = tpu.memref_slice %arg13[%dma_start3A_57] : memref<100096xf32, #tpu.memory_space<vmem_shared>> -> memref<100096xf32, #tpu.memory_space<vmem_shared>>
      tpu.enqueue_indirect_dma source(%dma_start3A_58 : memref<100096xf32, #tpu.memory_space<vmem_shared>>) target(%arg25 : memref<4000xf32, #tpu.memory_space<vmem>>) offsets(%arg19 : memref<4000xi32, #tpu.memory_space<vmem>>) semaphore(%arg36 : memref<!tpu.dma_semaphore, #tpu.memory_space<semaphore_mem>>)
      %dma_start3A_59 = arith.constant 0 : i32
      %dma_start3A_60 = tpu.memref_slice %arg14[%dma_start3A_59] : memref<100096xf32, #tpu.memory_space<vmem_shared>> -> memref<100096xf32, #tpu.memory_space<vmem_shared>>
      tpu.enqueue_indirect_dma source(%dma_start3A_60 : memref<100096xf32, #tpu.memory_space<vmem_shared>>) target(%arg26 : memref<4000xf32, #tpu.memory_space<vmem>>) offsets(%arg19 : memref<4000xi32, #tpu.memory_space<vmem>>) semaphore(%arg36 : memref<!tpu.dma_semaphore, #tpu.memory_space<semaphore_mem>>)
      %dma_wait3A_61 = arith.constant 0 : i32
      %dma_wait3A_62 = tpu.memref_slice %arg12[%dma_wait3A_61] : memref<100096xf32, #tpu.memory_space<vmem_shared>> -> memref<100096xf32, #tpu.memory_space<vmem_shared>>
      tpu.wait_indirect_dma semaphore(%arg36 : memref<!tpu.dma_semaphore, #tpu.memory_space<semaphore_mem>>) src(%dma_wait3A_62 : memref<100096xf32, #tpu.memory_space<vmem_shared>>) dst(%arg21 : memref<4000xf32, #tpu.memory_space<vmem>>)
      %dma_wait3A_63 = arith.constant 0 : i32
      %dma_wait3A_64 = tpu.memref_slice %arg13[%dma_wait3A_63] : memref<100096xf32, #tpu.memory_space<vmem_shared>> -> memref<100096xf32, #tpu.memory_space<vmem_shared>>
      tpu.wait_indirect_dma semaphore(%arg36 : memref<!tpu.dma_semaphore, #tpu.memory_space<semaphore_mem>>) src(%dma_wait3A_64 : memref<100096xf32, #tpu.memory_space<vmem_shared>>) dst(%arg22 : memref<4000xf32, #tpu.memory_space<vmem>>)
      %dma_wait3A_65 = arith.constant 0 : i32
      %dma_wait3A_66 = tpu.memref_slice %arg14[%dma_wait3A_65] : memref<100096xf32, #tpu.memory_space<vmem_shared>> -> memref<100096xf32, #tpu.memory_space<vmem_shared>>
      tpu.wait_indirect_dma semaphore(%arg36 : memref<!tpu.dma_semaphore, #tpu.memory_space<semaphore_mem>>) src(%dma_wait3A_66 : memref<100096xf32, #tpu.memory_space<vmem_shared>>) dst(%arg23 : memref<4000xf32, #tpu.memory_space<vmem>>)
      %dma_wait3A_67 = arith.constant 0 : i32
      %dma_wait3A_68 = tpu.memref_slice %arg12[%dma_wait3A_67] : memref<100096xf32, #tpu.memory_space<vmem_shared>> -> memref<100096xf32, #tpu.memory_space<vmem_shared>>
      tpu.wait_indirect_dma semaphore(%arg36 : memref<!tpu.dma_semaphore, #tpu.memory_space<semaphore_mem>>) src(%dma_wait3A_68 : memref<100096xf32, #tpu.memory_space<vmem_shared>>) dst(%arg24 : memref<4000xf32, #tpu.memory_space<vmem>>)
      %dma_wait3A_69 = arith.constant 0 : i32
      %dma_wait3A_70 = tpu.memref_slice %arg13[%dma_wait3A_69] : memref<100096xf32, #tpu.memory_space<vmem_shared>> -> memref<100096xf32, #tpu.memory_space<vmem_shared>>
      tpu.wait_indirect_dma semaphore(%arg36 : memref<!tpu.dma_semaphore, #tpu.memory_space<semaphore_mem>>) src(%dma_wait3A_70 : memref<100096xf32, #tpu.memory_space<vmem_shared>>) dst(%arg25 : memref<4000xf32, #tpu.memory_space<vmem>>)
      %dma_wait3A_71 = arith.constant 0 : i32
      %dma_wait3A_72 = tpu.memref_slice %arg14[%dma_wait3A_71] : memref<100096xf32, #tpu.memory_space<vmem_shared>> -> memref<100096xf32, #tpu.memory_space<vmem_shared>>
      tpu.wait_indirect_dma semaphore(%arg36 : memref<!tpu.dma_semaphore, #tpu.memory_space<semaphore_mem>>) src(%dma_wait3A_72 : memref<100096xf32, #tpu.memory_space<vmem_shared>>) dst(%arg26 : memref<4000xf32, #tpu.memory_space<vmem>>)
      %scan3A = arith.constant 0 : i32
      %scan3A_73 = arith.constant 0 : i32
      %scan3A_74 = arith.constant 248 : i32
      %scan3A_75 = arith.addi %scan3A_73, %scan3A_74 : i32
      %scan3A_76 = arith.constant 4 : i32
      scf.for %scan3A_275 = %scan3A_73 to %scan3A_75 step %scan3A_76  : i32 {
        %mul3A_276 = arith.constant 16 : i32
        %mul3A_277 = arith.muli %scan3A_275, %mul3A_276 : i32
        %multiple_of3A_278 = tpu.assume_multiple %mul3A_277, 16 : i32
        %get3A_279 = arith.index_cast %multiple_of3A_278 : i32 to index
        %get3A_280 = tpu.vector_load %arg21[%get3A_279] {strides = array<i32>} : memref<4000xf32, #tpu.memory_space<vmem>>, vector<16xf32>,
        %get3A_281 = vector.shape_cast %get3A_280 : vector<16xf32> to vector<16xf32>
        %get3A_282 = arith.index_cast %multiple_of3A_278 : i32 to index
        %get3A_283 = tpu.vector_load %arg22[%get3A_282] {strides = array<i32>} : memref<4000xf32, #tpu.memory_space<vmem>>, vector<16xf32>,
        %get3A_284 = vector.shape_cast %get3A_283 : vector<16xf32> to vector<16xf32>
        %get3A_285 = arith.index_cast %multiple_of3A_278 : i32 to index
        %get3A_286 = tpu.vector_load %arg23[%get3A_285] {strides = array<i32>} : memref<4000xf32, #tpu.memory_space<vmem>>, vector<16xf32>,
        %get3A_287 = vector.shape_cast %get3A_286 : vector<16xf32> to vector<16xf32>
        %get3A_288 = arith.index_cast %multiple_of3A_278 : i32 to index
        %get3A_289 = tpu.vector_load %arg24[%get3A_288] {strides = array<i32>} : memref<4000xf32, #tpu.memory_space<vmem>>, vector<16xf32>,
        %get3A_290 = vector.shape_cast %get3A_289 : vector<16xf32> to vector<16xf32>
        %sub3A_291 = arith.subf %get3A_290, %get3A_281 : vector<16xf32>
        %get3A_292 = arith.index_cast %multiple_of3A_278 : i32 to index
        %get3A_293 = tpu.vector_load %arg25[%get3A_292] {strides = array<i32>} : memref<4000xf32, #tpu.memory_space<vmem>>, vector<16xf32>,
        %get3A_294 = vector.shape_cast %get3A_293 : vector<16xf32> to vector<16xf32>
        %sub3A_295 = arith.subf %get3A_294, %get3A_284 : vector<16xf32>
        %get3A_296 = arith.index_cast %multiple_of3A_278 : i32 to index
        %get3A_297 = tpu.vector_load %arg26[%get3A_296] {strides = array<i32>} : memref<4000xf32, #tpu.memory_space<vmem>>, vector<16xf32>,
        %get3A_298 = vector.shape_cast %get3A_297 : vector<16xf32> to vector<16xf32>
        %sub3A_299 = arith.subf %get3A_298, %get3A_287 : vector<16xf32>
        %get3A_300 = arith.index_cast %multiple_of3A_278 : i32 to index
        %get3A_301 = tpu.vector_load %arg20[%get3A_300] {strides = array<i32>} : memref<4000xf32, #tpu.memory_space<vmem>>, vector<16xf32>,
        %get3A_302 = vector.shape_cast %get3A_301 : vector<16xf32> to vector<16xf32>
        %mul3A_303 = arith.mulf %sub3A_291, %sub3A_291 : vector<16xf32>
        %mul3A_304 = arith.mulf %sub3A_295, %sub3A_295 : vector<16xf32>
        %add3A_305 = arith.addf %mul3A_303, %mul3A_304 : vector<16xf32>
        %mul3A_306 = arith.mulf %sub3A_299, %sub3A_299 : vector<16xf32>
        %add3A_307 = arith.addf %add3A_305, %mul3A_306 : vector<16xf32>
        %bitcast_convert_type3A_308 = tpu.bitcast %add3A_307 : vector<16xf32> -> vector<16xi32>
        %shift_right_logical3A_309 = arith.constant 1 : i32
        %shift_right_logical3A_310 = vector.broadcast %shift_right_logical3A_309 : i32 to vector<16xi32>
        %shift_right_logical3A_311 = arith.shrui %bitcast_convert_type3A_308, %shift_right_logical3A_310 : vector<16xi32>
        %sub3A_312 = arith.constant 1597463007 : i32
        %sub3A_313 = vector.broadcast %sub3A_312 : i32 to vector<16xi32>
        %sub3A_314 = arith.subi %sub3A_313, %shift_right_logical3A_311 : vector<16xi32>
        %bitcast_convert_type3A_315 = tpu.bitcast %sub3A_314 : vector<16xi32> -> vector<16xf32>
        %mul3A_316 = arith.constant 5.000000e-01 : f32
        %mul3A_317 = vector.broadcast %mul3A_316 : f32 to vector<16xf32>
        %mul3A_318 = arith.mulf %add3A_307, %mul3A_317 : vector<16xf32>
        %mul3A_319 = arith.mulf %mul3A_318, %bitcast_convert_type3A_315 : vector<16xf32>
        %mul3A_320 = arith.mulf %mul3A_319, %bitcast_convert_type3A_315 : vector<16xf32>
        %sub3A_321 = arith.constant 1.500000e+00 : f32
        %sub3A_322 = vector.broadcast %sub3A_321 : f32 to vector<16xf32>
        %sub3A_323 = arith.subf %sub3A_322, %mul3A_320 : vector<16xf32>
        %mul3A_324 = arith.mulf %bitcast_convert_type3A_315, %sub3A_323 : vector<16xf32>
        %mul3A_325 = arith.mulf %get3A_302, %mul3A_324 : vector<16xf32>
        %mul3A_326 = arith.mulf %sub3A_291, %mul3A_325 : vector<16xf32>
        %mul3A_327 = arith.mulf %sub3A_295, %mul3A_325 : vector<16xf32>
        %mul3A_328 = arith.mulf %sub3A_299, %mul3A_325 : vector<16xf32>
        %mul3A_329 = arith.mulf %add3A_307, %mul3A_324 : vector<16xf32>
        %mul3A_330 = arith.mulf %mul3A_329, %mul3A_7 : vector<16xf32>
        %neg3A_331 = arith.constant 0.000000e+00 : f32
        %neg3A_332 = vector.broadcast %neg3A_331 : f32 to vector<16xf32>
        %neg3A_333 = arith.subf %neg3A_332, %mul3A_326 : vector<16xf32>
        %swap3A_334 = arith.index_cast %multiple_of3A_278 : i32 to index
        %swap3A_335 = tpu.vector_load %arg27[%swap3A_334] {strides = array<i32>} : memref<4000xf32, #tpu.memory_space<vmem>>, vector<16xf32>,
        %swap3A_336 = vector.shape_cast %swap3A_335 : vector<16xf32> to vector<16xf32>
        %swap3A_337 = vector.shape_cast %neg3A_333 : vector<16xf32> to vector<16xf32>
        tpu.vector_store %arg27[%swap3A_334], %swap3A_337 {strides = array<i32>} : memref<4000xf32, #tpu.memory_space<vmem>>, vector<16xf32>,
        %neg3A_338 = arith.constant 0.000000e+00 : f32
        %neg3A_339 = vector.broadcast %neg3A_338 : f32 to vector<16xf32>
        %neg3A_340 = arith.subf %neg3A_339, %mul3A_327 : vector<16xf32>
        %swap3A_341 = arith.index_cast %multiple_of3A_278 : i32 to index
        %swap3A_342 = tpu.vector_load %arg28[%swap3A_341] {strides = array<i32>} : memref<4000xf32, #tpu.memory_space<vmem>>, vector<16xf32>,
        %swap3A_343 = vector.shape_cast %swap3A_342 : vector<16xf32> to vector<16xf32>
        %swap3A_344 = vector.shape_cast %neg3A_340 : vector<16xf32> to vector<16xf32>
        tpu.vector_store %arg28[%swap3A_341], %swap3A_344 {strides = array<i32>} : memref<4000xf32, #tpu.memory_space<vmem>>, vector<16xf32>,
        %sub3A_345 = arith.subf %mul3A_330, %mul3A_328 : vector<16xf32>
        %swap3A_346 = arith.index_cast %multiple_of3A_278 : i32 to index
        %swap3A_347 = tpu.vector_load %arg29[%swap3A_346] {strides = array<i32>} : memref<4000xf32, #tpu.memory_space<vmem>>, vector<16xf32>,
        %swap3A_348 = vector.shape_cast %swap3A_347 : vector<16xf32> to vector<16xf32>
        %swap3A_349 = vector.shape_cast %sub3A_345 : vector<16xf32> to vector<16xf32>
        tpu.vector_store %arg29[%swap3A_346], %swap3A_349 {strides = array<i32>} : memref<4000xf32, #tpu.memory_space<vmem>>, vector<16xf32>,
        %swap3A_350 = arith.index_cast %multiple_of3A_278 : i32 to index
        %swap3A_351 = tpu.vector_load %arg30[%swap3A_350] {strides = array<i32>} : memref<4000xf32, #tpu.memory_space<vmem>>, vector<16xf32>,
        %swap3A_352 = vector.shape_cast %swap3A_351 : vector<16xf32> to vector<16xf32>
        %swap3A_353 = vector.shape_cast %mul3A_326 : vector<16xf32> to vector<16xf32>
        tpu.vector_store %arg30[%swap3A_350], %swap3A_353 {strides = array<i32>} : memref<4000xf32, #tpu.memory_space<vmem>>, vector<16xf32>,
        %swap3A_354 = arith.index_cast %multiple_of3A_278 : i32 to index
        %swap3A_355 = tpu.vector_load %arg31[%swap3A_354] {strides = array<i32>} : memref<4000xf32, #tpu.memory_space<vmem>>, vector<16xf32>,
        %swap3A_356 = vector.shape_cast %swap3A_355 : vector<16xf32> to vector<16xf32>
        %swap3A_357 = vector.shape_cast %mul3A_327 : vector<16xf32> to vector<16xf32>
        tpu.vector_store %arg31[%swap3A_354], %swap3A_357 {strides = array<i32>} : memref<4000xf32, #tpu.memory_space<vmem>>, vector<16xf32>,
        %add3A_358 = arith.addf %mul3A_330, %mul3A_328 : vector<16xf32>
        %swap3A_359 = arith.index_cast %multiple_of3A_278 : i32 to index
        %swap3A_360 = tpu.vector_load %arg32[%swap3A_359] {strides = array<i32>} : memref<4000xf32, #tpu.memory_space<vmem>>, vector<16xf32>,
        %swap3A_361 = vector.shape_cast %swap3A_360 : vector<16xf32> to vector<16xf32>
        %swap3A_362 = vector.shape_cast %add3A_358 : vector<16xf32> to vector<16xf32>
        tpu.vector_store %arg32[%swap3A_359], %swap3A_362 {strides = array<i32>} : memref<4000xf32, #tpu.memory_space<vmem>>, vector<16xf32>,
        %scan3A_363 = arith.constant 1 : i32
        %scan3A_364 = arith.addi %scan3A_275, %scan3A_363 : i32
        %mul3A_365 = arith.constant 16 : i32
        %mul3A_366 = arith.muli %scan3A_364, %mul3A_365 : i32
        %multiple_of3A_367 = tpu.assume_multiple %mul3A_366, 16 : i32
        %get3A_368 = arith.index_cast %multiple_of3A_367 : i32 to index
        %get3A_369 = tpu.vector_load %arg21[%get3A_368] {strides = array<i32>} : memref<4000xf32, #tpu.memory_space<vmem>>, vector<16xf32>,
        %get3A_370 = vector.shape_cast %get3A_369 : vector<16xf32> to vector<16xf32>
        %get3A_371 = arith.index_cast %multiple_of3A_367 : i32 to index
        %get3A_372 = tpu.vector_load %arg22[%get3A_371] {strides = array<i32>} : memref<4000xf32, #tpu.memory_space<vmem>>, vector<16xf32>,
        %get3A_373 = vector.shape_cast %get3A_372 : vector<16xf32> to vector<16xf32>
        %get3A_374 = arith.index_cast %multiple_of3A_367 : i32 to index
        %get3A_375 = tpu.vector_load %arg23[%get3A_374] {strides = array<i32>} : memref<4000xf32, #tpu.memory_space<vmem>>, vector<16xf32>,
        %get3A_376 = vector.shape_cast %get3A_375 : vector<16xf32> to vector<16xf32>
        %get3A_377 = arith.index_cast %multiple_of3A_367 : i32 to index
        %get3A_378 = tpu.vector_load %arg24[%get3A_377] {strides = array<i32>} : memref<4000xf32, #tpu.memory_space<vmem>>, vector<16xf32>,
        %get3A_379 = vector.shape_cast %get3A_378 : vector<16xf32> to vector<16xf32>
        %sub3A_380 = arith.subf %get3A_379, %get3A_370 : vector<16xf32>
        %get3A_381 = arith.index_cast %multiple_of3A_367 : i32 to index
        %get3A_382 = tpu.vector_load %arg25[%get3A_381] {strides = array<i32>} : memref<4000xf32, #tpu.memory_space<vmem>>, vector<16xf32>,
        %get3A_383 = vector.shape_cast %get3A_382 : vector<16xf32> to vector<16xf32>
        %sub3A_384 = arith.subf %get3A_383, %get3A_373 : vector<16xf32>
        %get3A_385 = arith.index_cast %multiple_of3A_367 : i32 to index
        %get3A_386 = tpu.vector_load %arg26[%get3A_385] {strides = array<i32>} : memref<4000xf32, #tpu.memory_space<vmem>>, vector<16xf32>,
        %get3A_387 = vector.shape_cast %get3A_386 : vector<16xf32> to vector<16xf32>
        %sub3A_388 = arith.subf %get3A_387, %get3A_376 : vector<16xf32>
        %get3A_389 = arith.index_cast %multiple_of3A_367 : i32 to index
        %get3A_390 = tpu.vector_load %arg20[%get3A_389] {strides = array<i32>} : memref<4000xf32, #tpu.memory_space<vmem>>, vector<16xf32>,
        %get3A_391 = vector.shape_cast %get3A_390 : vector<16xf32> to vector<16xf32>
        %mul3A_392 = arith.mulf %sub3A_380, %sub3A_380 : vector<16xf32>
        %mul3A_393 = arith.mulf %sub3A_384, %sub3A_384 : vector<16xf32>
        %add3A_394 = arith.addf %mul3A_392, %mul3A_393 : vector<16xf32>
        %mul3A_395 = arith.mulf %sub3A_388, %sub3A_388 : vector<16xf32>
        %add3A_396 = arith.addf %add3A_394, %mul3A_395 : vector<16xf32>
        %bitcast_convert_type3A_397 = tpu.bitcast %add3A_396 : vector<16xf32> -> vector<16xi32>
        %shift_right_logical3A_398 = arith.constant 1 : i32
        %shift_right_logical3A_399 = vector.broadcast %shift_right_logical3A_398 : i32 to vector<16xi32>
        %shift_right_logical3A_400 = arith.shrui %bitcast_convert_type3A_397, %shift_right_logical3A_399 : vector<16xi32>
        %sub3A_401 = arith.constant 1597463007 : i32
        %sub3A_402 = vector.broadcast %sub3A_401 : i32 to vector<16xi32>
        %sub3A_403 = arith.subi %sub3A_402, %shift_right_logical3A_400 : vector<16xi32>
        %bitcast_convert_type3A_404 = tpu.bitcast %sub3A_403 : vector<16xi32> -> vector<16xf32>
        %mul3A_405 = arith.constant 5.000000e-01 : f32
        %mul3A_406 = vector.broadcast %mul3A_405 : f32 to vector<16xf32>
        %mul3A_407 = arith.mulf %add3A_396, %mul3A_406 : vector<16xf32>
        %mul3A_408 = arith.mulf %mul3A_407, %bitcast_convert_type3A_404 : vector<16xf32>
        %mul3A_409 = arith.mulf %mul3A_408, %bitcast_convert_type3A_404 : vector<16xf32>
        %sub3A_410 = arith.constant 1.500000e+00 : f32
        %sub3A_411 = vector.broadcast %sub3A_410 : f32 to vector<16xf32>
        %sub3A_412 = arith.subf %sub3A_411, %mul3A_409 : vector<16xf32>
        %mul3A_413 = arith.mulf %bitcast_convert_type3A_404, %sub3A_412 : vector<16xf32>
        %mul3A_414 = arith.mulf %get3A_391, %mul3A_413 : vector<16xf32>
        %mul3A_415 = arith.mulf %sub3A_380, %mul3A_414 : vector<16xf32>
        %mul3A_416 = arith.mulf %sub3A_384, %mul3A_414 : vector<16xf32>
        %mul3A_417 = arith.mulf %sub3A_388, %mul3A_414 : vector<16xf32>
        %mul3A_418 = arith.mulf %add3A_396, %mul3A_413 : vector<16xf32>
        %mul3A_419 = arith.mulf %mul3A_418, %mul3A_7 : vector<16xf32>
        %neg3A_420 = arith.constant 0.000000e+00 : f32
        %neg3A_421 = vector.broadcast %neg3A_420 : f32 to vector<16xf32>
        %neg3A_422 = arith.subf %neg3A_421, %mul3A_415 : vector<16xf32>
        %swap3A_423 = arith.index_cast %multiple_of3A_367 : i32 to index
        %swap3A_424 = tpu.vector_load %arg27[%swap3A_423] {strides = array<i32>} : memref<4000xf32, #tpu.memory_space<vmem>>, vector<16xf32>,
        %swap3A_425 = vector.shape_cast %swap3A_424 : vector<16xf32> to vector<16xf32>
        %swap3A_426 = vector.shape_cast %neg3A_422 : vector<16xf32> to vector<16xf32>
        tpu.vector_store %arg27[%swap3A_423], %swap3A_426 {strides = array<i32>} : memref<4000xf32, #tpu.memory_space<vmem>>, vector<16xf32>,
        %neg3A_427 = arith.constant 0.000000e+00 : f32
        %neg3A_428 = vector.broadcast %neg3A_427 : f32 to vector<16xf32>
        %neg3A_429 = arith.subf %neg3A_428, %mul3A_416 : vector<16xf32>
        %swap3A_430 = arith.index_cast %multiple_of3A_367 : i32 to index
        %swap3A_431 = tpu.vector_load %arg28[%swap3A_430] {strides = array<i32>} : memref<4000xf32, #tpu.memory_space<vmem>>, vector<16xf32>,
        %swap3A_432 = vector.shape_cast %swap3A_431 : vector<16xf32> to vector<16xf32>
        %swap3A_433 = vector.shape_cast %neg3A_429 : vector<16xf32> to vector<16xf32>
        tpu.vector_store %arg28[%swap3A_430], %swap3A_433 {strides = array<i32>} : memref<4000xf32, #tpu.memory_space<vmem>>, vector<16xf32>,
        %sub3A_434 = arith.subf %mul3A_419, %mul3A_417 : vector<16xf32>
        %swap3A_435 = arith.index_cast %multiple_of3A_367 : i32 to index
        %swap3A_436 = tpu.vector_load %arg29[%swap3A_435] {strides = array<i32>} : memref<4000xf32, #tpu.memory_space<vmem>>, vector<16xf32>,
        %swap3A_437 = vector.shape_cast %swap3A_436 : vector<16xf32> to vector<16xf32>
        %swap3A_438 = vector.shape_cast %sub3A_434 : vector<16xf32> to vector<16xf32>
        tpu.vector_store %arg29[%swap3A_435], %swap3A_438 {strides = array<i32>} : memref<4000xf32, #tpu.memory_space<vmem>>, vector<16xf32>,
        %swap3A_439 = arith.index_cast %multiple_of3A_367 : i32 to index
        %swap3A_440 = tpu.vector_load %arg30[%swap3A_439] {strides = array<i32>} : memref<4000xf32, #tpu.memory_space<vmem>>, vector<16xf32>,
        %swap3A_441 = vector.shape_cast %swap3A_440 : vector<16xf32> to vector<16xf32>
        %swap3A_442 = vector.shape_cast %mul3A_415 : vector<16xf32> to vector<16xf32>
        tpu.vector_store %arg30[%swap3A_439], %swap3A_442 {strides = array<i32>} : memref<4000xf32, #tpu.memory_space<vmem>>, vector<16xf32>,
        %swap3A_443 = arith.index_cast %multiple_of3A_367 : i32 to index
        %swap3A_444 = tpu.vector_load %arg31[%swap3A_443] {strides = array<i32>} : memref<4000xf32, #tpu.memory_space<vmem>>, vector<16xf32>,
        %swap3A_445 = vector.shape_cast %swap3A_444 : vector<16xf32> to vector<16xf32>
        %swap3A_446 = vector.shape_cast %mul3A_416 : vector<16xf32> to vector<16xf32>
        tpu.vector_store %arg31[%swap3A_443], %swap3A_446 {strides = array<i32>} : memref<4000xf32, #tpu.memory_space<vmem>>, vector<16xf32>,
        %add3A_447 = arith.addf %mul3A_419, %mul3A_417 : vector<16xf32>
        %swap3A_448 = arith.index_cast %multiple_of3A_367 : i32 to index
        %swap3A_449 = tpu.vector_load %arg32[%swap3A_448] {strides = array<i32>} : memref<4000xf32, #tpu.memory_space<vmem>>, vector<16xf32>,
        %swap3A_450 = vector.shape_cast %swap3A_449 : vector<16xf32> to vector<16xf32>
        %swap3A_451 = vector.shape_cast %add3A_447 : vector<16xf32> to vector<16xf32>
        tpu.vector_store %arg32[%swap3A_448], %swap3A_451 {strides = array<i32>} : memref<4000xf32, #tpu.memory_space<vmem>>, vector<16xf32>,
        %scan3A_452 = arith.constant 2 : i32
        %scan3A_453 = arith.addi %scan3A_275, %scan3A_452 : i32
        %mul3A_454 = arith.constant 16 : i32
        %mul3A_455 = arith.muli %scan3A_453, %mul3A_454 : i32
        %multiple_of3A_456 = tpu.assume_multiple %mul3A_455, 16 : i32
        %get3A_457 = arith.index_cast %multiple_of3A_456 : i32 to index
        %get3A_458 = tpu.vector_load %arg21[%get3A_457] {strides = array<i32>} : memref<4000xf32, #tpu.memory_space<vmem>>, vector<16xf32>,
        %get3A_459 = vector.shape_cast %get3A_458 : vector<16xf32> to vector<16xf32>
        %get3A_460 = arith.index_cast %multiple_of3A_456 : i32 to index
        %get3A_461 = tpu.vector_load %arg22[%get3A_460] {strides = array<i32>} : memref<4000xf32, #tpu.memory_space<vmem>>, vector<16xf32>,
        %get3A_462 = vector.shape_cast %get3A_461 : vector<16xf32> to vector<16xf32>
        %get3A_463 = arith.index_cast %multiple_of3A_456 : i32 to index
        %get3A_464 = tpu.vector_load %arg23[%get3A_463] {strides = array<i32>} : memref<4000xf32, #tpu.memory_space<vmem>>, vector<16xf32>,
        %get3A_465 = vector.shape_cast %get3A_464 : vector<16xf32> to vector<16xf32>
        %get3A_466 = arith.index_cast %multiple_of3A_456 : i32 to index
        %get3A_467 = tpu.vector_load %arg24[%get3A_466] {strides = array<i32>} : memref<4000xf32, #tpu.memory_space<vmem>>, vector<16xf32>,
        %get3A_468 = vector.shape_cast %get3A_467 : vector<16xf32> to vector<16xf32>
        %sub3A_469 = arith.subf %get3A_468, %get3A_459 : vector<16xf32>
        %get3A_470 = arith.index_cast %multiple_of3A_456 : i32 to index
        %get3A_471 = tpu.vector_load %arg25[%get3A_470] {strides = array<i32>} : memref<4000xf32, #tpu.memory_space<vmem>>, vector<16xf32>,
        %get3A_472 = vector.shape_cast %get3A_471 : vector<16xf32> to vector<16xf32>
        %sub3A_473 = arith.subf %get3A_472, %get3A_462 : vector<16xf32>
        %get3A_474 = arith.index_cast %multiple_of3A_456 : i32 to index
        %get3A_475 = tpu.vector_load %arg26[%get3A_474] {strides = array<i32>} : memref<4000xf32, #tpu.memory_space<vmem>>, vector<16xf32>,
        %get3A_476 = vector.shape_cast %get3A_475 : vector<16xf32> to vector<16xf32>
        %sub3A_477 = arith.subf %get3A_476, %get3A_465 : vector<16xf32>
        %get3A_478 = arith.index_cast %multiple_of3A_456 : i32 to index
        %get3A_479 = tpu.vector_load %arg20[%get3A_478] {strides = array<i32>} : memref<4000xf32, #tpu.memory_space<vmem>>, vector<16xf32>,
        %get3A_480 = vector.shape_cast %get3A_479 : vector<16xf32> to vector<16xf32>
        %mul3A_481 = arith.mulf %sub3A_469, %sub3A_469 : vector<16xf32>
        %mul3A_482 = arith.mulf %sub3A_473, %sub3A_473 : vector<16xf32>
        %add3A_483 = arith.addf %mul3A_481, %mul3A_482 : vector<16xf32>
        %mul3A_484 = arith.mulf %sub3A_477, %sub3A_477 : vector<16xf32>
        %add3A_485 = arith.addf %add3A_483, %mul3A_484 : vector<16xf32>
        %bitcast_convert_type3A_486 = tpu.bitcast %add3A_485 : vector<16xf32> -> vector<16xi32>
        %shift_right_logical3A_487 = arith.constant 1 : i32
        %shift_right_logical3A_488 = vector.broadcast %shift_right_logical3A_487 : i32 to vector<16xi32>
        %shift_right_logical3A_489 = arith.shrui %bitcast_convert_type3A_486, %shift_right_logical3A_488 : vector<16xi32>
        %sub3A_490 = arith.constant 1597463007 : i32
        %sub3A_491 = vector.broadcast %sub3A_490 : i32 to vector<16xi32>
        %sub3A_492 = arith.subi %sub3A_491, %shift_right_logical3A_489 : vector<16xi32>
        %bitcast_convert_type3A_493 = tpu.bitcast %sub3A_492 : vector<16xi32> -> vector<16xf32>
        %mul3A_494 = arith.constant 5.000000e-01 : f32
        %mul3A_495 = vector.broadcast %mul3A_494 : f32 to vector<16xf32>
        %mul3A_496 = arith.mulf %add3A_485, %mul3A_495 : vector<16xf32>
        %mul3A_497 = arith.mulf %mul3A_496, %bitcast_convert_type3A_493 : vector<16xf32>
        %mul3A_498 = arith.mulf %mul3A_497, %bitcast_convert_type3A_493 : vector<16xf32>
        %sub3A_499 = arith.constant 1.500000e+00 : f32
        %sub3A_500 = vector.broadcast %sub3A_499 : f32 to vector<16xf32>
        %sub3A_501 = arith.subf %sub3A_500, %mul3A_498 : vector<16xf32>
        %mul3A_502 = arith.mulf %bitcast_convert_type3A_493, %sub3A_501 : vector<16xf32>
        %mul3A_503 = arith.mulf %get3A_480, %mul3A_502 : vector<16xf32>
        %mul3A_504 = arith.mulf %sub3A_469, %mul3A_503 : vector<16xf32>
        %mul3A_505 = arith.mulf %sub3A_473, %mul3A_503 : vector<16xf32>
        %mul3A_506 = arith.mulf %sub3A_477, %mul3A_503 : vector<16xf32>
        %mul3A_507 = arith.mulf %add3A_485, %mul3A_502 : vector<16xf32>
        %mul3A_508 = arith.mulf %mul3A_507, %mul3A_7 : vector<16xf32>
        %neg3A_509 = arith.constant 0.000000e+00 : f32
        %neg3A_510 = vector.broadcast %neg3A_509 : f32 to vector<16xf32>
        %neg3A_511 = arith.subf %neg3A_510, %mul3A_504 : vector<16xf32>
        %swap3A_512 = arith.index_cast %multiple_of3A_456 : i32 to index
        %swap3A_513 = tpu.vector_load %arg27[%swap3A_512] {strides = array<i32>} : memref<4000xf32, #tpu.memory_space<vmem>>, vector<16xf32>,
        %swap3A_514 = vector.shape_cast %swap3A_513 : vector<16xf32> to vector<16xf32>
        %swap3A_515 = vector.shape_cast %neg3A_511 : vector<16xf32> to vector<16xf32>
        tpu.vector_store %arg27[%swap3A_512], %swap3A_515 {strides = array<i32>} : memref<4000xf32, #tpu.memory_space<vmem>>, vector<16xf32>,
        %neg3A_516 = arith.constant 0.000000e+00 : f32
        %neg3A_517 = vector.broadcast %neg3A_516 : f32 to vector<16xf32>
        %neg3A_518 = arith.subf %neg3A_517, %mul3A_505 : vector<16xf32>
        %swap3A_519 = arith.index_cast %multiple_of3A_456 : i32 to index
        %swap3A_520 = tpu.vector_load %arg28[%swap3A_519] {strides = array<i32>} : memref<4000xf32, #tpu.memory_space<vmem>>, vector<16xf32>,
        %swap3A_521 = vector.shape_cast %swap3A_520 : vector<16xf32> to vector<16xf32>
        %swap3A_522 = vector.shape_cast %neg3A_518 : vector<16xf32> to vector<16xf32>
        tpu.vector_store %arg28[%swap3A_519], %swap3A_522 {strides = array<i32>} : memref<4000xf32, #tpu.memory_space<vmem>>, vector<16xf32>,
        %sub3A_523 = arith.subf %mul3A_508, %mul3A_506 : vector<16xf32>
        %swap3A_524 = arith.index_cast %multiple_of3A_456 : i32 to index
        %swap3A_525 = tpu.vector_load %arg29[%swap3A_524] {strides = array<i32>} : memref<4000xf32, #tpu.memory_space<vmem>>, vector<16xf32>,
        %swap3A_526 = vector.shape_cast %swap3A_525 : vector<16xf32> to vector<16xf32>
        %swap3A_527 = vector.shape_cast %sub3A_523 : vector<16xf32> to vector<16xf32>
        tpu.vector_store %arg29[%swap3A_524], %swap3A_527 {strides = array<i32>} : memref<4000xf32, #tpu.memory_space<vmem>>, vector<16xf32>,
        %swap3A_528 = arith.index_cast %multiple_of3A_456 : i32 to index
        %swap3A_529 = tpu.vector_load %arg30[%swap3A_528] {strides = array<i32>} : memref<4000xf32, #tpu.memory_space<vmem>>, vector<16xf32>,
        %swap3A_530 = vector.shape_cast %swap3A_529 : vector<16xf32> to vector<16xf32>
        %swap3A_531 = vector.shape_cast %mul3A_504 : vector<16xf32> to vector<16xf32>
        tpu.vector_store %arg30[%swap3A_528], %swap3A_531 {strides = array<i32>} : memref<4000xf32, #tpu.memory_space<vmem>>, vector<16xf32>,
        %swap3A_532 = arith.index_cast %multiple_of3A_456 : i32 to index
        %swap3A_533 = tpu.vector_load %arg31[%swap3A_532] {strides = array<i32>} : memref<4000xf32, #tpu.memory_space<vmem>>, vector<16xf32>,
        %swap3A_534 = vector.shape_cast %swap3A_533 : vector<16xf32> to vector<16xf32>
        %swap3A_535 = vector.shape_cast %mul3A_505 : vector<16xf32> to vector<16xf32>
        tpu.vector_store %arg31[%swap3A_532], %swap3A_535 {strides = array<i32>} : memref<4000xf32, #tpu.memory_space<vmem>>, vector<16xf32>,
        %add3A_536 = arith.addf %mul3A_508, %mul3A_506 : vector<16xf32>
        %swap3A_537 = arith.index_cast %multiple_of3A_456 : i32 to index
        %swap3A_538 = tpu.vector_load %arg32[%swap3A_537] {strides = array<i32>} : memref<4000xf32, #tpu.memory_space<vmem>>, vector<16xf32>,
        %swap3A_539 = vector.shape_cast %swap3A_538 : vector<16xf32> to vector<16xf32>
        %swap3A_540 = vector.shape_cast %add3A_536 : vector<16xf32> to vector<16xf32>
        tpu.vector_store %arg32[%swap3A_537], %swap3A_540 {strides = array<i32>} : memref<4000xf32, #tpu.memory_space<vmem>>, vector<16xf32>,
        %scan3A_541 = arith.constant 3 : i32
        %scan3A_542 = arith.addi %scan3A_275, %scan3A_541 : i32
        %mul3A_543 = arith.constant 16 : i32
        %mul3A_544 = arith.muli %scan3A_542, %mul3A_543 : i32
        %multiple_of3A_545 = tpu.assume_multiple %mul3A_544, 16 : i32
        %get3A_546 = arith.index_cast %multiple_of3A_545 : i32 to index
        %get3A_547 = tpu.vector_load %arg21[%get3A_546] {strides = array<i32>} : memref<4000xf32, #tpu.memory_space<vmem>>, vector<16xf32>,
        %get3A_548 = vector.shape_cast %get3A_547 : vector<16xf32> to vector<16xf32>
        %get3A_549 = arith.index_cast %multiple_of3A_545 : i32 to index
        %get3A_550 = tpu.vector_load %arg22[%get3A_549] {strides = array<i32>} : memref<4000xf32, #tpu.memory_space<vmem>>, vector<16xf32>,
        %get3A_551 = vector.shape_cast %get3A_550 : vector<16xf32> to vector<16xf32>
        %get3A_552 = arith.index_cast %multiple_of3A_545 : i32 to index
        %get3A_553 = tpu.vector_load %arg23[%get3A_552] {strides = array<i32>} : memref<4000xf32, #tpu.memory_space<vmem>>, vector<16xf32>,
        %get3A_554 = vector.shape_cast %get3A_553 : vector<16xf32> to vector<16xf32>
        %get3A_555 = arith.index_cast %multiple_of3A_545 : i32 to index
        %get3A_556 = tpu.vector_load %arg24[%get3A_555] {strides = array<i32>} : memref<4000xf32, #tpu.memory_space<vmem>>, vector<16xf32>,
        %get3A_557 = vector.shape_cast %get3A_556 : vector<16xf32> to vector<16xf32>
        %sub3A_558 = arith.subf %get3A_557, %get3A_548 : vector<16xf32>
        %get3A_559 = arith.index_cast %multiple_of3A_545 : i32 to index
        %get3A_560 = tpu.vector_load %arg25[%get3A_559] {strides = array<i32>} : memref<4000xf32, #tpu.memory_space<vmem>>, vector<16xf32>,
        %get3A_561 = vector.shape_cast %get3A_560 : vector<16xf32> to vector<16xf32>
        %sub3A_562 = arith.subf %get3A_561, %get3A_551 : vector<16xf32>
        %get3A_563 = arith.index_cast %multiple_of3A_545 : i32 to index
        %get3A_564 = tpu.vector_load %arg26[%get3A_563] {strides = array<i32>} : memref<4000xf32, #tpu.memory_space<vmem>>, vector<16xf32>,
        %get3A_565 = vector.shape_cast %get3A_564 : vector<16xf32> to vector<16xf32>
        %sub3A_566 = arith.subf %get3A_565, %get3A_554 : vector<16xf32>
        %get3A_567 = arith.index_cast %multiple_of3A_545 : i32 to index
        %get3A_568 = tpu.vector_load %arg20[%get3A_567] {strides = array<i32>} : memref<4000xf32, #tpu.memory_space<vmem>>, vector<16xf32>,
        %get3A_569 = vector.shape_cast %get3A_568 : vector<16xf32> to vector<16xf32>
        %mul3A_570 = arith.mulf %sub3A_558, %sub3A_558 : vector<16xf32>
        %mul3A_571 = arith.mulf %sub3A_562, %sub3A_562 : vector<16xf32>
        %add3A_572 = arith.addf %mul3A_570, %mul3A_571 : vector<16xf32>
        %mul3A_573 = arith.mulf %sub3A_566, %sub3A_566 : vector<16xf32>
        %add3A_574 = arith.addf %add3A_572, %mul3A_573 : vector<16xf32>
        %bitcast_convert_type3A_575 = tpu.bitcast %add3A_574 : vector<16xf32> -> vector<16xi32>
        %shift_right_logical3A_576 = arith.constant 1 : i32
        %shift_right_logical3A_577 = vector.broadcast %shift_right_logical3A_576 : i32 to vector<16xi32>
        %shift_right_logical3A_578 = arith.shrui %bitcast_convert_type3A_575, %shift_right_logical3A_577 : vector<16xi32>
        %sub3A_579 = arith.constant 1597463007 : i32
        %sub3A_580 = vector.broadcast %sub3A_579 : i32 to vector<16xi32>
        %sub3A_581 = arith.subi %sub3A_580, %shift_right_logical3A_578 : vector<16xi32>
        %bitcast_convert_type3A_582 = tpu.bitcast %sub3A_581 : vector<16xi32> -> vector<16xf32>
        %mul3A_583 = arith.constant 5.000000e-01 : f32
        %mul3A_584 = vector.broadcast %mul3A_583 : f32 to vector<16xf32>
        %mul3A_585 = arith.mulf %add3A_574, %mul3A_584 : vector<16xf32>
        %mul3A_586 = arith.mulf %mul3A_585, %bitcast_convert_type3A_582 : vector<16xf32>
        %mul3A_587 = arith.mulf %mul3A_586, %bitcast_convert_type3A_582 : vector<16xf32>
        %sub3A_588 = arith.constant 1.500000e+00 : f32
        %sub3A_589 = vector.broadcast %sub3A_588 : f32 to vector<16xf32>
        %sub3A_590 = arith.subf %sub3A_589, %mul3A_587 : vector<16xf32>
        %mul3A_591 = arith.mulf %bitcast_convert_type3A_582, %sub3A_590 : vector<16xf32>
        %mul3A_592 = arith.mulf %get3A_569, %mul3A_591 : vector<16xf32>
        %mul3A_593 = arith.mulf %sub3A_558, %mul3A_592 : vector<16xf32>
        %mul3A_594 = arith.mulf %sub3A_562, %mul3A_592 : vector<16xf32>
        %mul3A_595 = arith.mulf %sub3A_566, %mul3A_592 : vector<16xf32>
        %mul3A_596 = arith.mulf %add3A_574, %mul3A_591 : vector<16xf32>
        %mul3A_597 = arith.mulf %mul3A_596, %mul3A_7 : vector<16xf32>
        %neg3A_598 = arith.constant 0.000000e+00 : f32
        %neg3A_599 = vector.broadcast %neg3A_598 : f32 to vector<16xf32>
        %neg3A_600 = arith.subf %neg3A_599, %mul3A_593 : vector<16xf32>
        %swap3A_601 = arith.index_cast %multiple_of3A_545 : i32 to index
        %swap3A_602 = tpu.vector_load %arg27[%swap3A_601] {strides = array<i32>} : memref<4000xf32, #tpu.memory_space<vmem>>, vector<16xf32>,
        %swap3A_603 = vector.shape_cast %swap3A_602 : vector<16xf32> to vector<16xf32>
        %swap3A_604 = vector.shape_cast %neg3A_600 : vector<16xf32> to vector<16xf32>
        tpu.vector_store %arg27[%swap3A_601], %swap3A_604 {strides = array<i32>} : memref<4000xf32, #tpu.memory_space<vmem>>, vector<16xf32>,
        %neg3A_605 = arith.constant 0.000000e+00 : f32
        %neg3A_606 = vector.broadcast %neg3A_605 : f32 to vector<16xf32>
        %neg3A_607 = arith.subf %neg3A_606, %mul3A_594 : vector<16xf32>
        %swap3A_608 = arith.index_cast %multiple_of3A_545 : i32 to index
        %swap3A_609 = tpu.vector_load %arg28[%swap3A_608] {strides = array<i32>} : memref<4000xf32, #tpu.memory_space<vmem>>, vector<16xf32>,
        %swap3A_610 = vector.shape_cast %swap3A_609 : vector<16xf32> to vector<16xf32>
        %swap3A_611 = vector.shape_cast %neg3A_607 : vector<16xf32> to vector<16xf32>
        tpu.vector_store %arg28[%swap3A_608], %swap3A_611 {strides = array<i32>} : memref<4000xf32, #tpu.memory_space<vmem>>, vector<16xf32>,
        %sub3A_612 = arith.subf %mul3A_597, %mul3A_595 : vector<16xf32>
        %swap3A_613 = arith.index_cast %multiple_of3A_545 : i32 to index
        %swap3A_614 = tpu.vector_load %arg29[%swap3A_613] {strides = array<i32>} : memref<4000xf32, #tpu.memory_space<vmem>>, vector<16xf32>,
        %swap3A_615 = vector.shape_cast %swap3A_614 : vector<16xf32> to vector<16xf32>
        %swap3A_616 = vector.shape_cast %sub3A_612 : vector<16xf32> to vector<16xf32>
        tpu.vector_store %arg29[%swap3A_613], %swap3A_616 {strides = array<i32>} : memref<4000xf32, #tpu.memory_space<vmem>>, vector<16xf32>,
        %swap3A_617 = arith.index_cast %multiple_of3A_545 : i32 to index
        %swap3A_618 = tpu.vector_load %arg30[%swap3A_617] {strides = array<i32>} : memref<4000xf32, #tpu.memory_space<vmem>>, vector<16xf32>,
        %swap3A_619 = vector.shape_cast %swap3A_618 : vector<16xf32> to vector<16xf32>
        %swap3A_620 = vector.shape_cast %mul3A_593 : vector<16xf32> to vector<16xf32>
        tpu.vector_store %arg30[%swap3A_617], %swap3A_620 {strides = array<i32>} : memref<4000xf32, #tpu.memory_space<vmem>>, vector<16xf32>,
        %swap3A_621 = arith.index_cast %multiple_of3A_545 : i32 to index
        %swap3A_622 = tpu.vector_load %arg31[%swap3A_621] {strides = array<i32>} : memref<4000xf32, #tpu.memory_space<vmem>>, vector<16xf32>,
        %swap3A_623 = vector.shape_cast %swap3A_622 : vector<16xf32> to vector<16xf32>
        %swap3A_624 = vector.shape_cast %mul3A_594 : vector<16xf32> to vector<16xf32>
        tpu.vector_store %arg31[%swap3A_621], %swap3A_624 {strides = array<i32>} : memref<4000xf32, #tpu.memory_space<vmem>>, vector<16xf32>,
        %add3A_625 = arith.addf %mul3A_597, %mul3A_595 : vector<16xf32>
        %swap3A_626 = arith.index_cast %multiple_of3A_545 : i32 to index
        %swap3A_627 = tpu.vector_load %arg32[%swap3A_626] {strides = array<i32>} : memref<4000xf32, #tpu.memory_space<vmem>>, vector<16xf32>,
        %swap3A_628 = vector.shape_cast %swap3A_627 : vector<16xf32> to vector<16xf32>
        %swap3A_629 = vector.shape_cast %add3A_625 : vector<16xf32> to vector<16xf32>
        tpu.vector_store %arg32[%swap3A_626], %swap3A_629 {strides = array<i32>} : memref<4000xf32, #tpu.memory_space<vmem>>, vector<16xf32>,
      }
      %scan3A_77 = arith.constant 248 : i32
      %scan3A_78 = arith.addi %scan3A_73, %scan3A_77 : i32
      %mul3A_79 = arith.constant 16 : i32
      %mul3A_80 = arith.muli %scan3A_78, %mul3A_79 : i32
      %multiple_of3A_81 = tpu.assume_multiple %mul3A_80, 16 : i32
      %get3A_82 = arith.index_cast %multiple_of3A_81 : i32 to index
      %get3A_83 = tpu.vector_load %arg21[%get3A_82] {strides = array<i32>} : memref<4000xf32, #tpu.memory_space<vmem>>, vector<16xf32>,
      %get3A_84 = vector.shape_cast %get3A_83 : vector<16xf32> to vector<16xf32>
      %get3A_85 = arith.index_cast %multiple_of3A_81 : i32 to index
      %get3A_86 = tpu.vector_load %arg22[%get3A_85] {strides = array<i32>} : memref<4000xf32, #tpu.memory_space<vmem>>, vector<16xf32>,
      %get3A_87 = vector.shape_cast %get3A_86 : vector<16xf32> to vector<16xf32>
      %get3A_88 = arith.index_cast %multiple_of3A_81 : i32 to index
      %get3A_89 = tpu.vector_load %arg23[%get3A_88] {strides = array<i32>} : memref<4000xf32, #tpu.memory_space<vmem>>, vector<16xf32>,
      %get3A_90 = vector.shape_cast %get3A_89 : vector<16xf32> to vector<16xf32>
      %get3A_91 = arith.index_cast %multiple_of3A_81 : i32 to index
      %get3A_92 = tpu.vector_load %arg24[%get3A_91] {strides = array<i32>} : memref<4000xf32, #tpu.memory_space<vmem>>, vector<16xf32>,
      %get3A_93 = vector.shape_cast %get3A_92 : vector<16xf32> to vector<16xf32>
      %sub3A = arith.subf %get3A_93, %get3A_84 : vector<16xf32>
      %get3A_94 = arith.index_cast %multiple_of3A_81 : i32 to index
      %get3A_95 = tpu.vector_load %arg25[%get3A_94] {strides = array<i32>} : memref<4000xf32, #tpu.memory_space<vmem>>, vector<16xf32>,
      %get3A_96 = vector.shape_cast %get3A_95 : vector<16xf32> to vector<16xf32>
      %sub3A_97 = arith.subf %get3A_96, %get3A_87 : vector<16xf32>
      %get3A_98 = arith.index_cast %multiple_of3A_81 : i32 to index
      %get3A_99 = tpu.vector_load %arg26[%get3A_98] {strides = array<i32>} : memref<4000xf32, #tpu.memory_space<vmem>>, vector<16xf32>,
      %get3A_100 = vector.shape_cast %get3A_99 : vector<16xf32> to vector<16xf32>
      %sub3A_101 = arith.subf %get3A_100, %get3A_90 : vector<16xf32>
      %get3A_102 = arith.index_cast %multiple_of3A_81 : i32 to index
      %get3A_103 = tpu.vector_load %arg20[%get3A_102] {strides = array<i32>} : memref<4000xf32, #tpu.memory_space<vmem>>, vector<16xf32>,
      %get3A_104 = vector.shape_cast %get3A_103 : vector<16xf32> to vector<16xf32>
      %mul3A_105 = arith.mulf %sub3A, %sub3A : vector<16xf32>
      %mul3A_106 = arith.mulf %sub3A_97, %sub3A_97 : vector<16xf32>
      %add3A_107 = arith.addf %mul3A_105, %mul3A_106 : vector<16xf32>
      %mul3A_108 = arith.mulf %sub3A_101, %sub3A_101 : vector<16xf32>
      %add3A_109 = arith.addf %add3A_107, %mul3A_108 : vector<16xf32>
      %bitcast_convert_type3A = tpu.bitcast %add3A_109 : vector<16xf32> -> vector<16xi32>
      %shift_right_logical3A = arith.constant 1 : i32
      %shift_right_logical3A_110 = vector.broadcast %shift_right_logical3A : i32 to vector<16xi32>
      %shift_right_logical3A_111 = arith.shrui %bitcast_convert_type3A, %shift_right_logical3A_110 : vector<16xi32>
      %sub3A_112 = arith.constant 1597463007 : i32
      %sub3A_113 = vector.broadcast %sub3A_112 : i32 to vector<16xi32>
      %sub3A_114 = arith.subi %sub3A_113, %shift_right_logical3A_111 : vector<16xi32>
      %bitcast_convert_type3A_115 = tpu.bitcast %sub3A_114 : vector<16xi32> -> vector<16xf32>
      %mul3A_116 = arith.constant 5.000000e-01 : f32
      %mul3A_117 = vector.broadcast %mul3A_116 : f32 to vector<16xf32>
      %mul3A_118 = arith.mulf %add3A_109, %mul3A_117 : vector<16xf32>
      %mul3A_119 = arith.mulf %mul3A_118, %bitcast_convert_type3A_115 : vector<16xf32>
      %mul3A_120 = arith.mulf %mul3A_119, %bitcast_convert_type3A_115 : vector<16xf32>
      %sub3A_121 = arith.constant 1.500000e+00 : f32
      %sub3A_122 = vector.broadcast %sub3A_121 : f32 to vector<16xf32>
      %sub3A_123 = arith.subf %sub3A_122, %mul3A_120 : vector<16xf32>
      %mul3A_124 = arith.mulf %bitcast_convert_type3A_115, %sub3A_123 : vector<16xf32>
      %mul3A_125 = arith.mulf %get3A_104, %mul3A_124 : vector<16xf32>
      %mul3A_126 = arith.mulf %sub3A, %mul3A_125 : vector<16xf32>
      %mul3A_127 = arith.mulf %sub3A_97, %mul3A_125 : vector<16xf32>
      %mul3A_128 = arith.mulf %sub3A_101, %mul3A_125 : vector<16xf32>
      %mul3A_129 = arith.mulf %add3A_109, %mul3A_124 : vector<16xf32>
      %mul3A_130 = arith.mulf %mul3A_129, %mul3A_7 : vector<16xf32>
      %neg3A = arith.constant 0.000000e+00 : f32
      %neg3A_131 = vector.broadcast %neg3A : f32 to vector<16xf32>
      %neg3A_132 = arith.subf %neg3A_131, %mul3A_126 : vector<16xf32>
      %swap3A = arith.index_cast %multiple_of3A_81 : i32 to index
      %swap3A_133 = tpu.vector_load %arg27[%swap3A] {strides = array<i32>} : memref<4000xf32, #tpu.memory_space<vmem>>, vector<16xf32>,
      %swap3A_134 = vector.shape_cast %swap3A_133 : vector<16xf32> to vector<16xf32>
      %swap3A_135 = vector.shape_cast %neg3A_132 : vector<16xf32> to vector<16xf32>
      tpu.vector_store %arg27[%swap3A], %swap3A_135 {strides = array<i32>} : memref<4000xf32, #tpu.memory_space<vmem>>, vector<16xf32>,
      %neg3A_136 = arith.constant 0.000000e+00 : f32
      %neg3A_137 = vector.broadcast %neg3A_136 : f32 to vector<16xf32>
      %neg3A_138 = arith.subf %neg3A_137, %mul3A_127 : vector<16xf32>
      %swap3A_139 = arith.index_cast %multiple_of3A_81 : i32 to index
      %swap3A_140 = tpu.vector_load %arg28[%swap3A_139] {strides = array<i32>} : memref<4000xf32, #tpu.memory_space<vmem>>, vector<16xf32>,
      %swap3A_141 = vector.shape_cast %swap3A_140 : vector<16xf32> to vector<16xf32>
      %swap3A_142 = vector.shape_cast %neg3A_138 : vector<16xf32> to vector<16xf32>
      tpu.vector_store %arg28[%swap3A_139], %swap3A_142 {strides = array<i32>} : memref<4000xf32, #tpu.memory_space<vmem>>, vector<16xf32>,
      %sub3A_143 = arith.subf %mul3A_130, %mul3A_128 : vector<16xf32>
      %swap3A_144 = arith.index_cast %multiple_of3A_81 : i32 to index
      %swap3A_145 = tpu.vector_load %arg29[%swap3A_144] {strides = array<i32>} : memref<4000xf32, #tpu.memory_space<vmem>>, vector<16xf32>,
      %swap3A_146 = vector.shape_cast %swap3A_145 : vector<16xf32> to vector<16xf32>
      %swap3A_147 = vector.shape_cast %sub3A_143 : vector<16xf32> to vector<16xf32>
      tpu.vector_store %arg29[%swap3A_144], %swap3A_147 {strides = array<i32>} : memref<4000xf32, #tpu.memory_space<vmem>>, vector<16xf32>,
      %swap3A_148 = arith.index_cast %multiple_of3A_81 : i32 to index
      %swap3A_149 = tpu.vector_load %arg30[%swap3A_148] {strides = array<i32>} : memref<4000xf32, #tpu.memory_space<vmem>>, vector<16xf32>,
      %swap3A_150 = vector.shape_cast %swap3A_149 : vector<16xf32> to vector<16xf32>
      %swap3A_151 = vector.shape_cast %mul3A_126 : vector<16xf32> to vector<16xf32>
      tpu.vector_store %arg30[%swap3A_148], %swap3A_151 {strides = array<i32>} : memref<4000xf32, #tpu.memory_space<vmem>>, vector<16xf32>,
      %swap3A_152 = arith.index_cast %multiple_of3A_81 : i32 to index
      %swap3A_153 = tpu.vector_load %arg31[%swap3A_152] {strides = array<i32>} : memref<4000xf32, #tpu.memory_space<vmem>>, vector<16xf32>,
      %swap3A_154 = vector.shape_cast %swap3A_153 : vector<16xf32> to vector<16xf32>
      %swap3A_155 = vector.shape_cast %mul3A_127 : vector<16xf32> to vector<16xf32>
      tpu.vector_store %arg31[%swap3A_152], %swap3A_155 {strides = array<i32>} : memref<4000xf32, #tpu.memory_space<vmem>>, vector<16xf32>,
      %add3A_156 = arith.addf %mul3A_130, %mul3A_128 : vector<16xf32>
      %swap3A_157 = arith.index_cast %multiple_of3A_81 : i32 to index
      %swap3A_158 = tpu.vector_load %arg32[%swap3A_157] {strides = array<i32>} : memref<4000xf32, #tpu.memory_space<vmem>>, vector<16xf32>,
      %swap3A_159 = vector.shape_cast %swap3A_158 : vector<16xf32> to vector<16xf32>
      %swap3A_160 = vector.shape_cast %add3A_156 : vector<16xf32> to vector<16xf32>
      tpu.vector_store %arg32[%swap3A_157], %swap3A_160 {strides = array<i32>} : memref<4000xf32, #tpu.memory_space<vmem>>, vector<16xf32>,
      %scan3A_161 = arith.constant 249 : i32
      %scan3A_162 = arith.addi %scan3A_73, %scan3A_161 : i32
      %mul3A_163 = arith.constant 16 : i32
      %mul3A_164 = arith.muli %scan3A_162, %mul3A_163 : i32
      %multiple_of3A_165 = tpu.assume_multiple %mul3A_164, 16 : i32
      %get3A_166 = arith.index_cast %multiple_of3A_165 : i32 to index
      %get3A_167 = tpu.vector_load %arg21[%get3A_166] {strides = array<i32>} : memref<4000xf32, #tpu.memory_space<vmem>>, vector<16xf32>,
      %get3A_168 = vector.shape_cast %get3A_167 : vector<16xf32> to vector<16xf32>
      %get3A_169 = arith.index_cast %multiple_of3A_165 : i32 to index
      %get3A_170 = tpu.vector_load %arg22[%get3A_169] {strides = array<i32>} : memref<4000xf32, #tpu.memory_space<vmem>>, vector<16xf32>,
      %get3A_171 = vector.shape_cast %get3A_170 : vector<16xf32> to vector<16xf32>
      %get3A_172 = arith.index_cast %multiple_of3A_165 : i32 to index
      %get3A_173 = tpu.vector_load %arg23[%get3A_172] {strides = array<i32>} : memref<4000xf32, #tpu.memory_space<vmem>>, vector<16xf32>,
      %get3A_174 = vector.shape_cast %get3A_173 : vector<16xf32> to vector<16xf32>
      %get3A_175 = arith.index_cast %multiple_of3A_165 : i32 to index
      %get3A_176 = tpu.vector_load %arg24[%get3A_175] {strides = array<i32>} : memref<4000xf32, #tpu.memory_space<vmem>>, vector<16xf32>,
      %get3A_177 = vector.shape_cast %get3A_176 : vector<16xf32> to vector<16xf32>
      %sub3A_178 = arith.subf %get3A_177, %get3A_168 : vector<16xf32>
      %get3A_179 = arith.index_cast %multiple_of3A_165 : i32 to index
      %get3A_180 = tpu.vector_load %arg25[%get3A_179] {strides = array<i32>} : memref<4000xf32, #tpu.memory_space<vmem>>, vector<16xf32>,
      %get3A_181 = vector.shape_cast %get3A_180 : vector<16xf32> to vector<16xf32>
      %sub3A_182 = arith.subf %get3A_181, %get3A_171 : vector<16xf32>
      %get3A_183 = arith.index_cast %multiple_of3A_165 : i32 to index
      %get3A_184 = tpu.vector_load %arg26[%get3A_183] {strides = array<i32>} : memref<4000xf32, #tpu.memory_space<vmem>>, vector<16xf32>,
      %get3A_185 = vector.shape_cast %get3A_184 : vector<16xf32> to vector<16xf32>
      %sub3A_186 = arith.subf %get3A_185, %get3A_174 : vector<16xf32>
      %get3A_187 = arith.index_cast %multiple_of3A_165 : i32 to index
      %get3A_188 = tpu.vector_load %arg20[%get3A_187] {strides = array<i32>} : memref<4000xf32, #tpu.memory_space<vmem>>, vector<16xf32>,
      %get3A_189 = vector.shape_cast %get3A_188 : vector<16xf32> to vector<16xf32>
      %mul3A_190 = arith.mulf %sub3A_178, %sub3A_178 : vector<16xf32>
      %mul3A_191 = arith.mulf %sub3A_182, %sub3A_182 : vector<16xf32>
      %add3A_192 = arith.addf %mul3A_190, %mul3A_191 : vector<16xf32>
      %mul3A_193 = arith.mulf %sub3A_186, %sub3A_186 : vector<16xf32>
      %add3A_194 = arith.addf %add3A_192, %mul3A_193 : vector<16xf32>
      %bitcast_convert_type3A_195 = tpu.bitcast %add3A_194 : vector<16xf32> -> vector<16xi32>
      %shift_right_logical3A_196 = arith.constant 1 : i32
      %shift_right_logical3A_197 = vector.broadcast %shift_right_logical3A_196 : i32 to vector<16xi32>
      %shift_right_logical3A_198 = arith.shrui %bitcast_convert_type3A_195, %shift_right_logical3A_197 : vector<16xi32>
      %sub3A_199 = arith.constant 1597463007 : i32
      %sub3A_200 = vector.broadcast %sub3A_199 : i32 to vector<16xi32>
      %sub3A_201 = arith.subi %sub3A_200, %shift_right_logical3A_198 : vector<16xi32>
      %bitcast_convert_type3A_202 = tpu.bitcast %sub3A_201 : vector<16xi32> -> vector<16xf32>
      %mul3A_203 = arith.constant 5.000000e-01 : f32
      %mul3A_204 = vector.broadcast %mul3A_203 : f32 to vector<16xf32>
      %mul3A_205 = arith.mulf %add3A_194, %mul3A_204 : vector<16xf32>
      %mul3A_206 = arith.mulf %mul3A_205, %bitcast_convert_type3A_202 : vector<16xf32>
      %mul3A_207 = arith.mulf %mul3A_206, %bitcast_convert_type3A_202 : vector<16xf32>
      %sub3A_208 = arith.constant 1.500000e+00 : f32
      %sub3A_209 = vector.broadcast %sub3A_208 : f32 to vector<16xf32>
      %sub3A_210 = arith.subf %sub3A_209, %mul3A_207 : vector<16xf32>
      %mul3A_211 = arith.mulf %bitcast_convert_type3A_202, %sub3A_210 : vector<16xf32>
      %mul3A_212 = arith.mulf %get3A_189, %mul3A_211 : vector<16xf32>
      %mul3A_213 = arith.mulf %sub3A_178, %mul3A_212 : vector<16xf32>
      %mul3A_214 = arith.mulf %sub3A_182, %mul3A_212 : vector<16xf32>
      %mul3A_215 = arith.mulf %sub3A_186, %mul3A_212 : vector<16xf32>
      %mul3A_216 = arith.mulf %add3A_194, %mul3A_211 : vector<16xf32>
      %mul3A_217 = arith.mulf %mul3A_216, %mul3A_7 : vector<16xf32>
      %neg3A_218 = arith.constant 0.000000e+00 : f32
      %neg3A_219 = vector.broadcast %neg3A_218 : f32 to vector<16xf32>
      %neg3A_220 = arith.subf %neg3A_219, %mul3A_213 : vector<16xf32>
      %swap3A_221 = arith.index_cast %multiple_of3A_165 : i32 to index
      %swap3A_222 = tpu.vector_load %arg27[%swap3A_221] {strides = array<i32>} : memref<4000xf32, #tpu.memory_space<vmem>>, vector<16xf32>,
      %swap3A_223 = vector.shape_cast %swap3A_222 : vector<16xf32> to vector<16xf32>
      %swap3A_224 = vector.shape_cast %neg3A_220 : vector<16xf32> to vector<16xf32>
      tpu.vector_store %arg27[%swap3A_221], %swap3A_224 {strides = array<i32>} : memref<4000xf32, #tpu.memory_space<vmem>>, vector<16xf32>,
      %neg3A_225 = arith.constant 0.000000e+00 : f32
      %neg3A_226 = vector.broadcast %neg3A_225 : f32 to vector<16xf32>
      %neg3A_227 = arith.subf %neg3A_226, %mul3A_214 : vector<16xf32>
      %swap3A_228 = arith.index_cast %multiple_of3A_165 : i32 to index
      %swap3A_229 = tpu.vector_load %arg28[%swap3A_228] {strides = array<i32>} : memref<4000xf32, #tpu.memory_space<vmem>>, vector<16xf32>,
      %swap3A_230 = vector.shape_cast %swap3A_229 : vector<16xf32> to vector<16xf32>
      %swap3A_231 = vector.shape_cast %neg3A_227 : vector<16xf32> to vector<16xf32>
      tpu.vector_store %arg28[%swap3A_228], %swap3A_231 {strides = array<i32>} : memref<4000xf32, #tpu.memory_space<vmem>>, vector<16xf32>,
      %sub3A_232 = arith.subf %mul3A_217, %mul3A_215 : vector<16xf32>
      %swap3A_233 = arith.index_cast %multiple_of3A_165 : i32 to index
      %swap3A_234 = tpu.vector_load %arg29[%swap3A_233] {strides = array<i32>} : memref<4000xf32, #tpu.memory_space<vmem>>, vector<16xf32>,
      %swap3A_235 = vector.shape_cast %swap3A_234 : vector<16xf32> to vector<16xf32>
      %swap3A_236 = vector.shape_cast %sub3A_232 : vector<16xf32> to vector<16xf32>
      tpu.vector_store %arg29[%swap3A_233], %swap3A_236 {strides = array<i32>} : memref<4000xf32, #tpu.memory_space<vmem>>, vector<16xf32>,
      %swap3A_237 = arith.index_cast %multiple_of3A_165 : i32 to index
      %swap3A_238 = tpu.vector_load %arg30[%swap3A_237] {strides = array<i32>} : memref<4000xf32, #tpu.memory_space<vmem>>, vector<16xf32>,
      %swap3A_239 = vector.shape_cast %swap3A_238 : vector<16xf32> to vector<16xf32>
      %swap3A_240 = vector.shape_cast %mul3A_213 : vector<16xf32> to vector<16xf32>
      tpu.vector_store %arg30[%swap3A_237], %swap3A_240 {strides = array<i32>} : memref<4000xf32, #tpu.memory_space<vmem>>, vector<16xf32>,
      %swap3A_241 = arith.index_cast %multiple_of3A_165 : i32 to index
      %swap3A_242 = tpu.vector_load %arg31[%swap3A_241] {strides = array<i32>} : memref<4000xf32, #tpu.memory_space<vmem>>, vector<16xf32>,
      %swap3A_243 = vector.shape_cast %swap3A_242 : vector<16xf32> to vector<16xf32>
      %swap3A_244 = vector.shape_cast %mul3A_214 : vector<16xf32> to vector<16xf32>
      tpu.vector_store %arg31[%swap3A_241], %swap3A_244 {strides = array<i32>} : memref<4000xf32, #tpu.memory_space<vmem>>, vector<16xf32>,
      %add3A_245 = arith.addf %mul3A_217, %mul3A_215 : vector<16xf32>
      %swap3A_246 = arith.index_cast %multiple_of3A_165 : i32 to index
      %swap3A_247 = tpu.vector_load %arg32[%swap3A_246] {strides = array<i32>} : memref<4000xf32, #tpu.memory_space<vmem>>, vector<16xf32>,
      %swap3A_248 = vector.shape_cast %swap3A_247 : vector<16xf32> to vector<16xf32>
      %swap3A_249 = vector.shape_cast %add3A_245 : vector<16xf32> to vector<16xf32>
      tpu.vector_store %arg32[%swap3A_246], %swap3A_249 {strides = array<i32>} : memref<4000xf32, #tpu.memory_space<vmem>>, vector<16xf32>,
      %scan3A_250 = arith.constant 250 : i32
      %dma_start3A_251 = arith.constant 0 : i32
      %dma_start3A_252 = tpu.memref_slice %arg15[%dma_start3A_251] : memref<100096xf32, #tpu.memory_space<vmem_shared>> -> memref<100096xf32, #tpu.memory_space<vmem_shared>>
      tpu.enqueue_indirect_dma source(%arg27 : memref<4000xf32, #tpu.memory_space<vmem>>) target(%dma_start3A_252 : memref<100096xf32, #tpu.memory_space<vmem_shared>>) offsets(%arg18 : memref<4000xi32, #tpu.memory_space<vmem>>) semaphore(%arg37 : memref<!tpu.dma_semaphore, #tpu.memory_space<semaphore_mem>>) {add = true}
      %dma_start3A_253 = arith.constant 0 : i32
      %dma_start3A_254 = tpu.memref_slice %arg16[%dma_start3A_253] : memref<100096xf32, #tpu.memory_space<vmem_shared>> -> memref<100096xf32, #tpu.memory_space<vmem_shared>>
      tpu.enqueue_indirect_dma source(%arg28 : memref<4000xf32, #tpu.memory_space<vmem>>) target(%dma_start3A_254 : memref<100096xf32, #tpu.memory_space<vmem_shared>>) offsets(%arg18 : memref<4000xi32, #tpu.memory_space<vmem>>) semaphore(%arg37 : memref<!tpu.dma_semaphore, #tpu.memory_space<semaphore_mem>>) {add = true}
      %dma_start3A_255 = arith.constant 0 : i32
      %dma_start3A_256 = tpu.memref_slice %arg17[%dma_start3A_255] : memref<100096xf32, #tpu.memory_space<vmem_shared>> -> memref<100096xf32, #tpu.memory_space<vmem_shared>>
      tpu.enqueue_indirect_dma source(%arg29 : memref<4000xf32, #tpu.memory_space<vmem>>) target(%dma_start3A_256 : memref<100096xf32, #tpu.memory_space<vmem_shared>>) offsets(%arg18 : memref<4000xi32, #tpu.memory_space<vmem>>) semaphore(%arg37 : memref<!tpu.dma_semaphore, #tpu.memory_space<semaphore_mem>>) {add = true}
      %dma_start3A_257 = arith.constant 0 : i32
      %dma_start3A_258 = tpu.memref_slice %arg15[%dma_start3A_257] : memref<100096xf32, #tpu.memory_space<vmem_shared>> -> memref<100096xf32, #tpu.memory_space<vmem_shared>>
      tpu.enqueue_indirect_dma source(%arg30 : memref<4000xf32, #tpu.memory_space<vmem>>) target(%dma_start3A_258 : memref<100096xf32, #tpu.memory_space<vmem_shared>>) offsets(%arg19 : memref<4000xi32, #tpu.memory_space<vmem>>) semaphore(%arg37 : memref<!tpu.dma_semaphore, #tpu.memory_space<semaphore_mem>>) {add = true}
      %dma_start3A_259 = arith.constant 0 : i32
      %dma_start3A_260 = tpu.memref_slice %arg16[%dma_start3A_259] : memref<100096xf32, #tpu.memory_space<vmem_shared>> -> memref<100096xf32, #tpu.memory_space<vmem_shared>>
      tpu.enqueue_indirect_dma source(%arg31 : memref<4000xf32, #tpu.memory_space<vmem>>) target(%dma_start3A_260 : memref<100096xf32, #tpu.memory_space<vmem_shared>>) offsets(%arg19 : memref<4000xi32, #tpu.memory_space<vmem>>) semaphore(%arg37 : memref<!tpu.dma_semaphore, #tpu.memory_space<semaphore_mem>>) {add = true}
      %dma_start3A_261 = arith.constant 0 : i32
      %dma_start3A_262 = tpu.memref_slice %arg17[%dma_start3A_261] : memref<100096xf32, #tpu.memory_space<vmem_shared>> -> memref<100096xf32, #tpu.memory_space<vmem_shared>>
      tpu.enqueue_indirect_dma source(%arg32 : memref<4000xf32, #tpu.memory_space<vmem>>) target(%dma_start3A_262 : memref<100096xf32, #tpu.memory_space<vmem_shared>>) offsets(%arg19 : memref<4000xi32, #tpu.memory_space<vmem>>) semaphore(%arg37 : memref<!tpu.dma_semaphore, #tpu.memory_space<semaphore_mem>>) {add = true}
      %dma_wait3A_263 = arith.constant 0 : i32
      %dma_wait3A_264 = tpu.memref_slice %arg15[%dma_wait3A_263] : memref<100096xf32, #tpu.memory_space<vmem_shared>> -> memref<100096xf32, #tpu.memory_space<vmem_shared>>
      tpu.wait_indirect_dma semaphore(%arg37 : memref<!tpu.dma_semaphore, #tpu.memory_space<semaphore_mem>>) src(%arg27 : memref<4000xf32, #tpu.memory_space<vmem>>) dst(%dma_wait3A_264 : memref<100096xf32, #tpu.memory_space<vmem_shared>>)
      %dma_wait3A_265 = arith.constant 0 : i32
      %dma_wait3A_266 = tpu.memref_slice %arg16[%dma_wait3A_265] : memref<100096xf32, #tpu.memory_space<vmem_shared>> -> memref<100096xf32, #tpu.memory_space<vmem_shared>>
      tpu.wait_indirect_dma semaphore(%arg37 : memref<!tpu.dma_semaphore, #tpu.memory_space<semaphore_mem>>) src(%arg28 : memref<4000xf32, #tpu.memory_space<vmem>>) dst(%dma_wait3A_266 : memref<100096xf32, #tpu.memory_space<vmem_shared>>)
      %dma_wait3A_267 = arith.constant 0 : i32
      %dma_wait3A_268 = tpu.memref_slice %arg17[%dma_wait3A_267] : memref<100096xf32, #tpu.memory_space<vmem_shared>> -> memref<100096xf32, #tpu.memory_space<vmem_shared>>
      tpu.wait_indirect_dma semaphore(%arg37 : memref<!tpu.dma_semaphore, #tpu.memory_space<semaphore_mem>>) src(%arg29 : memref<4000xf32, #tpu.memory_space<vmem>>) dst(%dma_wait3A_268 : memref<100096xf32, #tpu.memory_space<vmem_shared>>)
      %dma_wait3A_269 = arith.constant 0 : i32
      %dma_wait3A_270 = tpu.memref_slice %arg15[%dma_wait3A_269] : memref<100096xf32, #tpu.memory_space<vmem_shared>> -> memref<100096xf32, #tpu.memory_space<vmem_shared>>
      tpu.wait_indirect_dma semaphore(%arg37 : memref<!tpu.dma_semaphore, #tpu.memory_space<semaphore_mem>>) src(%arg30 : memref<4000xf32, #tpu.memory_space<vmem>>) dst(%dma_wait3A_270 : memref<100096xf32, #tpu.memory_space<vmem_shared>>)
      %dma_wait3A_271 = arith.constant 0 : i32
      %dma_wait3A_272 = tpu.memref_slice %arg16[%dma_wait3A_271] : memref<100096xf32, #tpu.memory_space<vmem_shared>> -> memref<100096xf32, #tpu.memory_space<vmem_shared>>
      tpu.wait_indirect_dma semaphore(%arg37 : memref<!tpu.dma_semaphore, #tpu.memory_space<semaphore_mem>>) src(%arg31 : memref<4000xf32, #tpu.memory_space<vmem>>) dst(%dma_wait3A_272 : memref<100096xf32, #tpu.memory_space<vmem_shared>>)
      %dma_wait3A_273 = arith.constant 0 : i32
      %dma_wait3A_274 = tpu.memref_slice %arg17[%dma_wait3A_273] : memref<100096xf32, #tpu.memory_space<vmem_shared>> -> memref<100096xf32, #tpu.memory_space<vmem_shared>>
      tpu.wait_indirect_dma semaphore(%arg37 : memref<!tpu.dma_semaphore, #tpu.memory_space<semaphore_mem>>) src(%arg32 : memref<4000xf32, #tpu.memory_space<vmem>>) dst(%dma_wait3A_274 : memref<100096xf32, #tpu.memory_space<vmem_shared>>)
    }
    %barrier3A_25 = arith.constant 0 : index
    tpu.barrier barrier_id(%barrier3A_25)
    %mul3A_26 = arith.constant 6256 : i32
    %mul3A_27 = arith.muli %arg1, %mul3A_26 : i32
    %multiple_of3A = tpu.assume_multiple %mul3A_27, 6256 : i32
    %mul3A_28 = arith.constant 100096 : i32
    %mul3A_29 = arith.muli %arg0, %mul3A_28 : i32
    %add3A_30 = arith.addi %mul3A_29, %multiple_of3A : i32
    %multiple_of3A_31 = tpu.assume_multiple %add3A_30, 6256 : i32
    "tpu.region"() ({
      %run_scoped3A = tpu.sem_alloc : memref<!tpu.dma_semaphore, #tpu.memory_space<semaphore_mem>>
      %dma_start3A = tpu.memref_slice %arg15[%multiple_of3A] : memref<100096xf32, #tpu.memory_space<vmem_shared>> -> memref<6256xf32, #tpu.memory_space<vmem_shared>>
      %dma_start3A_32 = tpu.memref_slice %arg15[%multiple_of3A] : memref<100096xf32, #tpu.memory_space<vmem_shared>> -> memref<6256xf32, #tpu.memory_space<vmem_shared>>
      tpu.enqueue_dma source(%dma_start3A_32 : memref<6256xf32, #tpu.memory_space<vmem_shared>>) target(%arg34 : memref<6256xf32, #tpu.memory_space<vmem>>) target_semaphore(%run_scoped3A : memref<!tpu.dma_semaphore, #tpu.memory_space<semaphore_mem>>)
      %dma_wait3A = tpu.memref_slice %arg15[%multiple_of3A] : memref<100096xf32, #tpu.memory_space<vmem_shared>> -> memref<6256xf32, #tpu.memory_space<vmem_shared>>
      %dma_wait3A_33 = tpu.memref_slice %arg15[%multiple_of3A] : memref<100096xf32, #tpu.memory_space<vmem_shared>> -> memref<6256xf32, #tpu.memory_space<vmem_shared>>
      tpu.wait_dma2 semaphore(%run_scoped3A : memref<!tpu.dma_semaphore, #tpu.memory_space<semaphore_mem>>) src(%dma_wait3A_33 : memref<6256xf32, #tpu.memory_space<vmem_shared>>) dst(%arg34 : memref<6256xf32, #tpu.memory_space<vmem>>)
      tpu.yield
    }) : () -> ()
    "tpu.region"() ({
      %run_scoped3A = tpu.sem_alloc : memref<!tpu.dma_semaphore, #tpu.memory_space<semaphore_mem>>
      %dma_start3A = tpu.memref_slice %arg9[%multiple_of3A_31] : memref<200192xf32, #tpu.memory_space<hbm>> -> memref<6256xf32, #tpu.memory_space<hbm>>
      %dma_start3A_32 = tpu.memref_slice %arg9[%multiple_of3A_31] : memref<200192xf32, #tpu.memory_space<hbm>> -> memref<6256xf32, #tpu.memory_space<hbm>>
      tpu.enqueue_dma source(%arg34 : memref<6256xf32, #tpu.memory_space<vmem>>) target(%dma_start3A_32 : memref<6256xf32, #tpu.memory_space<hbm>>) target_semaphore(%run_scoped3A : memref<!tpu.dma_semaphore, #tpu.memory_space<semaphore_mem>>)
      %dma_wait3A = tpu.memref_slice %arg9[%multiple_of3A_31] : memref<200192xf32, #tpu.memory_space<hbm>> -> memref<6256xf32, #tpu.memory_space<hbm>>
      %dma_wait3A_33 = tpu.memref_slice %arg9[%multiple_of3A_31] : memref<200192xf32, #tpu.memory_space<hbm>> -> memref<6256xf32, #tpu.memory_space<hbm>>
      tpu.wait_dma2 semaphore(%run_scoped3A : memref<!tpu.dma_semaphore, #tpu.memory_space<semaphore_mem>>) src(%arg34 : memref<6256xf32, #tpu.memory_space<vmem>>) dst(%dma_wait3A_33 : memref<6256xf32, #tpu.memory_space<hbm>>)
      tpu.yield
    }) : () -> ()
    "tpu.region"() ({
      %run_scoped3A = tpu.sem_alloc : memref<!tpu.dma_semaphore, #tpu.memory_space<semaphore_mem>>
      %dma_start3A = tpu.memref_slice %arg16[%multiple_of3A] : memref<100096xf32, #tpu.memory_space<vmem_shared>> -> memref<6256xf32, #tpu.memory_space<vmem_shared>>
      %dma_start3A_32 = tpu.memref_slice %arg16[%multiple_of3A] : memref<100096xf32, #tpu.memory_space<vmem_shared>> -> memref<6256xf32, #tpu.memory_space<vmem_shared>>
      tpu.enqueue_dma source(%dma_start3A_32 : memref<6256xf32, #tpu.memory_space<vmem_shared>>) target(%arg34 : memref<6256xf32, #tpu.memory_space<vmem>>) target_semaphore(%run_scoped3A : memref<!tpu.dma_semaphore, #tpu.memory_space<semaphore_mem>>)
      %dma_wait3A = tpu.memref_slice %arg16[%multiple_of3A] : memref<100096xf32, #tpu.memory_space<vmem_shared>> -> memref<6256xf32, #tpu.memory_space<vmem_shared>>
      %dma_wait3A_33 = tpu.memref_slice %arg16[%multiple_of3A] : memref<100096xf32, #tpu.memory_space<vmem_shared>> -> memref<6256xf32, #tpu.memory_space<vmem_shared>>
      tpu.wait_dma2 semaphore(%run_scoped3A : memref<!tpu.dma_semaphore, #tpu.memory_space<semaphore_mem>>) src(%dma_wait3A_33 : memref<6256xf32, #tpu.memory_space<vmem_shared>>) dst(%arg34 : memref<6256xf32, #tpu.memory_space<vmem>>)
      tpu.yield
    }) : () -> ()
    "tpu.region"() ({
      %run_scoped3A = tpu.sem_alloc : memref<!tpu.dma_semaphore, #tpu.memory_space<semaphore_mem>>
      %dma_start3A = tpu.memref_slice %arg10[%multiple_of3A_31] : memref<200192xf32, #tpu.memory_space<hbm>> -> memref<6256xf32, #tpu.memory_space<hbm>>
      %dma_start3A_32 = tpu.memref_slice %arg10[%multiple_of3A_31] : memref<200192xf32, #tpu.memory_space<hbm>> -> memref<6256xf32, #tpu.memory_space<hbm>>
      tpu.enqueue_dma source(%arg34 : memref<6256xf32, #tpu.memory_space<vmem>>) target(%dma_start3A_32 : memref<6256xf32, #tpu.memory_space<hbm>>) target_semaphore(%run_scoped3A : memref<!tpu.dma_semaphore, #tpu.memory_space<semaphore_mem>>)
      %dma_wait3A = tpu.memref_slice %arg10[%multiple_of3A_31] : memref<200192xf32, #tpu.memory_space<hbm>> -> memref<6256xf32, #tpu.memory_space<hbm>>
      %dma_wait3A_33 = tpu.memref_slice %arg10[%multiple_of3A_31] : memref<200192xf32, #tpu.memory_space<hbm>> -> memref<6256xf32, #tpu.memory_space<hbm>>
      tpu.wait_dma2 semaphore(%run_scoped3A : memref<!tpu.dma_semaphore, #tpu.memory_space<semaphore_mem>>) src(%arg34 : memref<6256xf32, #tpu.memory_space<vmem>>) dst(%dma_wait3A_33 : memref<6256xf32, #tpu.memory_space<hbm>>)
      tpu.yield
    }) : () -> ()
    "tpu.region"() ({
      %run_scoped3A = tpu.sem_alloc : memref<!tpu.dma_semaphore, #tpu.memory_space<semaphore_mem>>
      %dma_start3A = tpu.memref_slice %arg17[%multiple_of3A] : memref<100096xf32, #tpu.memory_space<vmem_shared>> -> memref<6256xf32, #tpu.memory_space<vmem_shared>>
      %dma_start3A_32 = tpu.memref_slice %arg17[%multiple_of3A] : memref<100096xf32, #tpu.memory_space<vmem_shared>> -> memref<6256xf32, #tpu.memory_space<vmem_shared>>
      tpu.enqueue_dma source(%dma_start3A_32 : memref<6256xf32, #tpu.memory_space<vmem_shared>>) target(%arg34 : memref<6256xf32, #tpu.memory_space<vmem>>) target_semaphore(%run_scoped3A : memref<!tpu.dma_semaphore, #tpu.memory_space<semaphore_mem>>)
      %dma_wait3A = tpu.memref_slice %arg17[%multiple_of3A] : memref<100096xf32, #tpu.memory_space<vmem_shared>> -> memref<6256xf32, #tpu.memory_space<vmem_shared>>
      %dma_wait3A_33 = tpu.memref_slice %arg17[%multiple_of3A] : memref<100096xf32, #tpu.memory_space<vmem_shared>> -> memref<6256xf32, #tpu.memory_space<vmem_shared>>
      tpu.wait_dma2 semaphore(%run_scoped3A : memref<!tpu.dma_semaphore, #tpu.memory_space<semaphore_mem>>) src(%dma_wait3A_33 : memref<6256xf32, #tpu.memory_space<vmem_shared>>) dst(%arg34 : memref<6256xf32, #tpu.memory_space<vmem>>)
      tpu.yield
    }) : () -> ()
    "tpu.region"() ({
      %run_scoped3A = tpu.sem_alloc : memref<!tpu.dma_semaphore, #tpu.memory_space<semaphore_mem>>
      %dma_start3A = tpu.memref_slice %arg11[%multiple_of3A_31] : memref<200192xf32, #tpu.memory_space<hbm>> -> memref<6256xf32, #tpu.memory_space<hbm>>
      %dma_start3A_32 = tpu.memref_slice %arg11[%multiple_of3A_31] : memref<200192xf32, #tpu.memory_space<hbm>> -> memref<6256xf32, #tpu.memory_space<hbm>>
      tpu.enqueue_dma source(%arg34 : memref<6256xf32, #tpu.memory_space<vmem>>) target(%dma_start3A_32 : memref<6256xf32, #tpu.memory_space<hbm>>) target_semaphore(%run_scoped3A : memref<!tpu.dma_semaphore, #tpu.memory_space<semaphore_mem>>)
      %dma_wait3A = tpu.memref_slice %arg11[%multiple_of3A_31] : memref<200192xf32, #tpu.memory_space<hbm>> -> memref<6256xf32, #tpu.memory_space<hbm>>
      %dma_wait3A_33 = tpu.memref_slice %arg11[%multiple_of3A_31] : memref<200192xf32, #tpu.memory_space<hbm>> -> memref<6256xf32, #tpu.memory_space<hbm>>
      tpu.wait_dma2 semaphore(%run_scoped3A : memref<!tpu.dma_semaphore, #tpu.memory_space<semaphore_mem>>) src(%arg34 : memref<6256xf32, #tpu.memory_space<vmem>>) dst(%dma_wait3A_33 : memref<6256xf32, #tpu.memory_space<hbm>>)
      tpu.yield
    }) : () -> ()
    return
  }
}

module attributes {stable_mosaic.version = 14 : i64} {
  func.func @_combine(%arg0: memref<2x782x128xf32, #tpu.memory_space<vmem>>, %arg1: memref<2x782x128xf32, #tpu.memory_space<vmem>>, %arg2: memref<2x782x128xf32, #tpu.memory_space<vmem>>, %arg3: memref<3x782x128xf32, #tpu.memory_space<vmem>>, %arg4: memref<782x128xf32, #tpu.memory_space<vmem>>, %arg5: memref<782x128xf32, #tpu.memory_space<vmem>>, %arg6: memref<782x128xf32, #tpu.memory_space<vmem>>) attributes {dimension_semantics = [], scalar_prefetch = 0 : i64, scratch_operands = 0 : i64, tpu.core_type = #tpu.core_type<tc>} {
    %get3A = arith.constant 0 : index
    %get3A_0 = arith.constant 0 : index
    %get3A_1 = arith.constant 0 : index
    %get3A_2 = vector.load %arg0[%get3A, %get3A_0, %get3A_1] : memref<2x782x128xf32, #tpu.memory_space<vmem>>, vector<1x782x128xf32>
    %get3A_3 = vector.shape_cast %get3A_2 : vector<1x782x128xf32> to vector<782x128xf32>
    %get3A_4 = arith.constant 1 : index
    %get3A_5 = arith.constant 0 : index
    %get3A_6 = arith.constant 0 : index
    %get3A_7 = vector.load %arg0[%get3A_4, %get3A_5, %get3A_6] : memref<2x782x128xf32, #tpu.memory_space<vmem>>, vector<1x782x128xf32>
    %get3A_8 = vector.shape_cast %get3A_7 : vector<1x782x128xf32> to vector<782x128xf32>
    %add3A = arith.addf %get3A_3, %get3A_8 : vector<782x128xf32>
    %get3A_9 = arith.constant 0 : index
    %get3A_10 = arith.constant 0 : index
    %get3A_11 = arith.constant 0 : index
    %get3A_12 = vector.load %arg3[%get3A_9, %get3A_10, %get3A_11] : memref<3x782x128xf32, #tpu.memory_space<vmem>>, vector<1x782x128xf32>
    %get3A_13 = vector.shape_cast %get3A_12 : vector<1x782x128xf32> to vector<782x128xf32>
    %add3A_14 = arith.addf %add3A, %get3A_13 : vector<782x128xf32>
    %swap3A = arith.constant 0 : index
    %swap3A_15 = arith.constant 0 : index
    %swap3A_16 = vector.load %arg4[%swap3A, %swap3A_15] : memref<782x128xf32, #tpu.memory_space<vmem>>, vector<782x128xf32>
    tpu.vector_store %arg4[%swap3A, %swap3A_15], %add3A_14 {strides = array<i32>} : memref<782x128xf32, #tpu.memory_space<vmem>>, vector<782x128xf32>,
    %get3A_17 = arith.constant 0 : index
    %get3A_18 = arith.constant 0 : index
    %get3A_19 = arith.constant 0 : index
    %get3A_20 = vector.load %arg1[%get3A_17, %get3A_18, %get3A_19] : memref<2x782x128xf32, #tpu.memory_space<vmem>>, vector<1x782x128xf32>
    %get3A_21 = vector.shape_cast %get3A_20 : vector<1x782x128xf32> to vector<782x128xf32>
    %get3A_22 = arith.constant 1 : index
    %get3A_23 = arith.constant 0 : index
    %get3A_24 = arith.constant 0 : index
    %get3A_25 = vector.load %arg1[%get3A_22, %get3A_23, %get3A_24] : memref<2x782x128xf32, #tpu.memory_space<vmem>>, vector<1x782x128xf32>
    %get3A_26 = vector.shape_cast %get3A_25 : vector<1x782x128xf32> to vector<782x128xf32>
    %add3A_27 = arith.addf %get3A_21, %get3A_26 : vector<782x128xf32>
    %get3A_28 = arith.constant 1 : index
    %get3A_29 = arith.constant 0 : index
    %get3A_30 = arith.constant 0 : index
    %get3A_31 = vector.load %arg3[%get3A_28, %get3A_29, %get3A_30] : memref<3x782x128xf32, #tpu.memory_space<vmem>>, vector<1x782x128xf32>
    %get3A_32 = vector.shape_cast %get3A_31 : vector<1x782x128xf32> to vector<782x128xf32>
    %add3A_33 = arith.addf %add3A_27, %get3A_32 : vector<782x128xf32>
    %swap3A_34 = arith.constant 0 : index
    %swap3A_35 = arith.constant 0 : index
    %swap3A_36 = vector.load %arg5[%swap3A_34, %swap3A_35] : memref<782x128xf32, #tpu.memory_space<vmem>>, vector<782x128xf32>
    tpu.vector_store %arg5[%swap3A_34, %swap3A_35], %add3A_33 {strides = array<i32>} : memref<782x128xf32, #tpu.memory_space<vmem>>, vector<782x128xf32>,
    %get3A_37 = arith.constant 0 : index
    %get3A_38 = arith.constant 0 : index
    %get3A_39 = arith.constant 0 : index
    %get3A_40 = vector.load %arg2[%get3A_37, %get3A_38, %get3A_39] : memref<2x782x128xf32, #tpu.memory_space<vmem>>, vector<1x782x128xf32>
    %get3A_41 = vector.shape_cast %get3A_40 : vector<1x782x128xf32> to vector<782x128xf32>
    %get3A_42 = arith.constant 1 : index
    %get3A_43 = arith.constant 0 : index
    %get3A_44 = arith.constant 0 : index
    %get3A_45 = vector.load %arg2[%get3A_42, %get3A_43, %get3A_44] : memref<2x782x128xf32, #tpu.memory_space<vmem>>, vector<1x782x128xf32>
    %get3A_46 = vector.shape_cast %get3A_45 : vector<1x782x128xf32> to vector<782x128xf32>
    %add3A_47 = arith.addf %get3A_41, %get3A_46 : vector<782x128xf32>
    %get3A_48 = arith.constant 2 : index
    %get3A_49 = arith.constant 0 : index
    %get3A_50 = arith.constant 0 : index
    %get3A_51 = vector.load %arg3[%get3A_48, %get3A_49, %get3A_50] : memref<3x782x128xf32, #tpu.memory_space<vmem>>, vector<1x782x128xf32>
    %get3A_52 = vector.shape_cast %get3A_51 : vector<1x782x128xf32> to vector<782x128xf32>
    %add3A_53 = arith.addf %add3A_47, %get3A_52 : vector<782x128xf32>
    %swap3A_54 = arith.constant 0 : index
    %swap3A_55 = arith.constant 0 : index
    %swap3A_56 = vector.load %arg6[%swap3A_54, %swap3A_55] : memref<782x128xf32, #tpu.memory_space<vmem>>, vector<782x128xf32>
    tpu.vector_store %arg6[%swap3A_54, %swap3A_55], %add3A_53 {strides = array<i32>} : memref<782x128xf32, #tpu.memory_space<vmem>>, vector<782x128xf32>,
    return
  }
}

</mosaic_0001>

<sc_bundles>
// kernel: kernel.4.cloned.1.call-start
scs
__scs_entry_jumppad:
0x0: {  	(pc) =	sbr.rel $0x88, $3  }
0x1: {  	(tag) =	ssettag $0x0;
	lr =	simm.s32 $0x1  }
0x2: {  	[smem:$0x3F9C] =	sst lr;
	_ =	strace $0xD0000000  }
0x3: {  	_ = 	snop  }
0x4: {  	_ = 	snop  }
0x5: {  	_ = 	snop  }
0x6: {  	_ = 	snop  }
0x7: {  	_ = 	snop  }
__scs_overlays_trampoline_lowered:
0x8: {  	[smem:$0x3FAB] =	sst s0  }
0x9: {  	[smem:$0x3FAC] =	sst s1  }
0xa: {  	[smem:$0x3FAD] =	sst s2  }
0xb: {  	[smem:$0x3FAE] =	sst s3  }
0xc: {  	[smem:$0x3FAF] =	sst s4  }
0xd: {  	[smem:$0x3FB0] =	sst s5  }
0xe: {  	[smem:$0x3FB1] =	sst s6  }
0xf: {  	[smem:$0x3FB2] =	sst s7  }
0x10: {  	[smem:$0x3FB3] =	sst s8  }
0x11: {  	[smem:$0x3FB4] =	sst s9;
	s0 =	simm.s32 @!p0 $0x0  }
0x12: {  	s1 =	sld [smem:$0x3F9A];
	s0 =	simm.s32 @p0 $0x1  }
0x13: {  	[smem:$0x3FB5] =	sst s0;
	s0 =	simm.s32 @!p1 $0x0  }
0x14: {  	s2 =	sld [smem:$0x3F99];
	s0 =	simm.s32 @p1 $0x1  }
0x15: {  	[smem:$0x3FB6] =	sst s0;
	s0 =	simm.s32 @!p2 $0x0  }
0x16: {  	s3 =	sld [smem:$0x3FDB];
	s0 =	simm.s32 @p2 $0x1  }
0x17: {  	s4 =	simm.s32 $0x1BF5;
	[smem:$0x3FB8] =	sst s0  }
0x18: {  	s0 =	sld [smem:$0x3F9B];
	_ =	swait.ge [sflag:s4], $0x0  }
0x19: {  	s7 =	sld [smem:$0x3F9C]  }
0x1a: {  	s8 =	sadd.s32 $0xFFFFE003, lr  }
0x1b: {  	s9 =	sadd.s32 $0xFFFFFEF7, lr;
	s5 =	simm.s32 $0xFFFFFFFF;
	p2 =	slt.u32 s8, $0xFFFFF086  }
0x1c: {  	p1 =	slt.u32 s9, $0xF7A;
	s5 =	simm.s32 @!p2 $0x0  }
0x1d: {  	s5 =	simm.s32 @p1 $0x1;
	p0 =	seq.s32 s7, s2  }
0x1e: {  	s7 =	smul.u32 @!p0 $0xF7A, s2;
	p2 =	seq.s32 @!p0 s5, $0x0  }
0x1f: {  	s9 =	smul.u32 $0xF7A, s1;
	s8 =	simm.s32 @!p0 $0x1BF5;
	p2 =	por !p2, p0  }
0x20: {  	[sflag:s8] =	ssyncset.s32 @!p0 $0xFFFFF086;
	s6 =	sadd.s32 @!p0 s3, s7;
	s7 =	simm.s32 @!p0 $0x108  }
0x21: {  	s3 =	sadd.s32 s3, s9;
	s6 =	sadd.s32 @!p0 $0x88, s6;
	s7 =	simm.s32 @p2 $0x1082  }
0x22: {  	[simem:s7], [sflag:s8] =	dma.local @!p0 [hbm:s6], $0xF7A  }
0x23: {  	s9 =	sor.u32 $0xD0000000, s2;
	s6 =	simm.s32 $0x108;
	_ =	swait.ge @!p0 [sflag:s8], $0x0  }
0x24: {  	s3 =	sadd.s32 $0x88, s3;
	s6 =	simm.s32 @!p1 $0x1082;
	[sflag:s4] =	ssyncset.s32 $0xFFFFF086  }
0x25: {  	[simem:s6], [sflag:s4] =	dma.local [hbm:s3], $0xF7A  }
0x26: {  	[smem:$0x3F9C] =	sst s1;
	(tag) =	ssettag s2;
	_ =	strace s9  }
0x27: {  	s1 =	sld [smem:$0x3FAC]  }
0x28: {  	s2 =	sld [smem:$0x3FAD]  }
0x29: {  	s4 =	sld [smem:$0x3FAF]  }
0x2a: {  	p0 =	seq.s32 s5, $0x0;
	s5 =	sld [smem:$0x3FB0]  }
0x2b: {  	s6 =	sld [smem:$0x3FB1]  }
0x2c: {  	s7 =	sld [smem:$0x3FB2]  }
0x2d: {  	s3 =	simm.s32 $0x108;
	s8 =	sld [smem:$0x3FB3]  }
0x2e: {  	s3 =	simm.s32 @!p0 $0x1082;
	s9 =	sld [smem:$0x3FB4]  }
0x2f: {  	lr =	sadd.s32 s0, s3;
	s0 =	sld [smem:$0x3FAB]  }
0x30: {  	s3 =	sld [smem:$0x3FAE]  }
0x31: {  	[smem:$0x3FB7] =	sst s10  }
0x32: {  	s10 =	sld [smem:$0x3FB5];
	_ =	sdelay $0x3  }
0x33: {  	p0 =	seq.s32 s10, $0x1;
	s10 =	sld [smem:$0x3FB7];
	_ =	sdelay $0x3  }
0x34: {  	[smem:$0x3FB7] =	sst s10  }
0x35: {  	s10 =	sld [smem:$0x3FB6];
	_ =	sdelay $0x3  }
0x36: {  	p1 =	seq.s32 s10, $0x1;
	s10 =	sld [smem:$0x3FB7];
	_ =	sdelay $0x3  }
0x37: {  	[smem:$0x3FB7] =	sst s10  }
0x38: {  	s10 =	sld [smem:$0x3FB8]  }
0x39: {  	_ = 	snop;
	(pc) =	sbr.ind lr, $3  }
0x3a: {  	_ = 	snop  }
0x3b: {  	_ = 	snop  }
0x3c: {  	p2 =	seq.s32 s10, $0x1;
	s10 =	sld [smem:$0x3FB7]  }
0x3d: {  	_ =	shalt  }
0x3e: {  	_ =	shalt  }
0x3f: {  	_ =	shalt  }
0x40: {  	_ =	shalt  }
0x41: {  	_ =	shalt  }
0x42: {  	_ =	shalt  }
0x43: {  	_ =	shalt  }
0x44: {  	_ =	shalt  }
0x45: {  	_ =	shalt  }
0x46: {  	_ =	shalt  }
0x47: {  	_ =	shalt  }
0x48: {  	_ =	shalt  }
0x49: {  	_ =	shalt  }
0x4a: {  	_ =	shalt  }
0x4b: {  	_ =	shalt  }
0x4c: {  	_ =	shalt  }
0x4d: {  	_ =	shalt  }
0x4e: {  	_ =	shalt  }
0x4f: {  	_ =	shalt  }
0x50: {  	_ =	shalt  }
0x51: {  	_ =	shalt  }
0x52: {  	_ =	shalt  }
0x53: {  	_ =	shalt  }
0x54: {  	_ =	shalt  }
0x55: {  	_ =	shalt  }
0x56: {  	_ =	shalt  }
0x57: {  	_ =	shalt  }
0x58: {  	_ =	shalt  }
0x59: {  	_ =	shalt  }
0x5a: {  	_ =	shalt  }
0x5b: {  	_ =	shalt  }
0x5c: {  	_ =	shalt  }
0x5d: {  	_ =	shalt  }
0x5e: {  	_ =	shalt  }
0x5f: {  	_ =	shalt  }
0x60: {  	_ =	shalt  }
0x61: {  	_ =	shalt  }
0x62: {  	_ =	shalt  }
0x63: {  	_ =	shalt  }
0x64: {  	_ =	shalt  }
0x65: {  	_ =	shalt  }
0x66: {  	_ =	shalt  }
0x67: {  	_ =	shalt  }
0x68: {  	_ =	shalt  }
0x69: {  	_ =	shalt  }
0x6a: {  	_ =	shalt  }
0x6b: {  	_ =	shalt  }
0x6c: {  	_ =	shalt  }
0x6d: {  	_ =	shalt  }
0x6e: {  	_ =	shalt  }
0x6f: {  	_ =	shalt  }
0x70: {  	_ =	shalt  }
0x71: {  	_ =	shalt  }
0x72: {  	_ =	shalt  }
0x73: {  	_ =	shalt  }
0x74: {  	_ =	shalt  }
0x75: {  	_ =	shalt  }
0x76: {  	_ =	shalt  }
0x77: {  	_ =	shalt  }
0x78: {  	_ =	shalt  }
0x79: {  	_ =	shalt  }
0x7a: {  	_ =	shalt  }
0x7b: {  	_ =	shalt  }
0x7c: {  	_ =	shalt  }
0x7d: {  	_ =	shalt  }
0x7e: {  	_ =	shalt  }
0x7f: {  	_ =	shalt  }
0x80: {  	_ =	shalt  }
0x81: {  	_ =	shalt  }
0x82: {  	_ =	shalt  }
0x83: {  	_ =	shalt  }
0x84: {  	_ =	shalt  }
0x85: {  	_ =	shalt  }
0x86: {  	_ =	shalt  }
0x87: {  	_ =	shalt  }
.Lfunc_end0:
.L_simem_size_0:
called_computation.1_lowered:
.L_overlay_start_0:
0x88: {  	s2 =	sld [smem:$0x3FD9]  }
0x89: {  	s3 =	sld [smem:$0x3FFE];
	_ =	sdelay $0x1  }
0x8a: {  	s1 =	srdreg.scid  }
0x8b: {  	s0 =	sand.u32 $0x1, s1  }
0x8c: {  	s17 =	sshll.u32 s0, $0xA;
	s2 =	sadd.s32 s3, s2  }
0x8d: {  	s2 =	sadd.s32 s2, s17  }
0x8e: {  	[smem:$0x3FC3] =	sst s2  }
0x8f: {  	_ = 	snop  }
0x90: {  	s2 =	sld [smem:$0x3FC7]  }
0x91: {  	s18 =	sld [smem:$0x3FD0];
	(tm) =	ssettm $0x1  }
0x92: {  	s4 =	sld [smem:$0x3FFB];
	_ =	sdelay $0x3  }
0x93: {  	_ =	strace s4  }
0x94: {  	s4 =	sld [smem:$0x3FFC];
	_ =	sdelay $0x3  }
0x95: {  	_ =	strace s4  }
0x96: {  	s4 =	sld [smem:$0x3FFD];
	_ =	sdelay $0x3  }
0x97: {  	_ =	strace s4  }
0x98: {  	_ =	strace $0x8FFFFFFF  }
0x99: {  	s19 =	sld [smem:$0x3FDB];
	_ =	sdelay $0x1  }
0x9a: {  	s5 =	simm.s32 $_scs_section_size  }
0x9b: {  	s6 =	simm.s32 $_size__tile_overlayer_lowered;
	s7 =	simm.s32 $_tile_overlayer_lowered  }
0x9c: {  	s22 =	simm.s32 $0x1BFF;
	s21 =	sshll.u32 s7, $0x1;
	s4 =	sadd.s32 s5, s19  }
0x9d: {  	s8 =	simm.s32 $0x0;
	s20 =	sshll.u32 s6, $0x1;
	s6 =	sadd.s32 s21, s4  }
0x9e: {  	[timem:s8], [sflag:s22] =	dma.local [hbm:s6], s20  }
0x9f: {  	_ =	swait.ge [sflag:s22], s20  }
0xa0: {  	s5 =	ssub.s32 $0x0, s20;
	[sflag:s22] =	ssyncset.done $0x0  }
0xa1: {  	[sflag:s22] =	ssyncadd.s32 s5;
	_ =	sdelay $0x1  }
0xa2: {  	s23 =	simm.s32 $0x1B8B  }
0xa3: {  	_ =	swait.ge [sflag:s23], $0x1  }
0xa4: {  	[sflag:s23] =	ssyncset.done $0x0  }
0xa5: {  	s25 =	simm.s32 $0x1B8E;
	s24 =	sld [smem:$0x3FFE];
	[sflag:s23] =	ssyncadd.s32 $0xFFFFFFFF  }
0xa6: {  	s26 =	simm.s32 $execute0_lowered;
	[smem:$0x3FD2] =	sst s25  }
0xa7: {  	s6 =	sshll.u32 s26, $0x1;
	_ =	strace $0x80000049;
	[dreg:$0x1] =	wrdreg $0xFFFFFFFF  }
0xa8: {  	s28 =	simm.s32 $_size_execute0_lowered;
	s4 =	sadd.s32 s4, s6;
	[dreg:$0x0] =	wrdreg $0x0  }
0xa9: {  	s6 =	sshll.u32 s28, $0x1;
	[dreg:$0x2] =	wrdreg s4  }
0xaa: {  	[dreg:$0x3] =	wrdreg s6  }
0xab: {  	[dreg:$0x4] =	wrdreg $0xC0  }
0xac: {  	_ =	task [dreg:s8], $0x5FFFF  }
0xad: {  	[dreg:$0x1] =	wrdreg $0xFFFFFFFF  }
0xae: {  	[dreg:$0x0] =	wrdreg $0x60  }
0xaf: {  	[dreg:$0x2] =	wrdreg s24  }
0xb0: {  	[dreg:$0x3] =	wrdreg s2  }
0xb1: {  	[dreg:$0x4] =	wrdreg s18  }
0xb2: {  	[dreg:$0x5] =	wrdreg $0x0  }
0xb3: {  	[dreg:$0x6] =	wrdreg $0x18700  }
0xb4: {  	[dreg:$0x7] =	wrdreg $0x30E00  }
0xb5: {  	[dreg:$0x8] =	wrdreg $0x49500  }
0xb6: {  	[dreg:$0x9] =	wrdreg $0x61C00  }
0xb7: {  	[dreg:$0xa] =	wrdreg $0x7A300  }
0xb8: {  	[dreg:$0xb] =	wrdreg $0x9  }
0xb9: {  	_ =	task.clear_ibuf [dreg:s8], $0xCFFFF;
	_ =	strace $0x90000049  }
0xba: {  	s29 =	simm.s32 $0x9;
	_ =	strace $0x8000004B  }
0xbb: {  	_ =	swait.ge [sflag:s29], $0x1  }
0xbc: {  	[sflag:s29] =	ssyncadd.s32 $0xFFFFFFFF  }
0xbd: {  	_ =	strace $0x9000004B  }
0xbe: {  	_ =	sfence  }
0xbf: {  	s30 =	sld [smem:$0x0];
	_ =	sdelay $0x2  }
0xc0: {  	s31 =	sshll.u32 s1, $0xD;
	s1 =	sshrl.u32 s1, $0x2  }
0xc1: {  	s3 =	sand.u32 $0x4000, s31;
	s1 =	sadd.s32 s1, s30  }
0xc2: {  	s0 =	sor.u32 s3, s0;
	s1 =	sshll.u32 s1, $0x11  }
0xc3: {  	s0 =	sor.u32 s1, s0  }
0xc4: {  	s0 =	sadd.s32 $0x8F2B, s0  }
0xc5: {  	[sflag:s0] =	ssyncadd.remote.s32 $0x1  }
0xc6: {  	_ =	sfence.sel $0xFFFF  }
0xc7: {  	[dreg:$0x0] =	wrdreg $0xFFFFFFFF;
	(pc) =	sbr.abs _section_cstart, $3  }
0xc8: {  	[dreg:$0x1] =	wrdreg $0xFFFFFFFF  }
0xc9: {  	_ =	task.clear_ibuf [dreg:s8], $0x2FFFF;
	_ =	strace $0x9FFFFFFF  }
0xca: {  	(tm) =	ssettm $0x7FFFFFFF  }
0xcb: {  	_ =	shalt  }
tec
execute0_lowered:
.L_overlay_start_1:
0x0: {  	(tag) =	ssettag $0x1  }
0x1: {  	s0 =	rddreg [dreg:$0x0]  }
0x2: {  	s2 =	rddreg [dreg:$0x2]  }
0x3: {  	s1 =	rddreg [dreg:$0x3]  }
0x4: {  	s3 =	rddreg [dreg:$0x4]  }
0x5: {  	s4 =	rddreg [dreg:$0x5]  }
0x6: {  	s5 =	rddreg [dreg:$0x6]  }
0x7: {  	s6 =	rddreg [dreg:$0x7]  }
0x8: {  	s7 =	rddreg [dreg:$0x8];
	s25 =	simm.s32 $0x0  }
0x9: {  	s8 =	srdreg.scid;
	s10 =	stileid.u32;
	s29 =	simm.s32 $0x4  }
0xa: {  	s28 =	simm.s32 $0xA2A0;
	s30 =	simm.s32 $0x1;
	s31 =	simm.s32 $0xFA0  }
0xb: {  	[smem:$0x7FF] =	sst s25;
	s9 =	sadd.s32 $0x200, s0;
	s12 =	sadd.s32 $0x189E00, s0  }
0xc: {  	s16 =	sadd.s32 $0x18D000, s0;
	_ =	strace $0x8000004A;
	[dreg:$0xa] =	wrdreg s12  }
0xd: {  	s8 =	sand.u32 $0x1, s8;
	s13 =	sadd.s32 $0x186C00, s0;
	[dreg:$0xb] =	wrdreg s16  }
0xe: {  	s11 =	smul.u32 $0x1870, s10;
	s18 =	sadd.s32 $0x190400, s0;
	[dreg:$0xc] =	wrdreg s13  }
0xf: {  	s19 =	sadd.s32 $0x190200, s0;
	p0 =	sne.s32 s10, $0x0;
	[dreg:$0xd] =	wrdreg s18  }
0x10: {  	s17 =	smul.u32 $0x18700, s8;
	[dreg:$0xe] =	wrdreg s19;
	s20 =	ssub.s32 $0x2, s8  }
0x11: {  	s8 =	sshll.u32 s8, $0x4;
	s16 =	simm.s32 $0x2;
	s18 =	simm.s32 $0x132A0  }
0x12: {  	s19 =	simm.s32 $0x142A0;
	s14 =	sshrl.u32 s20, $0x1;
	s8 =	sor.u32 s10, s8  }
0x13: {  	s21 =	sadd.s32 s11, s5;
	s22 =	sadd.s32 s11, s6;
	s24 =	sadd.s32 s11, s7  }
0x14: {  	s10 =	simm.s32 $0xE2A0;
	s12 =	sadd.s32 s11, s17;
	[dreg:$0xf] =	wrdreg s21  }
0x15: {  	s13 =	ssub.s32 s20, s14;
	s15 =	smul.u32 $0x32, s8;
	[dreg:$0x11] =	wrdreg s22  }
0x16: {  	[dreg:$0x13] =	wrdreg s24;
	s24 =	simm.s32 $0xD2A0;
	s11 =	simm.s32 $0xF2A0  }
0x17: {  	s14 =	simm.s32 $0x112A0;
	s17 =	simm.s32 $0x122A0;
	s20 =	simm.s32 $0x152A0  }
0x18: {  	s21 =	simm.s32 $0x162A0;
	s12 =	sshrl.u32 s12, $0x3;
	s26 =	smax.u32 s13, $0x1  }
0x19: {  	s0 =	sadd.s32 s12, s0;
	s2 =	sadd.s32 s2, s12;
	[dreg:$0x15] =	wrdreg s26  }
0x1a: {  	s22 =	simm.s32 $0x172A0;
	[dreg:$0x10] =	wrdreg s2;
	s23 =	sadd.s32 $0x193600, s0  }
0x1b: {  	s26 =	simm.s32 $0x92A0;
	s0 =	sadd.s32 $0x199800, s0;
	[dreg:$0x12] =	wrdreg s23  }
0x1c: {  	s12 =	simm.s32 $0x102A0;
	[dreg:$0x14] =	wrdreg s0;
	s0 =	sshrl.u32 @!p0 s1, $0x3  }
0x1d: {  	s2 =	simm.s32 $0x0;
	s23 =	simm.s32 $0x3;
	[dreg:$0x16] =	wrdreg s0  }
.LBB2_1:
0x1e: {  	[dreg:$0x17] =	wrdreg s2  }
0x1f: {  	s2 =	rddreg [dreg:$0xa]  }
0x20: {  	s0 =	simm.s32 @!p0 $0x1C04;
	s8 =	rddreg [dreg:$0x16]  }
0x21: {  	[spmem:s8], [sflag:s0] =	dma.local @!p0 [hbm:s2], $0x30E0  }
0x22: {  	s8 =	simm.s32 @!p0 $0x4  }
0x23: {  	_ =	swait.ge @!p0 [sflag:s8], $0x30E0  }
0x24: {  	[sflag:s8] =	ssyncset.done @!p0 $0x0  }
0x25: {  	s13 =	sshrl.u32 @!p0 s3, $0x3;
	s2 =	rddreg [dreg:$0xb];
	[sflag:s8] =	ssyncadd.s32 @!p0 $0xFFFFCF20  }
0x26: {  	[spmem:s13], [sflag:s0] =	dma.local @!p0 [hbm:s2], $0x30E0  }
0x27: {  	_ =	swait.ge @!p0 [sflag:s8], $0x30E0  }
0x28: {  	[sflag:s8] =	ssyncset.done @!p0 $0x0  }
0x29: {  	s13 =	sshrl.u32 @!p0 s4, $0x3;
	s2 =	rddreg [dreg:$0xc];
	[sflag:s8] =	ssyncadd.s32 @!p0 $0xFFFFCF20  }
0x2a: {  	[spmem:s13], [sflag:s0] =	dma.local @!p0 [hbm:s2], $0x30E0  }
0x2b: {  	_ =	swait.ge @!p0 [sflag:s8], $0x30E0  }
0x2c: {  	[sflag:s8] =	ssyncset.done @!p0 $0x0  }
0x2d: {  	s13 =	sshrl.u32 @!p0 s5, $0x3;
	s2 =	rddreg [dreg:$0xd];
	[sflag:s8] =	ssyncadd.s32 @!p0 $0xFFFFCF20  }
0x2e: {  	[spmem:s13], [sflag:s0] =	dma.local @!p0 [hbm:s2], $0x30E0  }
0x2f: {  	_ =	swait.ge @!p0 [sflag:s8], $0x30E0  }
0x30: {  	[sflag:s8] =	ssyncset.done @!p0 $0x0  }
0x31: {  	s13 =	sshrl.u32 @!p0 s6, $0x3;
	[sflag:s8] =	ssyncadd.s32 @!p0 $0xFFFFCF20  }
0x32: {  	[spmem:s13], [sflag:s0] =	dma.local @!p0 [hbm:s2], $0x30E0  }
0x33: {  	_ =	swait.ge @!p0 [sflag:s8], $0x30E0  }
0x34: {  	[sflag:s8] =	ssyncset.done @!p0 $0x0  }
0x35: {  	s13 =	sshrl.u32 @!p0 s7, $0x3;
	[sflag:s8] =	ssyncadd.s32 @!p0 $0xFFFFCF20  }
0x36: {  	[spmem:s13], [sflag:s0] =	dma.local @!p0 [hbm:s2], $0x30E0  }
0x37: {  	_ =	swait.ge @!p0 [sflag:s8], $0x30E0  }
0x38: {  	[sflag:s8] =	ssyncset.done @!p0 $0x0  }
0x39: {  	s13 =	simm.s32 $0x182A0;
	[sflag:s8] =	ssyncadd.s32 @!p0 $0xFFFFCF20;
	s8 =	rddreg [dreg:$0xe]  }
0x3a: {  	[tilespmem:s13], [sflag:$0x4] =	stream.linear.gather [hbm4b:s8+s25], $0x80, $0x38;
	[tilespmem:$0x19BA0] =	vst v63  }
0x3b: {  	_ =	swait.ge [sflag:s29], $0x80  }
0x3c: {  	[sflag:s29] =	ssyncset.done $0x0  }
0x3d: {  	[sflag:s29] =	ssyncadd.s32 $0xFFFFFF80  }
0x3e: {  	[bflag:$0x0] =	sbarrier.arrive $0xFFFF  }
0x3f: {  	v0 =	vld [tilespmem:$0x182A0];
	_ =	sdelay $0x4  }
0x40: {  	s8 =	simm.s32 $0x0;
	v0 =	vmul.f32 $-5.000000000e-01, v0  }
.LBB2_2:
0x41: {  	s0 =	sadd.s32 s15, s8  }
0x42: {  	s0 =	smul.u32 $0xFA0, s0;
	_ =	sdelay $0x1  }
0x43: {  	s0 =	sshrl.u32 s0, $0x3  }
0x44: {  	s25 =	simm.s32 $0x0;
	s13 =	sadd.s32 s9, s0  }
0x45: {  	[tilespmem:s26], [sflag:$0x1] =	stream.linear.gather [hbm4b:s13+s25], $0xFA0, $0x38;
	[tilespmem:$0x19BA0] =	vst v63  }
0x46: {  	s2 =	rddreg [dreg:$0x1];
	s13 =	sadd.s32 $0xC3500, s13  }
0x47: {  	[tilespmem:s28], [sflag:$0x1] =	stream.linear.gather [hbm4b:s13+s25], $0xFA0, $0x38;
	[tilespmem:$0x19BA0] =	vst v63  }
0x48: {  	s0 =	sadd.s32 s2, s0;
	s13 =	simm.s32 $0xB2A0  }
0x49: {  	[tilespmem:s13], [sflag:$0x1] =	stream.linear.gather [hbm4b:s0+s25], $0xFA0, $0x38;
	[tilespmem:$0x19BA0] =	vst v63  }
0x4a: {  	_ =	swait.ge [sflag:s30], $0xFA0  }
0x4b: {  	[sflag:s30] =	ssyncset.done $0x0  }
0x4c: {  	[sflag:s30] =	ssyncadd.s32 $0xFFFFF060  }
0x4d: {  	_ =	swait.ge [sflag:s30], $0xFA0  }
0x4e: {  	[sflag:s30] =	ssyncset.done $0x0  }
0x4f: {  	[sflag:s30] =	ssyncadd.s32 $0xFFFFF060  }
0x50: {  	_ =	swait.ge [sflag:s30], $0xFA0  }
0x51: {  	[sflag:s30] =	ssyncset.done $0x0  }
0x52: {  	s25 =	simm.s32 $0xC2A0;
	[sflag:s30] =	ssyncadd.s32 $0xFFFFF060  }
0x53: {  	[tilespmem:s25], [sflag:$0x2] =	stream.indirect.gather [spmem:s1], $0x1, s26, s31, $0xb8;
	[tilespmem:$0x19BA0] =	vst v63  }
0x54: {  	_ = 	snop  }
0x55: {  	[tilespmem:s24], [sflag:$0x2] =	stream.indirect.gather [spmem:s3], $0x1, s26, s31, $0xb8;
	[tilespmem:$0x19BA0] =	vst v63  }
0x56: {  	_ = 	snop  }
0x57: {  	[tilespmem:s10], [sflag:$0x2] =	stream.indirect.gather [spmem:s4], $0x1, s26, s31, $0xb8;
	[tilespmem:$0x19BA0] =	vst v63  }
0x58: {  	_ = 	snop  }
0x59: {  	[tilespmem:s11], [sflag:$0x2] =	stream.indirect.gather [spmem:s1], $0x1, s28, s31, $0xb8;
	[tilespmem:$0x19BA0] =	vst v63  }
0x5a: {  	_ = 	snop  }
0x5b: {  	[tilespmem:s12], [sflag:$0x2] =	stream.indirect.gather [spmem:s3], $0x1, s28, s31, $0xb8;
	[tilespmem:$0x19BA0] =	vst v63  }
0x5c: {  	_ = 	snop  }
0x5d: {  	[tilespmem:s14], [sflag:$0x2] =	stream.indirect.gather [spmem:s4], $0x1, s28, s31, $0xb8;
	[tilespmem:$0x19BA0] =	vst v63  }
0x5e: {  	_ =	swait.ge [sflag:s16], $0xFA0  }
0x5f: {  	[sflag:s16] =	ssyncset.done $0x0  }
0x60: {  	[sflag:s16] =	ssyncadd.s32 $0xFFFFF060  }
0x61: {  	_ =	swait.ge [sflag:s16], $0xFA0  }
0x62: {  	[sflag:s16] =	ssyncset.done $0x0  }
0x63: {  	[sflag:s16] =	ssyncadd.s32 $0xFFFFF060  }
0x64: {  	_ =	swait.ge [sflag:s16], $0xFA0  }
0x65: {  	[sflag:s16] =	ssyncset.done $0x0  }
0x66: {  	[sflag:s16] =	ssyncadd.s32 $0xFFFFF060  }
0x67: {  	_ =	swait.ge [sflag:s16], $0xFA0  }
0x68: {  	[sflag:s16] =	ssyncset.done $0x0  }
0x69: {  	[sflag:s16] =	ssyncadd.s32 $0xFFFFF060  }
0x6a: {  	_ =	swait.ge [sflag:s16], $0xFA0  }
0x6b: {  	[sflag:s16] =	ssyncset.done $0x0  }
0x6c: {  	[sflag:s16] =	ssyncadd.s32 $0xFFFFF060  }
0x6d: {  	_ =	swait.ge [sflag:s16], $0xFA0  }
0x6e: {  	[sflag:s16] =	ssyncset.done $0x0  }
0x6f: {  	s25 =	simm.s32 $0x0;
	[sflag:s16] =	ssyncadd.s32 $0xFFFFF060  }
0x70: {  	v1 =	vld [tilespmem:s25+$0xC2D0]  }
0x71: {  	v2 =	vld [tilespmem:s25+$0xD2D0]  }
0x72: {  	v3 =	vld [tilespmem:s25+$0xF2D0]  }
0x73: {  	v4 =	vld [tilespmem:s25+$0x102D0]  }
0x74: {  	v5 =	vld [tilespmem:s25+$0xE2D0]  }
0x75: {  	v6 =	vld [tilespmem:s25+$0x112D0];
	_ =	sdelay $0x2  }
0x76: {  	v1 =	vsub.f32 v3, v1;
	v2 =	vsub.f32 v4, v2;
	_ =	sdelay $0x1  }
0x77: {  	v4 =	vsub.f32 v6, v5;
	v5 =	vmul.f32 v1, v1;
	v6 =	vmul.f32 v2, v2;
	_ =	sdelay $0x1  }
0x78: {  	v5 =	vadd.f32 v6, v5;
	v6 =	vmul.f32 v4, v4;
	_ =	sdelay $0x1  }
0x79: {  	v7 =	vld [tilespmem:s25+$0xD2A0];
	v5 =	vadd.f32 v6, v5  }
0x7a: {  	v8 =	vld [tilespmem:s25+$0xF2A0]  }
0x7b: {  	v9 =	vld [tilespmem:s25+$0x102A0];
	v12 =	vshrl.u32 v5, $0x1;
	v13 =	vmul.f32 $5.000000000e-01, v5  }
0x7c: {  	v10 =	vld [tilespmem:s25+$0xC2B0];
	v12 =	vsub.s32 $0x5F3759DF, v12  }
0x7d: {  	v11 =	vld [tilespmem:s25+$0xF2B0];
	v13 =	vmul.f32 v12, v13  }
0x7e: {  	v14 =	vld [tilespmem:s25+$0x102B0]  }
0x7f: {  	v15 =	vld [tilespmem:s25+$0xC2C0];
	v13 =	vmul.f32 v12, v13  }
0x80: {  	v18 =	vld [tilespmem:s25+$0xB2D0]  }
0x81: {  	v16 =	vld [tilespmem:s25+$0xD2C0];
	v13 =	vsub.f32 $1.500000000e+00, v13  }
0x82: {  	v17 =	vld [tilespmem:s25+$0xF2C0]  }
0x83: {  	v19 =	vld [tilespmem:s25+$0x102C0];
	v12 =	vmul.f32 v12, v13  }
0x84: {  	v3 =	vld [tilespmem:s25+$0xC2A0]  }
0x85: {  	v20 =	vld [tilespmem:s25+$0xE2A0];
	v18 =	vmul.f32 v12, v18;
	v5 =	vmul.f32 v12, v5  }
0x86: {  	v21 =	vld [tilespmem:s25+$0x112A0]  }
0x87: {  	v22 =	vld [tilespmem:s25+$0x112B0];
	v4 =	vmul.f32 v18, v4;
	v5 =	vmul.f32 v5, v0  }
0x88: {  	v23 =	vld [tilespmem:s25+$0x112C0];
	v7 =	vsub.f32 v9, v7  }
0x89: {  	v3 =	vsub.f32 v8, v3;
	v6 =	vld [tilespmem:s25+$0xD2B0];
	v26 =	vadd.f32 v4, v5  }
0x8a: {  	v13 =	vld [tilespmem:s25+$0xE2B0]  }
0x8b: {  	v20 =	vsub.f32 v21, v20;
	v9 =	vmul.f32 v3, v3;
	v12 =	vld [tilespmem:s25+$0xE2C0];
	[tilespmem:s25+$0x172D0] =	vst v26;
	v26 =	vmul.f32 v7, v7  }
0x8c: {  	v15 =	vsub.f32 v17, v15;
	v1 =	vmul.f32 v18, v1  }
0x8d: {  	v30 =	vsub.f32 v19, v16;
	v9 =	vadd.f32 v26, v9;
	v26 =	vmul.f32 v20, v20  }
0x8e: {  	s13 =	simm.s32 $0x40;
	v24 =	vld [tilespmem:s25+$0xB2A0];
	v10 =	vsub.f32 v11, v10;
	v6 =	vsub.f32 v14, v6;
	v2 =	vmul.f32 v18, v2;
	[tilespmem:s25+$0x152D0] =	vst v1  }
0x8f: {  	v16 =	vmul.f32 v15, v15;
	v32 =	vmul.f32 v30, v30;
	v18 =	vld [tilespmem:s13+$0xC2D0];
	v9 =	vadd.f32 v26, v9  }
0x90: {  	v27 =	vmul.f32 v6, v6;
	v13 =	vsub.f32 v22, v13;
	v23 =	vsub.f32 v23, v12;
	v21 =	vld [tilespmem:s13+$0xD2D0];
	[tilespmem:s25+$0x162D0] =	vst v2  }
0x91: {  	v11 =	vld [tilespmem:s13+$0xF2D0];
	v26 =	vmul.f32 v10, v10;
	v22 =	vshrl.u32 v9, $0x1;
	v28 =	vmul.f32 $5.000000000e-01, v9  }
0x92: {  	v16 =	vadd.f32 v32, v16;
	v59 =	vmul.f32 v23, v23;
	v14 =	vld [tilespmem:s13+$0x102D0];
	v19 =	vsub.s32 $0x5F3759DF, v22  }
0x93: {  	v17 =	vld [tilespmem:s13+$0xE2D0];
	v26 =	vadd.f32 v27, v26;
	v27 =	vmul.f32 v13, v13;
	v28 =	vmul.f32 v19, v28  }
0x94: {  	v1 =	vsub.f32 $0.0e+00, v1;
	v29 =	vld [tilespmem:s13+$0x112D0]  }
0x95: {  	v31 =	vld [tilespmem:s13+$0xD2A0];
	v16 =	vadd.f32 v59, v16;
	v26 =	vadd.f32 v27, v26;
	v27 =	vmul.f32 v19, v28  }
0x96: {  	v4 =	vsub.f32 v5, v4;
	v2 =	vsub.f32 $0.0e+00, v2;
	v12 =	vld [tilespmem:s13+$0xF2A0]  }
0x97: {  	v32 =	vmul.f32 $5.000000000e-01, v16;
	v22 =	vld [tilespmem:s13+$0xC2A0];
	v60 =	vsub.f32 v11, v18;
	v27 =	vsub.f32 $1.500000000e+00, v27  }
0x98: {  	v35 =	vsub.f32 v14, v21;
	v28 =	vld [tilespmem:s13+$0x102A0];
	[tilespmem:s25+$0x122D0] =	vst v1;
	v1 =	vshrl.u32 v26, $0x1;
	v34 =	vmul.f32 $5.000000000e-01, v26  }
0x99: {  	v29 =	vsub.f32 v29, v17;
	v33 =	vld [tilespmem:s13+$0xC2B0];
	[tilespmem:s25+$0x132D0] =	vst v2;
	v1 =	vsub.s32 $0x5F3759DF, v1;
	v2 =	vmul.f32 v19, v27  }
0x9a: {  	v25 =	vld [tilespmem:s25+$0xB2B0];
	v21 =	vmul.f32 v60, v60;
	v19 =	vmul.f32 v1, v34;
	v27 =	vshrl.u32 v16, $0x1  }
0x9b: {  	v17 =	vmul.f32 v35, v35;
	v5 =	vld [tilespmem:s13+$0xD2B0];
	[tilespmem:s25+$0x142D0] =	vst v4;
	v4 =	vsub.s32 $0x5F3759DF, v27;
	v24 =	vmul.f32 v2, v24  }
0x9c: {  	v8 =	vld [tilespmem:s25+$0xB2C0];
	v19 =	vmul.f32 v1, v19;
	v32 =	vmul.f32 v4, v32  }
0x9d: {  	v17 =	vadd.f32 v17, v21;
	v21 =	vmul.f32 v29, v29;
	v11 =	vld [tilespmem:s13+$0x102B0];
	v9 =	vmul.f32 v2, v9  }
0x9e: {  	v14 =	vld [tilespmem:s13+$0xC2C0];
	v3 =	vmul.f32 v24, v3;
	v18 =	vsub.f32 $1.500000000e+00, v19;
	v19 =	vmul.f32 v4, v32  }
0x9f: {  	v27 =	vld [tilespmem:s13+$0xF2B0];
	v2 =	vsub.f32 v12, v22;
	v22 =	vadd.f32 v21, v17;
	v7 =	vmul.f32 v24, v7  }
0xa0: {  	v61 =	vld [tilespmem:s13+$0xD2C0];
	[tilespmem:s25+$0x152A0] =	vst v3;
	v1 =	vmul.f32 v1, v18;
	v18 =	vsub.f32 $1.500000000e+00, v19;
	v3 =	vsub.f32 $0.0e+00, v3  }
0xa1: {  	v17 =	vmul.f32 v24, v20;
	v20 =	vmul.f32 $5.000000000e-01, v22;
	v19 =	vld [tilespmem:s13+$0xF2C0];
	[tilespmem:s25+$0x162A0] =	vst v7  }
0xa2: {  	v4 =	vmul.f32 v4, v18;
	v18 =	vmul.f32 v1, v25;
	v25 =	vld [tilespmem:s13+$0x102C0];
	[tilespmem:s25+$0x122A0] =	vst v3  }
0xa3: {  	v24 =	vmul.f32 v9, v0;
	v7 =	vsub.f32 $0.0e+00, v7;
	v26 =	vmul.f32 v1, v26;
	v12 =	vld [tilespmem:s13+$0xE2A0]  }
0xa4: {  	v3 =	vsub.f32 v28, v31;
	v1 =	vsub.f32 v27, v33;
	v21 =	vld [tilespmem:s13+$0x112A0];
	v8 =	vmul.f32 v4, v8  }
0xa5: {  	v28 =	vld [tilespmem:s13+$0xE2B0];
	v36 =	vmul.f32 v4, v16;
	v16 =	vmul.f32 v2, v2;
	v4 =	vshrl.u32 v22, $0x1  }
0xa6: {  	v31 =	vld [tilespmem:s13+$0xB2D0];
	[tilespmem:s25+$0x132A0] =	vst v7;
	v9 =	vmul.f32 v3, v3;
	v7 =	vmul.f32 v1, v1;
	v27 =	vsub.s32 $0x5F3759DF, v4  }
0xa7: {  	v62 =	vmul.f32 v18, v10;
	v4 =	vsub.f32 v11, v5;
	v5 =	vmul.f32 v27, v20  }
0xa8: {  	v39 =	vmul.f32 v18, v6;
	v38 =	vadd.f32 v9, v16;
	v16 =	vmul.f32 v18, v13  }
0xa9: {  	v37 =	vld [tilespmem:s13+$0x112B0];
	v11 =	vsub.f32 v24, v17;
	v20 =	vmul.f32 v8, v15;
	v10 =	vmul.f32 v27, v5  }
0xaa: {  	v18 =	vadd.f32 v17, v24;
	v17 =	vmul.f32 v8, v23;
	v6 =	vsub.f32 v25, v61  }
0xab: {  	[tilespmem:s25+$0x142A0] =	vst v11;
	v9 =	vmul.f32 v4, v4;
	v5 =	vsub.f32 v19, v14;
	v10 =	vsub.f32 $1.500000000e+00, v10  }
0xac: {  	v13 =	vld [tilespmem:s13+$0xE2C0];
	v19 =	vmul.f32 v26, v0;
	[tilespmem:s25+$0x152B0] =	vst v62;
	v11 =	vmul.f32 v6, v6  }
0xad: {  	v26 =	vadd.f32 v9, v7;
	v63 =	vld [tilespmem:s13+$0x112C0];
	v7 =	vmul.f32 v5, v5;
	v10 =	vmul.f32 v27, v10  }
0xae: {  	v9 =	vsub.f32 v21, v12;
	v21 =	vmul.f32 v8, v30;
	v8 =	vsub.f32 v37, v28  }
0xaf: {  	[tilespmem:s25+$0x162B0] =	vst v39;
	v25 =	vadd.f32 v11, v7;
	v23 =	vmul.f32 v10, v31;
	v7 =	vmul.f32 v10, v22  }
0xb0: {  	v12 =	vld [tilespmem:s13+$0xB2A0];
	[tilespmem:s25+$0x152C0] =	vst v20;
	v24 =	vmul.f32 v9, v9;
	v28 =	vmul.f32 v8, v8  }
0xb1: {  	v11 =	vld [tilespmem:s13+$0xB2C0];
	v27 =	vsub.f32 $0.0e+00, v62;
	v14 =	vmul.f32 v23, v29;
	v15 =	vmul.f32 v7, v0  }
0xb2: {  	v10 =	vld [tilespmem:s13+$0xB2B0];
	v22 =	vmul.f32 v36, v0;
	[tilespmem:s25+$0x172A0] =	vst v18;
	v18 =	vadd.f32 v24, v38;
	v7 =	vsub.f32 v63, v13  }
0xb3: {  	[tilespmem:s25+$0x162C0] =	vst v21;
	v24 =	vmul.f32 v23, v60;
	v23 =	vmul.f32 v23, v35;
	v29 =	vadd.f32 v14, v15  }
0xb4: {  	[tilespmem:s25+$0x122B0] =	vst v27;
	v30 =	vshrl.u32 v18, $0x1;
	v13 =	vadd.f32 v28, v26;
	v27 =	vmul.f32 v7, v7  }
0xb5: {  	s29 =	simm.s32 $0x200;
	s0 =	simm.s32 $0x4;
	v28 =	vmul.f32 $5.000000000e-01, v18;
	v26 =	vsub.s32 $0x5F3759DF, v30;
	[tilespmem:s13+$0x172D0] =	vst v29;
	v29 =	vsub.f32 $0.0e+00, v39  }
.LBB2_3:
0xb6: {  	s2 =	sshra.s32 s29, $0x2;
	v30 =	vshrl.u32 v13, $0x1;
	v31 =	vmul.f32 $5.000000000e-01, v13;
	v25 =	vadd.f32 v27, v25;
	[tilespmem:s13+$0x152D0] =	vst v24  }
0xb7: {  	v27 =	vld [tilespmem:s2+$0xC2D0];
	v28 =	vmul.f32 v26, v28;
	v30 =	vsub.s32 $0x5F3759DF, v30;
	[tilespmem:s25+$0x132B0] =	vst v29;
	v29 =	vsub.f32 v19, v16  }
0xb8: {  	v32 =	vld [tilespmem:s2+$0xD2D0];
	v31 =	vmul.f32 v30, v31;
	v33 =	vshrl.u32 v25, $0x1;
	v34 =	vmul.f32 $5.000000000e-01, v25;
	[tilespmem:s13+$0x162D0] =	vst v23  }
0xb9: {  	s0 =	sadd.s32 $0x4, s0;
	v16 =	vadd.f32 v16, v19;
	v35 =	vld [tilespmem:s2+$0xF2D0];
	v28 =	vmul.f32 v26, v28;
	v33 =	vsub.s32 $0x5F3759DF, v33;
	[tilespmem:s25+$0x142B0] =	vst v29  }
0xba: {  	v20 =	vsub.f32 $0.0e+00, v20;
	p1 =	slt.u32 s0, $0xF4;
	v19 =	vld [tilespmem:s2+$0x102D0];
	v29 =	vmul.f32 v30, v31;
	v31 =	vmul.f32 v33, v34  }
0xbb: {  	v34 =	vld [tilespmem:s2+$0xE2D0];
	v28 =	vsub.f32 $1.500000000e+00, v28;
	[tilespmem:s25+$0x172B0] =	vst v16;
	v16 =	vsub.f32 $0.0e+00, v21  }
0xbc: {  	v21 =	vld [tilespmem:s2+$0x112D0];
	v29 =	vsub.f32 $1.500000000e+00, v29;
	v31 =	vmul.f32 v33, v31;
	[tilespmem:s25+$0x122C0] =	vst v20;
	v20 =	vsub.f32 v22, v17  }
0xbd: {  	v24 =	vsub.f32 $0.0e+00, v24;
	v36 =	vld [tilespmem:s2+$0xC2A0];
	v26 =	vmul.f32 v26, v28;
	[tilespmem:s25+$0x132C0] =	vst v16;
	v16 =	vadd.f32 v17, v22  }
0xbe: {  	v23 =	vsub.f32 $0.0e+00, v23;
	v17 =	vld [tilespmem:s2+$0xD2A0];
	v22 =	vmul.f32 v30, v29;
	v28 =	vsub.f32 $1.500000000e+00, v31;
	[tilespmem:s25+$0x142C0] =	vst v20  }
0xbf: {  	v27 =	vsub.f32 v35, v27;
	v20 =	vld [tilespmem:s2+$0xF2A0];
	v29 =	vsub.f32 v19, v32;
	v12 =	vmul.f32 v26, v12;
	[tilespmem:s25+$0x172C0] =	vst v16;
	s25 =	smov.u32 s13;
	s13 =	smov.u32 s2  }
0xc0: {  	v14 =	vsub.f32 v15, v14;
	v18 =	vmul.f32 v26, v18;
	v16 =	vld [tilespmem:s13+$0x102A0];
	v19 =	vmul.f32 v33, v28;
	[tilespmem:s25+$0x122D0] =	vst v24  }
0xc1: {  	v15 =	vld [tilespmem:s13+$0xC2B0];
	v24 =	vsub.f32 v21, v34;
	v21 =	vmul.f32 v27, v27;
	v26 =	vmul.f32 v29, v29;
	[tilespmem:s25+$0x132D0] =	vst v23  }
0xc2: {  	v10 =	vmul.f32 v22, v10;
	v13 =	vmul.f32 v22, v13;
	v23 =	vld [tilespmem:s13+$0xD2B0];
	[tilespmem:s25+$0x142D0] =	vst v14  }
0xc3: {  	v11 =	vmul.f32 v19, v11;
	v14 =	vld [tilespmem:s13+$0xF2B0];
	v21 =	vadd.f32 v26, v21;
	v22 =	vmul.f32 v24, v24  }
0xc4: {  	v28 =	vmul.f32 v12, v2;
	v30 =	vmul.f32 v19, v25;
	v26 =	vld [tilespmem:s13+$0x102B0];
	v2 =	vsub.f32 v20, v36  }
0xc5: {  	v20 =	vmul.f32 v12, v3;
	v19 =	vld [tilespmem:s13+$0xC2C0];
	v22 =	vadd.f32 v22, v21;
	v3 =	vsub.f32 v16, v17  }
0xc6: {  	v21 =	vmul.f32 v12, v9;
	v9 =	vsub.f32 $0.0e+00, v28;
	v16 =	vmul.f32 v2, v2;
	v17 =	vld [tilespmem:s13+$0xD2C0];
	[tilespmem:s25+$0x152A0] =	vst v28  }
0xc7: {  	v12 =	vmul.f32 v3, v3;
	v25 =	vld [tilespmem:s13+$0xF2C0];
	v28 =	vshrl.u32 v22, $0x1;
	v31 =	vmul.f32 $5.000000000e-01, v22;
	[tilespmem:s25+$0x162A0] =	vst v20  }
0xc8: {  	v18 =	vmul.f32 v18, v0;
	v14 =	vsub.f32 v14, v15;
	v15 =	vld [tilespmem:s13+$0x102C0];
	v28 =	vsub.s32 $0x5F3759DF, v28;
	[tilespmem:s25+$0x122A0] =	vst v9  }
0xc9: {  	v9 =	vld [tilespmem:s13+$0xE2A0];
	v32 =	vadd.f32 v12, v16;
	v12 =	vsub.f32 v26, v23;
	v16 =	vmul.f32 v28, v31  }
0xca: {  	v20 =	vsub.f32 $0.0e+00, v20;
	v31 =	vmul.f32 v10, v1;
	v23 =	vld [tilespmem:s13+$0x112A0];
	v26 =	vmul.f32 v14, v14;
	v1 =	vmovc v14  }
0xcb: {  	v35 =	vsub.f32 v18, v21;
	v14 =	vld [tilespmem:s13+$0xE2B0];
	v33 =	vmul.f32 v12, v12;
	v34 =	vmul.f32 v28, v16  }
0xcc: {  	v38 =	vmul.f32 v10, v4;
	v16 =	vmul.f32 v10, v8;
	v36 =	vsub.f32 v25, v19;
	v37 =	vld [tilespmem:s13+$0xB2D0];
	[tilespmem:s25+$0x132A0] =	vst v20  }
0xcd: {  	v4 =	vmovc v12;
	v19 =	vmul.f32 v13, v0;
	v8 =	vld [tilespmem:s13+$0x112B0];
	v39 =	vsub.f32 v15, v17;
	v10 =	vsub.f32 $1.500000000e+00, v34;
	[tilespmem:s25+$0x142A0] =	vst v35  }
0xce: {  	v20 =	vmul.f32 v11, v5;
	v13 =	vadd.f32 v33, v26;
	v26 =	vld [tilespmem:s13+$0xE2C0];
	v15 =	vmul.f32 v36, v36;
	[tilespmem:s25+$0x152B0] =	vst v31  }
0xcf: {  	v9 =	vsub.f32 v23, v9;
	v23 =	vld [tilespmem:s13+$0x112C0];
	v34 =	vmul.f32 v39, v39;
	v28 =	vmul.f32 v28, v10;
	[tilespmem:s25+$0x162B0] =	vst v38  }
0xd0: {  	v18 =	vadd.f32 v21, v18;
	v21 =	vmul.f32 v11, v6;
	v17 =	vmul.f32 v11, v7;
	v12 =	vld [tilespmem:s13+$0xB2A0];
	[tilespmem:s25+$0x152C0] =	vst v20  }
0xd1: {  	v5 =	vmovc v36;
	v10 =	vld [tilespmem:s13+$0xB2B0];
	v25 =	vadd.f32 v34, v15;
	v33 =	vmul.f32 v28, v37;
	v34 =	vmul.f32 v28, v22  }
0xd2: {  	v7 =	vmul.f32 v9, v9;
	v22 =	vmul.f32 v30, v0;
	v8 =	vsub.f32 v8, v14;
	v11 =	vld [tilespmem:s13+$0xB2C0];
	[tilespmem:s25+$0x172A0] =	vst v18  }
.Ltmp0:
0xd3: {  	v6 =	vmovc v39;
	v28 =	vsub.f32 $0.0e+00, v31;
	v14 =	vmul.f32 v33, v24;
	v15 =	vmul.f32 v34, v0;
	[tilespmem:s25+$0x162C0] =	vst v21;
	(pc) =	sbr.rel @p1 .LBB2_3-.Ltmp0, $4  }
0xd4: {  	v18 =	vadd.f32 v7, v32;
	v30 =	vmul.f32 v8, v8;
	v7 =	vsub.f32 v23, v26  }
0xd5: {  	v24 =	vmul.f32 v33, v27;
	v23 =	vmul.f32 v33, v29;
	v29 =	vadd.f32 v14, v15;
	[tilespmem:s25+$0x122B0] =	vst v28  }
0xd6: {  	v26 =	vshrl.u32 v18, $0x1;
	v13 =	vadd.f32 v30, v13;
	v27 =	vmul.f32 v7, v7  }
0xd7: {  	s29 =	sadd.s32 $0x100, s29;
	v28 =	vmul.f32 $5.000000000e-01, v18;
	v26 =	vsub.s32 $0x5F3759DF, v26;
	[tilespmem:s13+$0x172D0] =	vst v29;
	v29 =	vsub.f32 $0.0e+00, v38  }
0xd8: {  	_ = 	snop  }
0xd9: {  	[tilespmem:s13+$0x152D0] =	vst v24;
	v30 =	vshrl.u32 v13, $0x1;
	v31 =	vmul.f32 $5.000000000e-01, v13;
	v28 =	vmul.f32 v26, v28  }
0xda: {  	v49 =	vsub.f32 v19, v16;
	v50 =	vadd.f32 v16, v19;
	[tilespmem:s25+$0x132B0] =	vst v29;
	v52 =	vsub.s32 $0x5F3759DF, v30  }
0xdb: {  	v51 =	vadd.f32 v27, v25;
	[tilespmem:s13+$0x162D0] =	vst v23;
	v53 =	vmul.f32 v52, v31;
	v28 =	vmul.f32 v26, v28  }
0xdc: {  	v20 =	vsub.f32 $0.0e+00, v20;
	v54 =	vsub.f32 $0.0e+00, v21;
	[tilespmem:s25+$0x142B0] =	vst v49  }
0xdd: {  	v57 =	vsub.f32 v22, v17;
	[tilespmem:s25+$0x172B0] =	vst v50;
	v60 =	vmul.f32 v52, v53;
	v28 =	vsub.f32 $1.500000000e+00, v28  }
0xde: {  	v59 =	vadd.f32 v17, v22;
	v55 =	vshrl.u32 v51, $0x1;
	v56 =	vmul.f32 $5.000000000e-01, v51;
	[tilespmem:s25+$0x122C0] =	vst v20  }
0xdf: {  	v21 =	vsub.s32 $0x5F3759DF, v55;
	[tilespmem:s25+$0x132C0] =	vst v54;
	v27 =	vsub.f32 $1.500000000e+00, v60;
	v58 =	vmul.f32 v26, v28  }
0xe0: {  	v62 =	vsub.f32 $0.0e+00, v24;
	[tilespmem:s25+$0x142C0] =	vst v57;
	v61 =	vmul.f32 v21, v56  }
0xe1: {  	v63 =	vsub.f32 $0.0e+00, v23;
	[tilespmem:s25+$0x172C0] =	vst v59;
	v16 =	vmul.f32 v52, v27;
	v12 =	vmul.f32 v58, v12  }
0xe2: {  	v14 =	vsub.f32 v15, v14;
	[tilespmem:s13+$0x122D0] =	vst v62;
	v28 =	vmul.f32 v21, v61  }
0xe3: {  	[tilespmem:s13+$0x132D0] =	vst v63;
	v10 =	vmul.f32 v16, v10;
	v2 =	vmul.f32 v12, v2  }
0xe4: {  	[tilespmem:s13+$0x142D0] =	vst v14;
	v3 =	vmul.f32 v12, v3  }
0xe5: {  	v29 =	vmul.f32 v58, v18;
	v17 =	vsub.f32 $1.500000000e+00, v28;
	v1 =	vmul.f32 v10, v1;
	[tilespmem:s13+$0x152A0] =	vst v2  }
0xe6: {  	v9 =	vmul.f32 v12, v9;
	v30 =	vsub.f32 $0.0e+00, v2;
	[tilespmem:s13+$0x162A0] =	vst v3  }
0xe7: {  	v31 =	vmul.f32 v21, v17;
	v2 =	vmul.f32 v29, v0;
	v3 =	vsub.f32 $0.0e+00, v3;
	[tilespmem:s13+$0x152B0] =	vst v1  }
0xe8: {  	v1 =	vsub.f32 $0.0e+00, v1;
	[tilespmem:s13+$0x122A0] =	vst v30  }
0xe9: {  	v11 =	vmul.f32 v31, v11;
	v32 =	vsub.f32 v2, v9;
	[tilespmem:s13+$0x132A0] =	vst v3  }
0xea: {  	v3 =	vmul.f32 v10, v4;
	[tilespmem:s13+$0x122B0] =	vst v1  }
0xeb: {  	v34 =	vmul.f32 v16, v13;
	v33 =	vmul.f32 v11, v5;
	[tilespmem:s13+$0x142A0] =	vst v32  }
0xec: {  	v8 =	vmul.f32 v10, v8;
	v2 =	vadd.f32 v9, v2;
	[tilespmem:s13+$0x162B0] =	vst v3  }
0xed: {  	v6 =	vmul.f32 v11, v6;
	v5 =	vmul.f32 v34, v0;
	[tilespmem:s13+$0x152C0] =	vst v33  }
0xee: {  	[tilespmem:s13+$0x172A0] =	vst v2;
	v2 =	vsub.f32 $0.0e+00, v3  }
0xef: {  	[tilespmem:s13+$0x162C0] =	vst v6;
	v3 =	vmul.f32 v31, v51;
	v1 =	vsub.f32 v5, v8  }
0xf0: {  	[tilespmem:s13+$0x132B0] =	vst v2;
	v2 =	vadd.f32 v8, v5  }
0xf1: {  	v35 =	vmul.f32 v11, v7;
	v3 =	vmul.f32 v3, v0;
	[tilespmem:s13+$0x142B0] =	vst v1;
	v1 =	vsub.f32 $0.0e+00, v33  }
0xf2: {  	[tilespmem:s13+$0x172B0] =	vst v2;
	v2 =	vsub.f32 $0.0e+00, v6  }
0xf3: {  	[tilespmem:s13+$0x122C0] =	vst v1;
	v1 =	vsub.f32 v3, v35  }
0xf4: {  	[tilespmem:s13+$0x132C0] =	vst v2;
	v2 =	vadd.f32 v35, v3  }
0xf5: {  	[tilespmem:s13+$0x142C0] =	vst v1  }
0xf6: {  	[tilespmem:s13+$0x172C0] =	vst v2  }
0xf7: {  	v1 =	vld [tilespmem:$0xD220]  }
0xf8: {  	v2 =	vld [tilespmem:$0xE220]  }
0xf9: {  	v3 =	vld [tilespmem:$0x10220]  }
0xfa: {  	v36 =	vld [tilespmem:$0x11220]  }
0xfb: {  	v37 =	vld [tilespmem:$0xF220]  }
0xfc: {  	v38 =	vld [tilespmem:$0x12220]  }
0xfd: {  	v39 =	vld [tilespmem:$0xD230]  }
0xfe: {  	v40 =	vld [tilespmem:$0x10230]  }
0xff: {  	v43 =	vld [tilespmem:$0x11230]  }
0x100: {  	v44 =	vld [tilespmem:$0xF230];
	v1 =	vsub.f32 v3, v1;
	v2 =	vsub.f32 v36, v2  }
0x101: {  	v3 =	vld [tilespmem:$0xE230]  }
0x102: {  	v46 =	vld [tilespmem:$0x12230];
	v5 =	vsub.f32 v38, v37;
	v41 =	vmul.f32 v1, v1;
	v42 =	vmul.f32 v2, v2;
	_ =	sdelay $0x1  }
0x103: {  	v45 =	vmul.f32 v5, v5;
	v6 =	vadd.f32 v42, v41  }
0x104: {  	v4 =	vsub.f32 v40, v39  }
0x105: {  	v3 =	vsub.f32 v43, v3;
	v6 =	vadd.f32 v45, v6  }
0x106: {  	v48 =	vsub.f32 v46, v44;
	v49 =	vmul.f32 v4, v4  }
0x107: {  	v50 =	vmul.f32 v3, v3;
	v47 =	vshrl.u32 v6, $0x1;
	v8 =	vmul.f32 $5.000000000e-01, v6  }
0x108: {  	v7 =	vsub.s32 $0x5F3759DF, v47  }
0x109: {  	v51 =	vmul.f32 v48, v48;
	v10 =	vadd.f32 v50, v49;
	v8 =	vmul.f32 v7, v8;
	_ =	sdelay $0x1  }
0x10a: {  	v10 =	vadd.f32 v51, v10;
	v8 =	vmul.f32 v7, v8  }
0x10b: {  	v52 =	vld [tilespmem:$0xC220]  }
0x10c: {  	v53 =	vshrl.u32 v10, $0x1;
	v54 =	vmul.f32 $5.000000000e-01, v10;
	v8 =	vsub.f32 $1.500000000e+00, v8  }
0x10d: {  	v12 =	vsub.s32 $0x5F3759DF, v53  }
0x10e: {  	v55 =	vmul.f32 v12, v54;
	v7 =	vmul.f32 v7, v8;
	_ =	sdelay $0x1  }
0x10f: {  	v8 =	vmul.f32 v12, v55;
	v11 =	vmul.f32 v7, v52  }
0x110: {  	v56 =	vld [tilespmem:$0xC230]  }
0x111: {  	v6 =	vmul.f32 v7, v6;
	v57 =	vsub.f32 $1.500000000e+00, v8;
	v1 =	vmul.f32 v11, v1  }
0x112: {  	v2 =	vmul.f32 v11, v2;
	v5 =	vmul.f32 v11, v5  }
0x113: {  	v6 =	vmul.f32 v6, v0;
	v7 =	vmul.f32 v12, v57;
	v58 =	vsub.f32 $0.0e+00, v1;
	[tilespmem:$0x16220] =	vst v1  }
0x114: {  	v59 =	vsub.f32 $0.0e+00, v2;
	[tilespmem:$0x17220] =	vst v2  }
0x115: {  	v60 =	vsub.f32 v6, v5;
	v12 =	vmul.f32 v7, v56;
	[tilespmem:$0x13220] =	vst v58  }
0x116: {  	v1 =	vadd.f32 v5, v6;
	[tilespmem:$0x14220] =	vst v59  }
0x117: {  	v7 =	vmul.f32 v7, v10;
	[tilespmem:$0x15220] =	vst v60;
	v4 =	vmul.f32 v12, v4  }
0x118: {  	[tilespmem:$0x18220] =	vst v1;
	v3 =	vmul.f32 v12, v3  }
0x119: {  	v2 =	vmul.f32 v12, v48;
	v61 =	vmul.f32 v7, v0;
	v62 =	vsub.f32 $0.0e+00, v4;
	[tilespmem:$0x16230] =	vst v4  }
0x11a: {  	v1 =	vsub.f32 $0.0e+00, v3;
	[tilespmem:$0x17230] =	vst v3  }
0x11b: {  	v63 =	vsub.f32 v61, v2;
	[tilespmem:$0x13230] =	vst v62  }
0x11c: {  	[tilespmem:$0x14230] =	vst v1;
	v1 =	vadd.f32 v2, v61  }
0x11d: {  	[tilespmem:$0x15230] =	vst v63  }
0x11e: {  	[tilespmem:$0x18230] =	vst v1  }
0x11f: {  	[spmem:s5] =	stream.indirect.scatter.add.f32 [tilespmem:s17], [sflag:$0x3], $0x1, s26, s31, $0xb8;
	[tilespmem:$0x19BA0] =	vst v63  }
0x120: {  	_ = 	snop  }
0x121: {  	[spmem:s6] =	stream.indirect.scatter.add.f32 [tilespmem:s18], [sflag:$0x3], $0x1, s26, s31, $0xb8;
	[tilespmem:$0x19BA0] =	vst v63  }
0x122: {  	_ = 	snop  }
0x123: {  	[spmem:s7] =	stream.indirect.scatter.add.f32 [tilespmem:s19], [sflag:$0x3], $0x1, s26, s31, $0xb8;
	[tilespmem:$0x19BA0] =	vst v63  }
0x124: {  	_ = 	snop  }
0x125: {  	[spmem:s5] =	stream.indirect.scatter.add.f32 [tilespmem:s20], [sflag:$0x3], $0x1, s28, s31, $0xb8;
	[tilespmem:$0x19BA0] =	vst v63  }
0x126: {  	_ = 	snop  }
0x127: {  	[spmem:s6] =	stream.indirect.scatter.add.f32 [tilespmem:s21], [sflag:$0x3], $0x1, s28, s31, $0xb8;
	[tilespmem:$0x19BA0] =	vst v63  }
0x128: {  	_ = 	snop  }
0x129: {  	[spmem:s7] =	stream.indirect.scatter.add.f32 [tilespmem:s22], [sflag:$0x3], $0x1, s28, s31, $0xb8;
	[tilespmem:$0x19BA0] =	vst v63  }
0x12a: {  	_ =	swait.ge [sflag:s23], $0xFA0  }
0x12b: {  	[sflag:s23] =	ssyncset.done $0x0  }
0x12c: {  	[sflag:s23] =	ssyncadd.s32 $0xFFFFF060  }
0x12d: {  	_ =	swait.ge [sflag:s23], $0xFA0  }
0x12e: {  	[sflag:s23] =	ssyncset.done $0x0  }
0x12f: {  	[sflag:s23] =	ssyncadd.s32 $0xFFFFF060  }
0x130: {  	_ =	swait.ge [sflag:s23], $0xFA0  }
0x131: {  	[sflag:s23] =	ssyncset.done $0x0  }
0x132: {  	[sflag:s23] =	ssyncadd.s32 $0xFFFFF060  }
0x133: {  	_ =	swait.ge [sflag:s23], $0xFA0  }
0x134: {  	[sflag:s23] =	ssyncset.done $0x0  }
0x135: {  	s8 =	sadd.s32 $0x1, s8;
	[sflag:s23] =	ssyncadd.s32 $0xFFFFF060  }
0x136: {  	p1 =	sne.s32 s8, $0x32;
	_ =	swait.ge [sflag:s23], $0xFA0  }
.Ltmp1:
0x137: {  	[sflag:s23] =	ssyncset.done $0x0;
	(pc) =	sbr.rel @p1 .LBB2_2-.Ltmp1, $4  }
0x138: {  	[sflag:s23] =	ssyncadd.s32 $0xFFFFF060  }
0x139: {  	_ =	swait.ge [sflag:s23], $0xFA0  }
0x13a: {  	[sflag:s23] =	ssyncset.done $0x0  }
0x13b: {  	[sflag:s23] =	ssyncadd.s32 $0xFFFFF060  }
0x13c: {  	[bflag:$0x0] =	sbarrier.arrive $0xFFFF  }
0x13d: {  	s2 =	simm.s32 $0x18320;
	s29 =	simm.s32 $0x4;
	s0 =	rddreg [dreg:$0xf]  }
0x13e: {  	[tilespmem:s2], [sflag:$0x4] =	stream.linear.gather [spmem:s0], $0x1870, $0x38;
	[tilespmem:$0x19BA0] =	vst v63  }
0x13f: {  	_ =	swait.ge [sflag:s29], $0x1870  }
0x140: {  	[sflag:s29] =	ssyncset.done $0x0  }
0x141: {  	s25 =	simm.s32 $0x0;
	s13 =	rddreg [dreg:$0x10];
	[sflag:s29] =	ssyncadd.s32 $0xFFFFE790  }
0x142: {  	[hbm4b:s13+s25] =	stream.linear.scatter [tilespmem:s2], [sflag:$0x4], $0x1870, $0x38;
	[tilespmem:$0x19BA0] =	vst v63  }
0x143: {  	_ =	swait.ge [sflag:s29], $0x1870  }
0x144: {  	[sflag:s29] =	ssyncset.done $0x0  }
0x145: {  	s8 =	rddreg [dreg:$0x11];
	[sflag:s29] =	ssyncadd.s32 $0xFFFFE790  }
0x146: {  	[tilespmem:s2], [sflag:$0x4] =	stream.linear.gather [spmem:s8], $0x1870, $0x38;
	[tilespmem:$0x19BA0] =	vst v63  }
0x147: {  	_ =	swait.ge [sflag:s29], $0x1870  }
0x148: {  	[sflag:s29] =	ssyncset.done $0x0  }
0x149: {  	s13 =	rddreg [dreg:$0x12];
	[sflag:s29] =	ssyncadd.s32 $0xFFFFE790  }
0x14a: {  	[hbm4b:s13+s25] =	stream.linear.scatter [tilespmem:s2], [sflag:$0x4], $0x1870, $0x38;
	[tilespmem:$0x19BA0] =	vst v63  }
0x14b: {  	_ =	swait.ge [sflag:s29], $0x1870  }
0x14c: {  	[sflag:s29] =	ssyncset.done $0x0  }
0x14d: {  	s8 =	rddreg [dreg:$0x13];
	[sflag:s29] =	ssyncadd.s32 $0xFFFFE790  }
0x14e: {  	[tilespmem:s2], [sflag:$0x4] =	stream.linear.gather [spmem:s8], $0x1870, $0x38;
	[tilespmem:$0x19BA0] =	vst v63  }
0x14f: {  	_ =	swait.ge [sflag:s29], $0x1870  }
0x150: {  	[sflag:s29] =	ssyncset.done $0x0  }
0x151: {  	s13 =	rddreg [dreg:$0x14];
	[sflag:s29] =	ssyncadd.s32 $0xFFFFE790  }
0x152: {  	[hbm4b:s13+s25] =	stream.linear.scatter [tilespmem:s2], [sflag:$0x4], $0x1870, $0x38;
	[tilespmem:$0x19BA0] =	vst v63  }
0x153: {  	_ =	swait.ge [sflag:s29], $0x1870  }
0x154: {  	s8 =	rddreg [dreg:$0x17]  }
0x155: {  	s13 =	rddreg [dreg:$0x15];
	s2 =	sadd.s32 $0x1, s8  }
0x156: {  	p1 =	sne.s32 s2, s13  }
.Ltmp2:
0x157: {  	_ = 	snop;
	(pc) =	sbr.rel @p1 .LBB2_1-.Ltmp2, $3  }
0x158: {  	_ =	sdelay $0x1  }
0x159: {  	[sflag:s29] =	ssyncset.done $0x0  }
0x15a: {  	[sflag:s29] =	ssyncadd.s32 $0xFFFFE790  }
0x15b: {  	_ =	sfence.sel $0x180000  }
0x15c: {  	[bflag:$0x0] =	sbarrier.arrive $0xFFFF  }
0x15d: {  	_ =	strace $0x9000004A  }
0x15e: {  	[bflag:$0x2] =	sbarrier.arrive $0xFFFF  }
0x15f: {  	s0 =	rddreg [dreg:$0x9]  }
0x160: {  	s0 =	sadd.s32 @!p0 $0x100000, s0  }
0x161: {  	[sflag:s0] =	ssyncadd.tile.s32 @!p0 $0x1;
	_ =	shalt  }
.Lfunc_end2:
_tile_overlayer_lowered:
.L_overlay_start_2:
0x162: {  	(tag) =	ssettag $0x2  }
0x163: {  	s0 =	rddreg [dreg:$0x0];
	s2 =	stileid.u32  }
0x164: {  	s1 =	rddreg [dreg:$0x1];
	p0 =	sne.s32 s2, $0x0  }
0x165: {  	s3 =	rddreg [dreg:$0x2];
	[bflag:$0x3] =	sbarrier.arrive $0xFFFF;
	s2 =	simm.s32 @!p0 $0x1C04  }
0x166: {  	[timem:s3], [sflag:s2] =	dma.local @!p0 [hbm:s0], s1  }
0x167: {  	s0 =	simm.s32 @!p0 $0x4  }
0x168: {  	_ =	swait.ge @!p0 [sflag:s0], s1  }
0x169: {  	s1 =	ssub.s32 @!p0 $0x0, s1;
	[sflag:s0] =	ssyncset.done @!p0 $0x0  }
0x16a: {  	[sflag:s0] =	ssyncadd.s32 @!p0 s1  }
0x16b: {  	[bflag:$0x3] =	sbarrier.arrive $0xFFFF  }
0x16c: {  	_ =	shalt  }

// kernel: sparse-core-data-format-call.cloned.1.call-start
scs
called_computation_lowered:
.L_overlay_start_0:
0x0: {  	s2 =	sld [smem:$0x3FD9]  }
0x1: {  	s3 =	sld [smem:$0x3FFE];
	_ =	sdelay $0x1  }
0x2: {  	s1 =	srdreg.scid  }
0x3: {  	s0 =	sand.u32 $0x1, s1  }
0x4: {  	s18 =	sshll.u32 s0, $0xA;
	s2 =	sadd.s32 s3, s2  }
0x5: {  	s2 =	sadd.s32 s2, s18  }
0x6: {  	[smem:$0x3FC3] =	sst s2  }
0x7: {  	_ = 	snop  }
0x8: {  	s2 =	sld [smem:$0x3FC8];
	(tm) =	ssettm $0x1  }
0x9: {  	s19 =	sld [smem:$0x3FFB];
	_ =	sdelay $0x3  }
0xa: {  	_ =	strace s19  }
0xb: {  	s3 =	sld [smem:$0x3FFC];
	_ =	sdelay $0x3  }
0xc: {  	_ =	strace s3  }
0xd: {  	s3 =	sld [smem:$0x3FFD];
	_ =	sdelay $0x3  }
0xe: {  	_ =	strace s3  }
0xf: {  	_ =	strace $0x8FFFFFFF  }
0x10: {  	s20 =	sld [smem:$0x3FDB];
	_ =	sdelay $0x1  }
0x11: {  	s4 =	simm.s32 $_scs_section_size  }
0x12: {  	s5 =	simm.s32 $_size__tile_overlayer_lowered;
	s6 =	simm.s32 $_tile_overlayer_lowered  }
0x13: {  	s23 =	simm.s32 $0x1BFF;
	s22 =	sshll.u32 s6, $0x1;
	s3 =	sadd.s32 s4, s20  }
0x14: {  	s7 =	simm.s32 $0x0;
	s21 =	sshll.u32 s5, $0x1;
	s5 =	sadd.s32 s22, s3  }
0x15: {  	[timem:s7], [sflag:s23] =	dma.local [hbm:s5], s21  }
0x16: {  	_ =	swait.ge [sflag:s23], s21  }
0x17: {  	s4 =	ssub.s32 $0x0, s21;
	[sflag:s23] =	ssyncset.done $0x0  }
0x18: {  	[sflag:s23] =	ssyncadd.s32 s4;
	_ =	sdelay $0x1  }
0x19: {  	s24 =	simm.s32 $0x1B8B  }
0x1a: {  	_ =	swait.ge [sflag:s24], $0x1  }
0x1b: {  	[sflag:s24] =	ssyncset.done $0x0  }
0x1c: {  	s26 =	simm.s32 $0x1B8E;
	s25 =	sld [smem:$0x3FFE];
	[sflag:s24] =	ssyncadd.s32 $0xFFFFFFFF  }
0x1d: {  	s27 =	simm.s32 $execute0_lowered;
	[smem:$0x3FD2] =	sst s26  }
0x1e: {  	s5 =	sshll.u32 s27, $0x1;
	_ =	strace $0x80000046;
	[dreg:$0x1] =	wrdreg $0xFFFFFFFF  }
0x1f: {  	s28 =	simm.s32 $_size_execute0_lowered;
	s3 =	sadd.s32 s3, s5;
	[dreg:$0x0] =	wrdreg $0x0  }
0x20: {  	s5 =	sshll.u32 s28, $0x1;
	[dreg:$0x2] =	wrdreg s3  }
0x21: {  	[dreg:$0x3] =	wrdreg s5  }
0x22: {  	[dreg:$0x4] =	wrdreg $0xC0  }
0x23: {  	_ =	task [dreg:s7], $0x5FFFF  }
0x24: {  	[dreg:$0x1] =	wrdreg $0xFFFFFFFF  }
0x25: {  	[dreg:$0x0] =	wrdreg $0x60  }
0x26: {  	[dreg:$0x2] =	wrdreg s2  }
0x27: {  	[dreg:$0x3] =	wrdreg s25  }
0x28: {  	[dreg:$0x4] =	wrdreg $0x9  }
0x29: {  	_ =	task.clear_ibuf [dreg:s7], $0x5FFFF;
	_ =	strace $0x90000046  }
0x2a: {  	s29 =	simm.s32 $0x9;
	_ =	strace $0x80000048  }
0x2b: {  	_ =	swait.ge [sflag:s29], $0x1  }
0x2c: {  	[sflag:s29] =	ssyncadd.s32 $0xFFFFFFFF  }
0x2d: {  	_ =	strace $0x90000048  }
0x2e: {  	_ =	sfence  }
0x2f: {  	s30 =	sld [smem:$0x0];
	_ =	sdelay $0x2  }
0x30: {  	s31 =	sshll.u32 s1, $0xD;
	s1 =	sshrl.u32 s1, $0x2  }
0x31: {  	s3 =	sand.u32 $0x4000, s31;
	s1 =	sadd.s32 s1, s30  }
0x32: {  	s0 =	sor.u32 s3, s0;
	s1 =	sshll.u32 s1, $0x11  }
0x33: {  	s0 =	sor.u32 s1, s0  }
0x34: {  	s0 =	sadd.s32 $0x8F2B, s0  }
0x35: {  	[sflag:s0] =	ssyncadd.remote.s32 $0x1  }
0x36: {  	_ =	sfence.sel $0xFFFF  }
0x37: {  	[dreg:$0x0] =	wrdreg $0xFFFFFFFF;
	(pc) =	sbr.abs _section_cstart, $3  }
0x38: {  	[dreg:$0x1] =	wrdreg $0xFFFFFFFF  }
0x39: {  	_ =	task.clear_ibuf [dreg:s7], $0x2FFFF;
	_ =	strace $0x9FFFFFFF  }
0x3a: {  	(tm) =	ssettm $0x7FFFFFFF  }
0x3b: {  	_ =	shalt  }
tec
execute0_lowered:
.L_overlay_start_1:
0x0: {  	(tag) =	ssettag $0x1  }
0x1: {  	s0 =	stileid.u32;
	s7 =	rddreg [dreg:$0x0]  }
0x2: {  	s1 =	srdreg.scid;
	s4 =	rddreg [dreg:$0x1]  }
0x3: {  	s30 =	simm.s32 $0x2;
	s10 =	simm.s32 $0x0;
	s14 =	simm.s32 $0x0  }
0x4: {  	s15 =	simm.s32 $0x0;
	s11 =	simm.s32 $0x0;
	s13 =	simm.s32 $0x0  }
0x5: {  	s2 =	sand.u32 $0x1, s1;
	s3 =	sshll.u32 s0, $0x7;
	s1 =	rddreg [dreg:$0x2]  }
0x6: {  	_ =	strace $0x80000047;
	s5 =	ssub.s32 $0xC300, s3;
	s6 =	ssub.s32 $0x2, s2  }
.Ltmp0:
0x7: {  	s5 =	sshrl.u32 s5, $0xB;
	s8 =	sshrl.u32 s6, $0x1;
	(pc) =	sbr.rel .LBB1_1-.Ltmp0, $4  }
0x8: {  	s4 =	sadd.s32 $0x200, s4;
	s9 =	sadd.s32 $0x1, s5;
	s6 =	ssub.s32 s6, s8  }
0x9: {  	s31 =	sshll.u32 s2, $0x4;
	s5 =	simm.s32 $0x1;
	s6 =	smul.u32 s9, s6  }
0xa: {  	s12 =	smov.u32 s3;
	s7 =	sadd.s32 s7, s31;
	[sflag:s5] =	ssyncpa.u1 $0x0  }
0xb: {  	s9 =	simm.s32 $0x0;
	[sflag:s30] =	ssyncpa.u1 $0x0;
	s8 =	sadd.s32 $0x1, s6  }
.LBB1_4:
0xc: {  	s21 =	simm.s32 $0x0  }
.LBB1_8:
0xd: {  	_ =	sdelay $0x3  }
0xe: {  	v6 =	vld [tilespmem:s18+$0xFFFFFFC0];
	[tilespmem:v0+s20+$0x30 ss:$0x1] =	vst.idx.msk @p0 $0xffff, v2  }
0xf: {  	v58 =	vld [tilespmem:s18+$0xFFFFFFD0];
	[tilespmem:v0+s20+$0x40 ss:$0x1] =	vst.idx.msk @p0 $0xffff, v3;
	s21 =	sadd.s32 @p0 $0x80, s21  }
0x10: {  	v59 =	vld [tilespmem:s18+$0xFFFFFFE0];
	[tilespmem:v0+s20+$0x50 ss:$0x1] =	vst.idx.msk @p0 $0xffff, v5;
	s19 =	smov.u32 @p0 s21  }
0x11: {  	v60 =	vld [tilespmem:s18+$0xFFFFFFF0];
	[tilespmem:v0+s20+$0x60 ss:$0x1] =	vst.idx.msk @p0 $0xffff, v4;
	s19 =	sand.u32 $0x3F80, s19  }
0x12: {  	v61 =	vld [tilespmem:s18+$0x0];
	[tilespmem:v0+s19+$0x70 ss:$0x1] =	vst.idx.msk $0xffff, v1  }
0x13: {  	v62 =	vld [tilespmem:s18+$0x10];
	[tilespmem:v0+s19+$0x0 ss:$0x1] =	vst.idx.msk $0xffff, v6  }
0x14: {  	v63 =	vld [tilespmem:s18+$0x20];
	[tilespmem:v0+s19+$0x10 ss:$0x1] =	vst.idx.msk $0xffff, v58  }
0x15: {  	[tilespmem:v0+s19+$0x20 ss:$0x1] =	vst.idx.msk $0xffff, v59  }
0x16: {  	[tilespmem:v0+s19+$0x30 ss:$0x1] =	vst.idx.msk $0xffff, v60  }
0x17: {  	[tilespmem:v0+s19+$0x40 ss:$0x1] =	vst.idx.msk $0xffff, v61  }
0x18: {  	[tilespmem:v0+s19+$0x50 ss:$0x1] =	vst.idx.msk $0xffff, v62  }
0x19: {  	[tilespmem:v0+s19+$0x60 ss:$0x1] =	vst.idx.msk $0xffff, v63  }
.LBB1_9:
0x1a: {  	s18 =	sand.u32 $0x1FFFFFF, s11  }
0x1b: {  	s19 =	smulhi.u32 $0x14F8B59, s18;
	_ =	sdelay $0x1  }
0x1c: {  	s19 =	sshrl.u32 s19, $0x8  }
0x1d: {  	s19 =	smul.u32 $0xC350, s19  }
0x1e: {  	s15 =	smul.u32 $0xC3500, s15  }
0x1f: {  	s18 =	ssub.s32 s18, s19  }
0x20: {  	s15 =	sadd.s32 s4, s15;
	s18 =	sshll.u32 s18, $0x4  }
0x21: {  	s15 =	sadd.s32 s18, s15  }
0x22: {  	[hbm4b:s15+s9] =	stream.linear.scatter [tilespmem:s17], [sflag:$0x2], s16, $0x38;
	[tilespmem:$0x10000] =	vst v63  }
.LBB1_10:
0x23: {  	p0 =	slt.u32 s13, $0x2  }
0x24: {  	p1 =	sgt.s32 @!p0 s14, $0xC2D0  }
0x25: {  	s15 =	smov.u32 s14;
	s16 =	sshra.s32 @!p0 s14, $0x1F;
	p1 =	por !p1, p0  }
0x26: {  	s14 =	sand.u32 @!p0 s16, s14;
	s15 =	simm.s32 @p1 $0xC2D0  }
0x27: {  	s14 =	ssub.s32 @!p0 s15, s14  }
0x28: {  	s14 =	sadd.s32 @!p0 $0xFFFF3D30, s14  }
0x29: {  	s15 =	sshll.u32 @!p0 s14, $0x7  }
0x2a: {  	p1 =	sgt.s32 @!p0 s14, $0x7F;
	s14 =	ssub.s32 @!p0 $0x4000, s15  }
0x2b: {  	s16 =	sadd.s32 $0x800, s12;
	p1 =	por !p1, p0;
	s14 =	sand.u32 @!p0 $0x3FFFFF80, s14  }
0x2c: {  	s14 =	simm.s32 @!p1 $0x0;
	p1 =	sgt.s32 s16, $0xC34F  }
0x2d: {  	s16 =	smov.u32 @p1 s3;
	p1 =	sne.s32 s13, s8  }
.Ltmp1:
0x2e: {  	_ = 	snop;
	(pc) =	sbr.rel @!p1 .LBB1_11-.Ltmp1, $4  }
0x2f: {  	s10 =	sadd.s32 $0x4000, s10;
	s15 =	simm.s32 @!p0 $0x2  }
0x30: {  	_ =	swait.ge @!p0 [sflag:s15], s14;
	s17 =	ssub.s32 @!p0 $0x0, s14;
	s14 =	smov.u32 s11  }
0x31: {  	s13 =	sadd.s32 $0x1, s13;
	s11 =	smov.u32 s12;
	[sflag:s15] =	ssyncset.done @!p0 $0x0  }
0x32: {  	s12 =	smov.u32 s16;
	[sflag:s15] =	ssyncadd.s32 @!p0 s17;
	s15 =	smov.u32 s2  }
.LBB1_1:
0x33: {  	p0 =	sge.u32 s13, s6  }
0x34: {  	p1 =	sgt.s32 @!p0 s12, $0xC2D0  }
0x35: {  	s16 =	smov.u32 s12;
	s17 =	sshra.s32 @!p0 s12, $0x1F;
	p1 =	por !p1, p0  }
0x36: {  	s17 =	sand.u32 @!p0 s17, s12;
	s16 =	simm.s32 @p1 $0xC2D0  }
0x37: {  	s16 =	ssub.s32 @!p0 s16, s17  }
0x38: {  	s31 =	sadd.s32 $0xFFFFFFFF, s13;
	s18 =	sxor.u32 @!p0 $0xFFFFFFFF, s13;
	s16 =	sadd.s32 @!p0 $0xFFFF3D30, s16  }
0x39: {  	s19 =	simm.s32 @!p0 $0x80;
	s20 =	simm.s32 @!p0 $0x100;
	s17 =	sshll.u32 @!p0 s16, $0x7  }
0x3a: {  	p1 =	sgt.s32 @!p0 s16, $0x7F;
	s16 =	ssub.s32 @!p0 $0x4000, s17;
	s17 =	sshll.u32 @!p0 s18, $0xE  }
0x3b: {  	p1 =	por !p1, p0;
	s18 =	sshll.u32 @!p0 s12, $0x5;
	s16 =	sand.u32 @!p0 $0x3FFFFF80, s16  }
0x3c: {  	s17 =	sand.u32 @!p0 $0x4000, s17;
	s18 =	sadd.s32 @!p0 s18, s7;
	s16 =	simm.s32 @!p1 $0x0  }
0x3d: {  	[tilespmem:s17], [sflag:$0x1] =	stream.strided.gather @!p0 [hbm4b:s18+s19], s16, s20, s19, $0x38;
	[tilespmem:$0x10000] =	vst v63  }
0x3e: {  	p0 =	sge.u32 s31, s6  }
.Ltmp2:
0x3f: {  	_ = 	snop;
	(pc) =	sbr.rel @p0 .LBB1_10-.Ltmp2, $1  }
0x40: {  	_ =	sdelay $0x3  }
0x41: {  	p0 =	sgt.s32 s11, $0xC2D0;
	s16 =	smov.u32 s11;
	s17 =	sshra.s32 s11, $0x1F  }
0x42: {  	s16 =	simm.s32 @!p0 $0xC2D0;
	s17 =	sand.u32 s17, s11  }
0x43: {  	s16 =	ssub.s32 s16, s17  }
0x44: {  	s16 =	sadd.s32 $0xFFFF3D30, s16  }
0x45: {  	s30 =	sshll.u32 s16, $0x7  }
0x46: {  	s17 =	ssub.s32 $0x4000, s30  }
0x47: {  	p0 =	sgt.s32 s16, $0x7F;
	s16 =	sand.u32 $0x3FFFFF80, s17;
	s17 =	sadd.s32 $0x80, s11  }
0x48: {  	s16 =	simm.s32 @p0 $0x0;
	p0 =	slt.s32 s17, $0xC350  }
0x49: {  	s17 =	simm.s32 @!p0 $0xC350  }
0x4a: {  	s20 =	ssub.s32 s17, s11  }
0x4b: {  	p0 =	slt.s32 s20, $0x1  }
.Ltmp3:
0x4c: {  	_ = 	snop;
	(pc) =	sbr.rel @p0 .LBB1_9-.Ltmp3, $4  }
0x4d: {  	_ = 	snop  }
0x4e: {  	s19 =	sshll.u32 s13, $0xE;
	_ =	swait.ge [sflag:s5], s16  }
0x4f: {  	s31 =	sand.u32 $0x4000, s19;
	s18 =	ssub.s32 $0x0, s16;
	[sflag:s5] =	ssyncset.done $0x0  }
0x50: {  	s17 =	sor.u32 $0x8000, s31;
	[sflag:s5] =	ssyncadd.s32 s18  }
0x51: {  	p1 =	sne.s32 s20, $0x1  }
.Ltmp4:
0x52: {  	v0 =	vmov s17;
	(pc) =	sbr.rel @!p1 .LBB1_4-.Ltmp4, $4  }
0x53: {  	_ = 	snop  }
0x54: {  	s18 =	sand.u32 $0x4000, s10  }
0x55: {  	s18 =	sor.u32 $0x40, s18  }
0x56: {  	s19 =	simm.s32 $0x0;
	s21 =	sadd.s32 $0xFFFFFFFF, s20;
	p0 =	por $0x0, $0x0;
	v1 =	vld [tilespmem:s18+$0x30]  }
0x57: {  	v4 =	vld [tilespmem:s18+$0xFFFFFFC0]  }
0x58: {  	v6 =	vld [tilespmem:s18+$0xFFFFFFD0]  }
0x59: {  	v7 =	vld [tilespmem:s18+$0xFFFFFFE0];
	p1 =	sne.s32 s21, $0x1  }
.Ltmp5:
0x5a: {  	v2 =	vld [tilespmem:s18+$0xFFFFFFF0];
	s20 =	sand.u32 $0x3F80, s19;
	(pc) =	sbr.rel @!p1 .LBB1_6-.Ltmp5, $4  }
0x5b: {  	v3 =	vld [tilespmem:s18+$0x0];
	[tilespmem:v0+s20+$0x70 ss:$0x1] =	vst.idx.msk $0xffff, v1  }
0x5c: {  	v5 =	vld [tilespmem:s18+$0x10];
	[tilespmem:v0+s20+$0x0 ss:$0x1] =	vst.idx.msk $0xffff, v4  }
0x5d: {  	v4 =	vld [tilespmem:s18+$0x20];
	[tilespmem:v0+s20+$0x10 ss:$0x1] =	vst.idx.msk $0xffff, v6;
	s18 =	sadd.s32 $0x80, s18  }
0x5e: {  	s22 =	sadd.s32 $0xFFFFFFFF, s21;
	p0 =	por $0x1, $0x1;
	s21 =	simm.s32 $0x0;
	[tilespmem:v0+s20+$0x20 ss:$0x1] =	vst.idx.msk $0xffff, v7;
	v1 =	vld [tilespmem:s18+$0x30]  }
.LBB1_7:
0x5f: {  	p1 =	sne.s32 s22, $0x1;
	v6 =	vld [tilespmem:s18+$0xFFFFFFC0];
	[tilespmem:v0+s20+$0x30 ss:$0x1] =	vst.idx.msk $0xffff, v2  }
0x60: {  	v7 =	vld [tilespmem:s18+$0xFFFFFFD0];
	[tilespmem:v0+s20+$0x40 ss:$0x1] =	vst.idx.msk $0xffff, v3  }
0x61: {  	s21 =	sadd.s32 $0x80, s21;
	v8 =	vld [tilespmem:s18+$0xFFFFFFE0];
	[tilespmem:v0+s20+$0x50 ss:$0x1] =	vst.idx.msk $0xffff, v5  }
.Ltmp6:
0x62: {  	v2 =	vld [tilespmem:s18+$0xFFFFFFF0];
	[tilespmem:v0+s20+$0x60 ss:$0x1] =	vst.idx.msk $0xffff, v4;
	s20 =	sand.u32 $0x3F80, s21;
	(pc) =	sbr.rel @p1 .LBB1_7-.Ltmp6, $4  }
0x63: {  	v3 =	vld [tilespmem:s18+$0x0];
	[tilespmem:v0+s20+$0x70 ss:$0x1] =	vst.idx.msk $0xffff, v1  }
0x64: {  	[tilespmem:v0+s20+$0x0 ss:$0x1] =	vst.idx.msk $0xffff, v6;
	v5 =	vld [tilespmem:s18+$0x10]  }
0x65: {  	[tilespmem:v0+s20+$0x10 ss:$0x1] =	vst.idx.msk $0xffff, v7;
	v4 =	vld [tilespmem:s18+$0x20];
	s18 =	sadd.s32 $0x80, s18  }
0x66: {  	s22 =	sadd.s32 $0xFFFFFFFF, s22;
	v1 =	vld [tilespmem:s18+$0x30];
	[tilespmem:v0+s20+$0x20 ss:$0x1] =	vst.idx.msk $0xffff, v8  }
.Ltmp7:
0x67: {  	_ = 	snop;
	(pc) =	sbr.rel .LBB1_8-.Ltmp7, $1  }
0x68: {  	_ =	sdelay $0x3  }
.LBB1_6:
.Ltmp8:
0x69: {  	(pc) =	sbr.rel .LBB1_8-.Ltmp8, $2  }
0x6a: {  	_ =	sdelay $0x2  }
0x6b: {  	s21 =	simm.s32 $0x0  }
.LBB1_11:
0x6c: {  	_ =	sfence.sel $0x180000  }
0x6d: {  	s2 =	simm.s32 $0x1;
	[bflag:$0x0] =	sbarrier.arrive $0xFFFF  }
0x6e: {  	s31 =	simm.s32 $0x2;
	[sflag:s2] =	ssyncpa.u1 $0x1  }
0x6f: {  	[sflag:s31] =	ssyncpa.u1 $0x1  }
0x70: {  	p0 =	sne.s32 s0, $0x0;
	_ =	strace $0x90000047  }
0x71: {  	s0 =	sadd.s32 @!p0 $0x100000, s1;
	[bflag:$0x2] =	sbarrier.arrive $0xFFFF  }
0x72: {  	[sflag:s0] =	ssyncadd.tile.s32 @!p0 $0x1;
	_ =	shalt  }
.Lfunc_end1:
_tile_overlayer_lowered:
.L_overlay_start_2:
0x73: {  	(tag) =	ssettag $0x2  }
0x74: {  	s0 =	rddreg [dreg:$0x0];
	s2 =	stileid.u32  }
0x75: {  	s1 =	rddreg [dreg:$0x1];
	p0 =	sne.s32 s2, $0x0  }
0x76: {  	s3 =	rddreg [dreg:$0x2];
	[bflag:$0x3] =	sbarrier.arrive $0xFFFF;
	s2 =	simm.s32 @!p0 $0x1C01  }
0x77: {  	[timem:s3], [sflag:s2] =	dma.local @!p0 [hbm:s0], s1  }
0x78: {  	s0 =	simm.s32 @!p0 $0x1  }
0x79: {  	_ =	swait.ge @!p0 [sflag:s0], s1  }
0x7a: {  	s1 =	ssub.s32 @!p0 $0x0, s1;
	[sflag:s0] =	ssyncset.done @!p0 $0x0  }
0x7b: {  	[sflag:s0] =	ssyncadd.s32 @!p0 s1  }
0x7c: {  	[bflag:$0x3] =	sbarrier.arrive $0xFFFF  }
0x7d: {  	_ =	shalt  }

</sc_bundles>
